<compile_context>
chip_gen: v7x
topology: tpu7x:2x2x1
jax: 0.10.2.dev20260603
libtpu: 0.0.44.dev20260713+nightly
codegen_flags: <defaults>
</compile_context>

<pallas_src>
import jax
import jax.numpy as jnp
from jax import lax
from jax.experimental import pallas as pl
from jax.experimental.pallas import tpu as pltpu, tpu_sc as plsc

N_STATES = 200000
B = 16384
N_NODE = 9
N_TYPE = 8
N_EDGE = 36
PER = 1 + N_NODE * N_TYPE + N_EDGE + 1
NODE_W = N_NODE * N_TYPE
NC, NS = 2, 16
NW = NC * NS
NB = B // NW
CH = 256
RW = 128
TROWS = N_STATES * PER // RW
GCH = 128

_mesh = plsc.VectorSubcoreMesh(core_axis_name="c", subcore_axis_name="s")


def _masked(v, m):
    return v * m + 1000.0 * (m - 1.0)


@pl.kernel(
    out_type=(
        jax.ShapeDtypeStruct((B,), jnp.float32),
        jax.ShapeDtypeStruct((B * NODE_W,), jnp.float32),
        jax.ShapeDtypeStruct((B * N_EDGE,), jnp.float32),
        jax.ShapeDtypeStruct((B,), jnp.float32),
    ),
    mesh=_mesh,
    compiler_params=pltpu.CompilerParams(needs_layout_passes=False),
    scratch_types=[
        pltpu.VMEM((2 * CH, RW), jnp.float32),
        pltpu.VMEM((CH,), jnp.int32),
        pltpu.VMEM((2 * CH,), jnp.int32),
        pltpu.VMEM((CH * NODE_W,), jnp.int32),
        pltpu.VMEM((CH * N_EDGE,), jnp.int32),
        pltpu.VMEM((CH,), jnp.int32),
        pltpu.VMEM((CH * NODE_W,), jnp.float32),
        pltpu.VMEM((CH * N_EDGE,), jnp.float32),
        pltpu.VMEM((CH,), jnp.float32),
        pltpu.VMEM((CH,), jnp.float32),
        pltpu.SemaphoreType.DMA,
    ],
)
def _sc_lookup(table_ref, gid_ref, sm_ref, nm_ref, em_ref,
               stop_out, node_out, edge_out, logf_out,
               rows_v, gid_v, idx_v, nm_v, em_v, sm_v,
               nmo_v, emo_v, smo_v, logf_v, sem):
    wid = lax.axis_index("s") * NC + lax.axis_index("c")
    iota = lax.iota(jnp.int32, 16)

    for ch in range(NB // CH):
        rb = wid * NB + ch * CH

        pltpu.sync_copy(gid_ref.at[pl.ds(rb, CH)], gid_v)

        def idx_body(k, _):
            rvec = (16 * k + iota) >> 1
            gv = plsc.load_gather(gid_v, [rvec])
            a = ((gv * PER) >> 7) + (iota & 1)
            idx_v[pl.ds(16 * k, 16)] = jnp.minimum(a, TROWS - 1)
            return _
        lax.fori_loop(0, 2 * CH // 16, idx_body, 0)

        gathers = [
            pltpu.async_copy(table_ref.at[idx_v.at[pl.ds(k * GCH, GCH)]],
                             rows_v.at[pl.ds(k * GCH, GCH)], sem)
            for k in range(2 * CH // GCH)
        ]
        pltpu.sync_copy(sm_ref.at[pl.ds(rb, CH)], sm_v)
        pltpu.sync_copy(nm_ref.at[pl.ds(rb * NODE_W, CH * NODE_W)], nm_v)
        pltpu.sync_copy(em_ref.at[pl.ds(rb * N_EDGE, CH * N_EDGE)], em_v)
        for g in gathers:
            g.wait()

        def stop_body(k, _):
            rvec = 16 * k + iota
            gv = plsc.load_gather(gid_v, [rvec])
            f = 2 * RW * rvec + ((gv * PER) & (RW - 1))
            v = plsc.load_gather(rows_v, [f >> 7, f & (RW - 1)])
            m = sm_v[pl.ds(16 * k, 16)].astype(jnp.float32)
            smo_v[pl.ds(16 * k, 16)] = _masked(v, m)
            f2 = f + (PER - 1)
            logf_v[pl.ds(16 * k, 16)] = plsc.load_gather(
                rows_v, [f2 >> 7, f2 & (RW - 1)])
            return _
        lax.fori_loop(0, CH // 16, stop_body, 0)

        def node_body(p, _):
            sa = (plsc.load_gather(gid_v, [iota * 0 + 2 * p]) * PER) & (RW - 1)
            sb = (plsc.load_gather(gid_v, [iota * 0 + 2 * p + 1]) * PER) & (RW - 1)
            for j in range(9):
                e = 16 * j + iota
                half = (e >= NODE_W).astype(jnp.int32)
                f = (2 * RW * (2 * p) + 2 * RW * half
                     + jnp.where(e >= NODE_W, sb, sa)
                     + 1 + e - NODE_W * half)
                v = plsc.load_gather(rows_v, [f >> 7, f & (RW - 1)])
                off = 144 * p + 16 * j
                m = nm_v[pl.ds(off, 16)].astype(jnp.float32)
                nmo_v[pl.ds(off, 16)] = _masked(v, m)
            return _
        lax.fori_loop(0, CH // 2, node_body, 0)

        def edge_body(p, _):
            s = [(plsc.load_gather(gid_v, [iota * 0 + 4 * p + q]) * PER)
                 & (RW - 1) for q in range(4)]
            for j in range(9):
                e = 16 * j + iota
                r4 = ((e >= N_EDGE).astype(jnp.int32)
                      + (e >= 2 * N_EDGE).astype(jnp.int32)
                      + (e >= 3 * N_EDGE).astype(jnp.int32))
                s_sel = jnp.where(
                    e >= 3 * N_EDGE, s[3],
                    jnp.where(e >= 2 * N_EDGE, s[2],
                              jnp.where(e >= N_EDGE, s[1], s[0])))
                f = (2 * RW * (4 * p) + 2 * RW * r4 + s_sel
                     + (1 + NODE_W) + e - N_EDGE * r4)
                v = plsc.load_gather(rows_v, [f >> 7, f & (RW - 1)])
                off = 144 * p + 16 * j
                m = em_v[pl.ds(off, 16)].astype(jnp.float32)
                emo_v[pl.ds(off, 16)] = _masked(v, m)
            return _
        lax.fori_loop(0, CH // 4, edge_body, 0)

        pltpu.sync_copy(smo_v, stop_out.at[pl.ds(rb, CH)])
        pltpu.sync_copy(nmo_v, node_out.at[pl.ds(rb * NODE_W, CH * NODE_W)])
        pltpu.sync_copy(emo_v, edge_out.at[pl.ds(rb * N_EDGE, CH * N_EDGE)])
        pltpu.sync_copy(logf_v, logf_out.at[pl.ds(rb, CH)])


def kernel(gid, stop_mask, add_node_mask, add_edge_mask, table):
    t128 = table.reshape(TROWS, RW)
    gid1 = gid.astype(jnp.int32)
    smf = stop_mask.astype(jnp.int32).reshape(-1)
    nmf = add_node_mask.astype(jnp.int32).reshape(-1)
    emf = add_edge_mask.astype(jnp.int32).reshape(-1)
    stop_f, node_f, edge_f, logf_f = _sc_lookup(t128, gid1, smf, nmf, emf)
    return (stop_f.reshape(B, 1),
            node_f.reshape(B * N_NODE, N_TYPE),
            edge_f.reshape(B * N_EDGE, 1),
            logf_f.reshape(B, 1))

# --- scband reference (transcript-rebuilt; emitter-appended) ---
"""Pipeline reference for scband-tabular-hashing-model-17867063951895 (READ-ONLY COPY).

The authoritative reference and input builder live on the scoring server;
editing this copy changes nothing except your own understanding.
"""

import jax, jax.numpy as jnp
import numpy as np

N_STATES = 200000
B = 16384
N_NODE = 9
N_TYPE = 8
N_EDGE = 36
PER = 1 + N_NODE * N_TYPE + N_EDGE + 1  # 110: stop, add_node, add_edge, logF


def setup_inputs(seed: int = 0) -> dict:
    key = jax.random.key(seed)
    k1, k2, k3, k4, k5 = jax.random.split(key, 5)
    gid = jax.random.randint(k1, (B,), 0, N_STATES, dtype=jnp.int64 if jax.config.jax_enable_x64 else jnp.int32).astype(jnp.int32)
    stop_mask = jax.random.randint(k2, (B, 1), 0, 2, dtype=jnp.int32)
    add_node_mask = jax.random.randint(k3, (B * N_NODE, N_TYPE), 0, 2, dtype=jnp.int32)
    add_edge_mask = jax.random.randint(k4, (B * N_EDGE, 1), 0, 2, dtype=jnp.int32)
    table = jax.random.normal(k5, (N_STATES * PER,), dtype=jnp.float32)
    return {"gid": gid, "stop_mask": stop_mask, "add_node_mask": add_node_mask, "add_edge_mask": add_edge_mask, "table": table}


def reference(gid, stop_mask, add_node_mask, add_edge_mask, table):
    # Tabular hashing model: each graph gid owns a contiguous slice of the flat
    # parameter table, holding [stop logits, add_node logits, add_edge logits, logF].
    base = gid.astype(jnp.int32) * PER
    # ragged gathers (fixed per-state record layout)
    stop_logits = jnp.take(table, base, axis=0).reshape(B, 1)
    node_idx = base[:, None] + 1 + jnp.arange(N_NODE * N_TYPE, dtype=jnp.int32)[None, :]
    node_logits = jnp.take(table, node_idx.reshape(-1), axis=0).reshape(B * N_NODE, N_TYPE)
    edge_idx = base[:, None] + 1 + N_NODE * N_TYPE + jnp.arange(N_EDGE, dtype=jnp.int32)[None, :]
    edge_logits = jnp.take(table, edge_idx.reshape(-1), axis=0).reshape(B * N_EDGE, 1)
    logF_s = jnp.take(table, base + (PER - 1), axis=0).reshape(B, 1)
    # masked logits: logits * m - 1000 * (1 - m)
    sm = stop_mask.astype(jnp.float32)
    nm = add_node_mask.astype(jnp.float32)
    em = add_edge_mask.astype(jnp.float32)
    stop_out = stop_logits * sm - 1000.0 * (1.0 - sm)
    node_out = node_logits * nm - 1000.0 * (1.0 - nm)
    edge_out = edge_logits * em - 1000.0 * (1.0 - em)
    return (stop_out, node_out, edge_out, logF_s)

if __name__ == "__main__":
    import jax
    _d = setup_inputs()
    print(jax.jit(kernel)(*tuple(_d.values())))

</pallas_src>

<mosaic_0001>
#map = affine_map<(d0, d1) -> (0, 0)>
#map1 = affine_map<(d0, d1) -> (0)>
module attributes {stable_mosaic.version = 14 : i64} {
  func.func @_sc_lookup(%arg0: i32, %arg1: i32, %arg2: memref<171875x128xf32, #tpu.memory_space<hbm>>, %arg3: memref<16384xi32, #tpu.memory_space<hbm>>, %arg4: memref<16384xi32, #tpu.memory_space<hbm>>, %arg5: memref<1179648xi32, #tpu.memory_space<hbm>>, %arg6: memref<589824xi32, #tpu.memory_space<hbm>>, %arg7: memref<16384xf32, #tpu.memory_space<hbm>>, %arg8: memref<1179648xf32, #tpu.memory_space<hbm>>, %arg9: memref<589824xf32, #tpu.memory_space<hbm>>, %arg10: memref<16384xf32, #tpu.memory_space<hbm>>, %arg11: memref<512x128xf32, #tpu.memory_space<vmem>>, %arg12: memref<256xi32, #tpu.memory_space<vmem>>, %arg13: memref<512xi32, #tpu.memory_space<vmem>>, %arg14: memref<18432xi32, #tpu.memory_space<vmem>>, %arg15: memref<9216xi32, #tpu.memory_space<vmem>>, %arg16: memref<256xi32, #tpu.memory_space<vmem>>, %arg17: memref<18432xf32, #tpu.memory_space<vmem>>, %arg18: memref<9216xf32, #tpu.memory_space<vmem>>, %arg19: memref<256xf32, #tpu.memory_space<vmem>>, %arg20: memref<256xf32, #tpu.memory_space<vmem>>, %arg21: memref<!tpu.dma_semaphore, #tpu.memory_space<semaphore_mem>>) attributes {dimension_semantics = [#tpu.dimension_semantics<core_parallel>, #tpu.dimension_semantics<subcore_parallel>], iteration_bounds = array<i64: 2, 16>, scalar_prefetch = 0 : i64, scratch_operands = 11 : i64, tpu.core_type = #tpu.core_type<sc_vector_subcore>, window_params = [{transform_indices = #map}, {transform_indices = #map1}, {transform_indices = #map1}, {transform_indices = #map1}, {transform_indices = #map1}, {transform_indices = #map1}, {transform_indices = #map1}, {transform_indices = #map1}, {transform_indices = #map1}]} {
    %mul3A = arith.constant 2 : i32
    %mul3A_0 = arith.muli %arg1, %mul3A : i32
    %add3A = arith.addi %mul3A_0, %arg0 : i32
    %iota3A = tpu.iota {dimensions = array<i32: 0>} : vector<16xi32>
    %mul3A_1 = arith.constant 512 : i32
    %mul3A_2 = arith.muli %add3A, %mul3A_1 : i32
    %add3A_3 = arith.constant 0 : i32
    %add3A_4 = arith.addi %mul3A_2, %add3A_3 : i32
    "tpu.region"() ({
      %run_scoped3A = tpu.sem_alloc : memref<!tpu.dma_semaphore, #tpu.memory_space<semaphore_mem>>
      %dma_start3A_198 = tpu.memref_slice %arg3[%add3A_4] : memref<16384xi32, #tpu.memory_space<hbm>> -> memref<256xi32, #tpu.memory_space<hbm>>
      %dma_start3A_199 = tpu.memref_slice %arg3[%add3A_4] : memref<16384xi32, #tpu.memory_space<hbm>> -> memref<256xi32, #tpu.memory_space<hbm>>
      tpu.enqueue_dma source(%dma_start3A_199 : memref<256xi32, #tpu.memory_space<hbm>>) target(%arg12 : memref<256xi32, #tpu.memory_space<vmem>>) target_semaphore(%run_scoped3A : memref<!tpu.dma_semaphore, #tpu.memory_space<semaphore_mem>>)
      %dma_wait3A_200 = tpu.memref_slice %arg3[%add3A_4] : memref<16384xi32, #tpu.memory_space<hbm>> -> memref<256xi32, #tpu.memory_space<hbm>>
      %dma_wait3A_201 = tpu.memref_slice %arg3[%add3A_4] : memref<16384xi32, #tpu.memory_space<hbm>> -> memref<256xi32, #tpu.memory_space<hbm>>
      tpu.wait_dma2 semaphore(%run_scoped3A : memref<!tpu.dma_semaphore, #tpu.memory_space<semaphore_mem>>) src(%dma_wait3A_201 : memref<256xi32, #tpu.memory_space<hbm>>) dst(%arg12 : memref<256xi32, #tpu.memory_space<vmem>>)
      tpu.yield
    }) : () -> ()
    %scan3A = arith.constant 0 : i32
    %scan3A_5 = arith.constant 0 : i32
    %scan3A_6 = arith.constant 32 : i32
    %scan3A_7 = arith.addi %scan3A_5, %scan3A_6 : i32
    %scan3A_8 = arith.constant 1 : i32
    scf.for %scan3A_198 = %scan3A_5 to %scan3A_7 step %scan3A_8  : i32 {
      %mul3A_199 = arith.constant 16 : i32
      %mul3A_200 = arith.muli %mul3A_199, %scan3A_198 : i32
      %add3A_201 = vector.broadcast %mul3A_200 : i32 to vector<16xi32>
      %add3A_202 = arith.addi %add3A_201, %iota3A : vector<16xi32>
      %shift_right_arithmetic3A = arith.constant 1 : i32
      %shift_right_arithmetic3A_203 = vector.broadcast %shift_right_arithmetic3A : i32 to vector<16xi32>
      %shift_right_arithmetic3A_204 = arith.shrsi %add3A_202, %shift_right_arithmetic3A_203 : vector<16xi32>
      %gather3A = tpu.vector_load_idx %arg12[%shift_right_arithmetic3A_204] : memref<256xi32, #tpu.memory_space<vmem>>[vector<16xi32>], vector<16xi32>,
      %mul3A_205 = arith.constant 110 : i32
      %mul3A_206 = vector.broadcast %mul3A_205 : i32 to vector<16xi32>
      %mul3A_207 = arith.muli %gather3A, %mul3A_206 : vector<16xi32>
      %shift_right_arithmetic3A_208 = arith.constant 7 : i32
      %shift_right_arithmetic3A_209 = vector.broadcast %shift_right_arithmetic3A_208 : i32 to vector<16xi32>
      %shift_right_arithmetic3A_210 = arith.shrsi %mul3A_207, %shift_right_arithmetic3A_209 : vector<16xi32>
      %and3A = arith.constant 1 : i32
      %and3A_211 = vector.broadcast %and3A : i32 to vector<16xi32>
      %and3A_212 = arith.andi %iota3A, %and3A_211 : vector<16xi32>
      %add3A_213 = arith.addi %shift_right_arithmetic3A_210, %and3A_212 : vector<16xi32>
      %min3A = arith.constant 171874 : i32
      %min3A_214 = vector.broadcast %min3A : i32 to vector<16xi32>
      %min3A_215 = arith.minsi %add3A_213, %min3A_214 : vector<16xi32>
      %mul3A_216 = arith.constant 16 : i32
      %mul3A_217 = arith.muli %mul3A_216, %scan3A_198 : i32
      %swap3A = arith.index_cast %mul3A_217 : i32 to index
      %swap3A_218 = tpu.vector_load %arg13[%swap3A] {strides = array<i32>} : memref<512xi32, #tpu.memory_space<vmem>>, vector<16xi32>,
      tpu.vector_store %arg13[%swap3A], %min3A_215 {strides = array<i32>} : memref<512xi32, #tpu.memory_space<vmem>>, vector<16xi32>,
    }
    %scan3A_9 = arith.constant 32 : i32
    %dma_start3A = arith.constant 0 : i32
    %dma_start3A_10 = arith.constant 0 : i32
    %dma_start3A_11 = tpu.memref_slice %arg11[%dma_start3A, %dma_start3A_10] : memref<512x128xf32, #tpu.memory_space<vmem>> -> memref<128x128xf32, #tpu.memory_space<vmem>>
    %dma_start3A_12 = arith.constant 0 : i32
    %dma_start3A_13 = tpu.memref_slice %arg13[%dma_start3A_12] : memref<512xi32, #tpu.memory_space<vmem>> -> memref<128xi32, #tpu.memory_space<vmem>>
    %dma_start3A_14 = arith.constant 0 : i32
    %dma_start3A_15 = arith.constant 0 : i32
    %dma_start3A_16 = tpu.memref_slice %arg2[%dma_start3A_14, %dma_start3A_15] : memref<171875x128xf32, #tpu.memory_space<hbm>> -> memref<171875x128xf32, #tpu.memory_space<hbm>>
    tpu.enqueue_indirect_dma source(%dma_start3A_16 : memref<171875x128xf32, #tpu.memory_space<hbm>>) target(%dma_start3A_11 : memref<128x128xf32, #tpu.memory_space<vmem>>) offsets(%dma_start3A_13 : memref<128xi32, #tpu.memory_space<vmem>>) semaphore(%arg21 : memref<!tpu.dma_semaphore, #tpu.memory_space<semaphore_mem>>)
    %dma_start3A_17 = arith.constant 128 : i32
    %dma_start3A_18 = arith.constant 0 : i32
    %dma_start3A_19 = tpu.memref_slice %arg11[%dma_start3A_17, %dma_start3A_18] : memref<512x128xf32, #tpu.memory_space<vmem>> -> memref<128x128xf32, #tpu.memory_space<vmem>>
    %dma_start3A_20 = arith.constant 128 : i32
    %dma_start3A_21 = tpu.memref_slice %arg13[%dma_start3A_20] : memref<512xi32, #tpu.memory_space<vmem>> -> memref<128xi32, #tpu.memory_space<vmem>>
    %dma_start3A_22 = arith.constant 0 : i32
    %dma_start3A_23 = arith.constant 0 : i32
    %dma_start3A_24 = tpu.memref_slice %arg2[%dma_start3A_22, %dma_start3A_23] : memref<171875x128xf32, #tpu.memory_space<hbm>> -> memref<171875x128xf32, #tpu.memory_space<hbm>>
    tpu.enqueue_indirect_dma source(%dma_start3A_24 : memref<171875x128xf32, #tpu.memory_space<hbm>>) target(%dma_start3A_19 : memref<128x128xf32, #tpu.memory_space<vmem>>) offsets(%dma_start3A_21 : memref<128xi32, #tpu.memory_space<vmem>>) semaphore(%arg21 : memref<!tpu.dma_semaphore, #tpu.memory_space<semaphore_mem>>)
    %dma_start3A_25 = arith.constant 256 : i32
    %dma_start3A_26 = arith.constant 0 : i32
    %dma_start3A_27 = tpu.memref_slice %arg11[%dma_start3A_25, %dma_start3A_26] : memref<512x128xf32, #tpu.memory_space<vmem>> -> memref<128x128xf32, #tpu.memory_space<vmem>>
    %dma_start3A_28 = arith.constant 256 : i32
    %dma_start3A_29 = tpu.memref_slice %arg13[%dma_start3A_28] : memref<512xi32, #tpu.memory_space<vmem>> -> memref<128xi32, #tpu.memory_space<vmem>>
    %dma_start3A_30 = arith.constant 0 : i32
    %dma_start3A_31 = arith.constant 0 : i32
    %dma_start3A_32 = tpu.memref_slice %arg2[%dma_start3A_30, %dma_start3A_31] : memref<171875x128xf32, #tpu.memory_space<hbm>> -> memref<171875x128xf32, #tpu.memory_space<hbm>>
    tpu.enqueue_indirect_dma source(%dma_start3A_32 : memref<171875x128xf32, #tpu.memory_space<hbm>>) target(%dma_start3A_27 : memref<128x128xf32, #tpu.memory_space<vmem>>) offsets(%dma_start3A_29 : memref<128xi32, #tpu.memory_space<vmem>>) semaphore(%arg21 : memref<!tpu.dma_semaphore, #tpu.memory_space<semaphore_mem>>)
    %dma_start3A_33 = arith.constant 384 : i32
    %dma_start3A_34 = arith.constant 0 : i32
    %dma_start3A_35 = tpu.memref_slice %arg11[%dma_start3A_33, %dma_start3A_34] : memref<512x128xf32, #tpu.memory_space<vmem>> -> memref<128x128xf32, #tpu.memory_space<vmem>>
    %dma_start3A_36 = arith.constant 384 : i32
    %dma_start3A_37 = tpu.memref_slice %arg13[%dma_start3A_36] : memref<512xi32, #tpu.memory_space<vmem>> -> memref<128xi32, #tpu.memory_space<vmem>>
    %dma_start3A_38 = arith.constant 0 : i32
    %dma_start3A_39 = arith.constant 0 : i32
    %dma_start3A_40 = tpu.memref_slice %arg2[%dma_start3A_38, %dma_start3A_39] : memref<171875x128xf32, #tpu.memory_space<hbm>> -> memref<171875x128xf32, #tpu.memory_space<hbm>>
    tpu.enqueue_indirect_dma source(%dma_start3A_40 : memref<171875x128xf32, #tpu.memory_space<hbm>>) target(%dma_start3A_35 : memref<128x128xf32, #tpu.memory_space<vmem>>) offsets(%dma_start3A_37 : memref<128xi32, #tpu.memory_space<vmem>>) semaphore(%arg21 : memref<!tpu.dma_semaphore, #tpu.memory_space<semaphore_mem>>)
    "tpu.region"() ({
      %run_scoped3A = tpu.sem_alloc : memref<!tpu.dma_semaphore, #tpu.memory_space<semaphore_mem>>
      %dma_start3A_198 = tpu.memref_slice %arg4[%add3A_4] : memref<16384xi32, #tpu.memory_space<hbm>> -> memref<256xi32, #tpu.memory_space<hbm>>
      %dma_start3A_199 = tpu.memref_slice %arg4[%add3A_4] : memref<16384xi32, #tpu.memory_space<hbm>> -> memref<256xi32, #tpu.memory_space<hbm>>
      tpu.enqueue_dma source(%dma_start3A_199 : memref<256xi32, #tpu.memory_space<hbm>>) target(%arg16 : memref<256xi32, #tpu.memory_space<vmem>>) target_semaphore(%run_scoped3A : memref<!tpu.dma_semaphore, #tpu.memory_space<semaphore_mem>>)
      %dma_wait3A_200 = tpu.memref_slice %arg4[%add3A_4] : memref<16384xi32, #tpu.memory_space<hbm>> -> memref<256xi32, #tpu.memory_space<hbm>>
      %dma_wait3A_201 = tpu.memref_slice %arg4[%add3A_4] : memref<16384xi32, #tpu.memory_space<hbm>> -> memref<256xi32, #tpu.memory_space<hbm>>
      tpu.wait_dma2 semaphore(%run_scoped3A : memref<!tpu.dma_semaphore, #tpu.memory_space<semaphore_mem>>) src(%dma_wait3A_201 : memref<256xi32, #tpu.memory_space<hbm>>) dst(%arg16 : memref<256xi32, #tpu.memory_space<vmem>>)
      tpu.yield
    }) : () -> ()
    %mul3A_41 = arith.constant 72 : i32
    %mul3A_42 = arith.muli %add3A_4, %mul3A_41 : i32
    "tpu.region"() ({
      %run_scoped3A = tpu.sem_alloc : memref<!tpu.dma_semaphore, #tpu.memory_space<semaphore_mem>>
      %dma_start3A_198 = tpu.memref_slice %arg5[%mul3A_42] : memref<1179648xi32, #tpu.memory_space<hbm>> -> memref<18432xi32, #tpu.memory_space<hbm>>
      %dma_start3A_199 = tpu.memref_slice %arg5[%mul3A_42] : memref<1179648xi32, #tpu.memory_space<hbm>> -> memref<18432xi32, #tpu.memory_space<hbm>>
      tpu.enqueue_dma source(%dma_start3A_199 : memref<18432xi32, #tpu.memory_space<hbm>>) target(%arg14 : memref<18432xi32, #tpu.memory_space<vmem>>) target_semaphore(%run_scoped3A : memref<!tpu.dma_semaphore, #tpu.memory_space<semaphore_mem>>)
      %dma_wait3A_200 = tpu.memref_slice %arg5[%mul3A_42] : memref<1179648xi32, #tpu.memory_space<hbm>> -> memref<18432xi32, #tpu.memory_space<hbm>>
      %dma_wait3A_201 = tpu.memref_slice %arg5[%mul3A_42] : memref<1179648xi32, #tpu.memory_space<hbm>> -> memref<18432xi32, #tpu.memory_space<hbm>>
      tpu.wait_dma2 semaphore(%run_scoped3A : memref<!tpu.dma_semaphore, #tpu.memory_space<semaphore_mem>>) src(%dma_wait3A_201 : memref<18432xi32, #tpu.memory_space<hbm>>) dst(%arg14 : memref<18432xi32, #tpu.memory_space<vmem>>)
      tpu.yield
    }) : () -> ()
    %mul3A_43 = arith.constant 36 : i32
    %mul3A_44 = arith.muli %add3A_4, %mul3A_43 : i32
    "tpu.region"() ({
      %run_scoped3A = tpu.sem_alloc : memref<!tpu.dma_semaphore, #tpu.memory_space<semaphore_mem>>
      %dma_start3A_198 = tpu.memref_slice %arg6[%mul3A_44] : memref<589824xi32, #tpu.memory_space<hbm>> -> memref<9216xi32, #tpu.memory_space<hbm>>
      %dma_start3A_199 = tpu.memref_slice %arg6[%mul3A_44] : memref<589824xi32, #tpu.memory_space<hbm>> -> memref<9216xi32, #tpu.memory_space<hbm>>
      tpu.enqueue_dma source(%dma_start3A_199 : memref<9216xi32, #tpu.memory_space<hbm>>) target(%arg15 : memref<9216xi32, #tpu.memory_space<vmem>>) target_semaphore(%run_scoped3A : memref<!tpu.dma_semaphore, #tpu.memory_space<semaphore_mem>>)
      %dma_wait3A_200 = tpu.memref_slice %arg6[%mul3A_44] : memref<589824xi32, #tpu.memory_space<hbm>> -> memref<9216xi32, #tpu.memory_space<hbm>>
      %dma_wait3A_201 = tpu.memref_slice %arg6[%mul3A_44] : memref<589824xi32, #tpu.memory_space<hbm>> -> memref<9216xi32, #tpu.memory_space<hbm>>
      tpu.wait_dma2 semaphore(%run_scoped3A : memref<!tpu.dma_semaphore, #tpu.memory_space<semaphore_mem>>) src(%dma_wait3A_201 : memref<9216xi32, #tpu.memory_space<hbm>>) dst(%arg15 : memref<9216xi32, #tpu.memory_space<vmem>>)
      tpu.yield
    }) : () -> ()
    %dma_wait3A = arith.constant 0 : i32
    %dma_wait3A_45 = arith.constant 0 : i32
    %dma_wait3A_46 = tpu.memref_slice %arg11[%dma_wait3A, %dma_wait3A_45] : memref<512x128xf32, #tpu.memory_space<vmem>> -> memref<128x128xf32, #tpu.memory_space<vmem>>
    %dma_wait3A_47 = arith.constant 0 : i32
    %dma_wait3A_48 = tpu.memref_slice %arg13[%dma_wait3A_47] : memref<512xi32, #tpu.memory_space<vmem>> -> memref<128xi32, #tpu.memory_space<vmem>>
    %dma_wait3A_49 = arith.constant 0 : i32
    %dma_wait3A_50 = arith.constant 0 : i32
    %dma_wait3A_51 = tpu.memref_slice %arg2[%dma_wait3A_49, %dma_wait3A_50] : memref<171875x128xf32, #tpu.memory_space<hbm>> -> memref<171875x128xf32, #tpu.memory_space<hbm>>
    tpu.wait_indirect_dma semaphore(%arg21 : memref<!tpu.dma_semaphore, #tpu.memory_space<semaphore_mem>>) src(%dma_wait3A_51 : memref<171875x128xf32, #tpu.memory_space<hbm>>) dst(%dma_wait3A_46 : memref<128x128xf32, #tpu.memory_space<vmem>>)
    %dma_wait3A_52 = arith.constant 128 : i32
    %dma_wait3A_53 = arith.constant 0 : i32
    %dma_wait3A_54 = tpu.memref_slice %arg11[%dma_wait3A_52, %dma_wait3A_53] : memref<512x128xf32, #tpu.memory_space<vmem>> -> memref<128x128xf32, #tpu.memory_space<vmem>>
    %dma_wait3A_55 = arith.constant 128 : i32
    %dma_wait3A_56 = tpu.memref_slice %arg13[%dma_wait3A_55] : memref<512xi32, #tpu.memory_space<vmem>> -> memref<128xi32, #tpu.memory_space<vmem>>
    %dma_wait3A_57 = arith.constant 0 : i32
    %dma_wait3A_58 = arith.constant 0 : i32
    %dma_wait3A_59 = tpu.memref_slice %arg2[%dma_wait3A_57, %dma_wait3A_58] : memref<171875x128xf32, #tpu.memory_space<hbm>> -> memref<171875x128xf32, #tpu.memory_space<hbm>>
    tpu.wait_indirect_dma semaphore(%arg21 : memref<!tpu.dma_semaphore, #tpu.memory_space<semaphore_mem>>) src(%dma_wait3A_59 : memref<171875x128xf32, #tpu.memory_space<hbm>>) dst(%dma_wait3A_54 : memref<128x128xf32, #tpu.memory_space<vmem>>)
    %dma_wait3A_60 = arith.constant 256 : i32
    %dma_wait3A_61 = arith.constant 0 : i32
    %dma_wait3A_62 = tpu.memref_slice %arg11[%dma_wait3A_60, %dma_wait3A_61] : memref<512x128xf32, #tpu.memory_space<vmem>> -> memref<128x128xf32, #tpu.memory_space<vmem>>
    %dma_wait3A_63 = arith.constant 256 : i32
    %dma_wait3A_64 = tpu.memref_slice %arg13[%dma_wait3A_63] : memref<512xi32, #tpu.memory_space<vmem>> -> memref<128xi32, #tpu.memory_space<vmem>>
    %dma_wait3A_65 = arith.constant 0 : i32
    %dma_wait3A_66 = arith.constant 0 : i32
    %dma_wait3A_67 = tpu.memref_slice %arg2[%dma_wait3A_65, %dma_wait3A_66] : memref<171875x128xf32, #tpu.memory_space<hbm>> -> memref<171875x128xf32, #tpu.memory_space<hbm>>
    tpu.wait_indirect_dma semaphore(%arg21 : memref<!tpu.dma_semaphore, #tpu.memory_space<semaphore_mem>>) src(%dma_wait3A_67 : memref<171875x128xf32, #tpu.memory_space<hbm>>) dst(%dma_wait3A_62 : memref<128x128xf32, #tpu.memory_space<vmem>>)
    %dma_wait3A_68 = arith.constant 384 : i32
    %dma_wait3A_69 = arith.constant 0 : i32
    %dma_wait3A_70 = tpu.memref_slice %arg11[%dma_wait3A_68, %dma_wait3A_69] : memref<512x128xf32, #tpu.memory_space<vmem>> -> memref<128x128xf32, #tpu.memory_space<vmem>>
    %dma_wait3A_71 = arith.constant 384 : i32
    %dma_wait3A_72 = tpu.memref_slice %arg13[%dma_wait3A_71] : memref<512xi32, #tpu.memory_space<vmem>> -> memref<128xi32, #tpu.memory_space<vmem>>
    %dma_wait3A_73 = arith.constant 0 : i32
    %dma_wait3A_74 = arith.constant 0 : i32
    %dma_wait3A_75 = tpu.memref_slice %arg2[%dma_wait3A_73, %dma_wait3A_74] : memref<171875x128xf32, #tpu.memory_space<hbm>> -> memref<171875x128xf32, #tpu.memory_space<hbm>>
    tpu.wait_indirect_dma semaphore(%arg21 : memref<!tpu.dma_semaphore, #tpu.memory_space<semaphore_mem>>) src(%dma_wait3A_75 : memref<171875x128xf32, #tpu.memory_space<hbm>>) dst(%dma_wait3A_70 : memref<128x128xf32, #tpu.memory_space<vmem>>)
    %scan3A_76 = arith.constant 0 : i32
    %scan3A_77 = arith.constant 0 : i32
    %scan3A_78 = arith.constant 16 : i32
    %scan3A_79 = arith.addi %scan3A_77, %scan3A_78 : i32
    %scan3A_80 = arith.constant 1 : i32
    scf.for %scan3A_198 = %scan3A_77 to %scan3A_79 step %scan3A_80  : i32 {
      %mul3A_199 = arith.constant 16 : i32
      %mul3A_200 = arith.muli %mul3A_199, %scan3A_198 : i32
      %add3A_201 = vector.broadcast %mul3A_200 : i32 to vector<16xi32>
      %add3A_202 = arith.addi %add3A_201, %iota3A : vector<16xi32>
      %gather3A = tpu.vector_load_idx %arg12[%add3A_202] : memref<256xi32, #tpu.memory_space<vmem>>[vector<16xi32>], vector<16xi32>,
      %mul3A_203 = arith.constant 256 : i32
      %mul3A_204 = vector.broadcast %mul3A_203 : i32 to vector<16xi32>
      %mul3A_205 = arith.muli %mul3A_204, %add3A_202 : vector<16xi32>
      %mul3A_206 = arith.constant 110 : i32
      %mul3A_207 = vector.broadcast %mul3A_206 : i32 to vector<16xi32>
      %mul3A_208 = arith.muli %gather3A, %mul3A_207 : vector<16xi32>
      %and3A = arith.constant 127 : i32
      %and3A_209 = vector.broadcast %and3A : i32 to vector<16xi32>
      %and3A_210 = arith.andi %mul3A_208, %and3A_209 : vector<16xi32>
      %add3A_211 = arith.addi %mul3A_205, %and3A_210 : vector<16xi32>
      %shift_right_arithmetic3A = arith.constant 7 : i32
      %shift_right_arithmetic3A_212 = vector.broadcast %shift_right_arithmetic3A : i32 to vector<16xi32>
      %shift_right_arithmetic3A_213 = arith.shrsi %add3A_211, %shift_right_arithmetic3A_212 : vector<16xi32>
      %and3A_214 = arith.constant 127 : i32
      %and3A_215 = vector.broadcast %and3A_214 : i32 to vector<16xi32>
      %and3A_216 = arith.andi %add3A_211, %and3A_215 : vector<16xi32>
      %gather3A_217 = tpu.vector_load_idx %arg11[%shift_right_arithmetic3A_213, %and3A_216] : memref<512x128xf32, #tpu.memory_space<vmem>>[vector<16xi32>, vector<16xi32>], vector<16xf32>,
      %mul3A_218 = arith.constant 16 : i32
      %mul3A_219 = arith.muli %mul3A_218, %scan3A_198 : i32
      %get3A = arith.index_cast %mul3A_219 : i32 to index
      %get3A_220 = tpu.vector_load %arg16[%get3A] {strides = array<i32>} : memref<256xi32, #tpu.memory_space<vmem>>, vector<16xi32>,
      %convert_element_type3A = arith.sitofp %get3A_220 : vector<16xi32> to vector<16xf32>
      %mul3A_221 = arith.mulf %gather3A_217, %convert_element_type3A : vector<16xf32>
      %sub3A = arith.constant 1.000000e+00 : f32
      %sub3A_222 = vector.broadcast %sub3A : f32 to vector<16xf32>
      %sub3A_223 = arith.subf %convert_element_type3A, %sub3A_222 : vector<16xf32>
      %mul3A_224 = arith.constant 1.000000e+03 : f32
      %mul3A_225 = vector.broadcast %mul3A_224 : f32 to vector<16xf32>
      %mul3A_226 = arith.mulf %mul3A_225, %sub3A_223 : vector<16xf32>
      %add3A_227 = arith.addf %mul3A_221, %mul3A_226 : vector<16xf32>
      %mul3A_228 = arith.constant 16 : i32
      %mul3A_229 = arith.muli %mul3A_228, %scan3A_198 : i32
      %swap3A = arith.index_cast %mul3A_229 : i32 to index
      %swap3A_230 = tpu.vector_load %arg19[%swap3A] {strides = array<i32>} : memref<256xf32, #tpu.memory_space<vmem>>, vector<16xf32>,
      tpu.vector_store %arg19[%swap3A], %add3A_227 {strides = array<i32>} : memref<256xf32, #tpu.memory_space<vmem>>, vector<16xf32>,
      %add3A_231 = arith.constant 109 : i32
      %add3A_232 = vector.broadcast %add3A_231 : i32 to vector<16xi32>
      %add3A_233 = arith.addi %add3A_211, %add3A_232 : vector<16xi32>
      %shift_right_arithmetic3A_234 = arith.constant 7 : i32
      %shift_right_arithmetic3A_235 = vector.broadcast %shift_right_arithmetic3A_234 : i32 to vector<16xi32>
      %shift_right_arithmetic3A_236 = arith.shrsi %add3A_233, %shift_right_arithmetic3A_235 : vector<16xi32>
      %and3A_237 = arith.constant 127 : i32
      %and3A_238 = vector.broadcast %and3A_237 : i32 to vector<16xi32>
      %and3A_239 = arith.andi %add3A_233, %and3A_238 : vector<16xi32>
      %gather3A_240 = tpu.vector_load_idx %arg11[%shift_right_arithmetic3A_236, %and3A_239] : memref<512x128xf32, #tpu.memory_space<vmem>>[vector<16xi32>, vector<16xi32>], vector<16xf32>,
      %mul3A_241 = arith.constant 16 : i32
      %mul3A_242 = arith.muli %mul3A_241, %scan3A_198 : i32
      %swap3A_243 = arith.index_cast %mul3A_242 : i32 to index
      %swap3A_244 = tpu.vector_load %arg20[%swap3A_243] {strides = array<i32>} : memref<256xf32, #tpu.memory_space<vmem>>, vector<16xf32>,
      tpu.vector_store %arg20[%swap3A_243], %gather3A_240 {strides = array<i32>} : memref<256xf32, #tpu.memory_space<vmem>>, vector<16xf32>,
    }
    %scan3A_81 = arith.constant 16 : i32
    %scan3A_82 = arith.constant 0 : i32
    %scan3A_83 = arith.constant 0 : i32
    %scan3A_84 = arith.constant 128 : i32
    %scan3A_85 = arith.addi %scan3A_83, %scan3A_84 : i32
    %scan3A_86 = arith.constant 1 : i32
    scf.for %scan3A_198 = %scan3A_83 to %scan3A_85 step %scan3A_86  : i32 {
      %mul3A_199 = arith.constant 0 : i32
      %mul3A_200 = vector.broadcast %mul3A_199 : i32 to vector<16xi32>
      %mul3A_201 = arith.muli %iota3A, %mul3A_200 : vector<16xi32>
      %mul3A_202 = arith.constant 2 : i32
      %mul3A_203 = arith.muli %mul3A_202, %scan3A_198 : i32
      %add3A_204 = vector.broadcast %mul3A_203 : i32 to vector<16xi32>
      %add3A_205 = arith.addi %mul3A_201, %add3A_204 : vector<16xi32>
      %gather3A = tpu.vector_load_idx %arg12[%add3A_205] : memref<256xi32, #tpu.memory_space<vmem>>[vector<16xi32>], vector<16xi32>,
      %mul3A_206 = arith.constant 110 : i32
      %mul3A_207 = vector.broadcast %mul3A_206 : i32 to vector<16xi32>
      %mul3A_208 = arith.muli %gather3A, %mul3A_207 : vector<16xi32>
      %and3A = arith.constant 127 : i32
      %and3A_209 = vector.broadcast %and3A : i32 to vector<16xi32>
      %and3A_210 = arith.andi %mul3A_208, %and3A_209 : vector<16xi32>
      %mul3A_211 = arith.constant 0 : i32
      %mul3A_212 = vector.broadcast %mul3A_211 : i32 to vector<16xi32>
      %mul3A_213 = arith.muli %iota3A, %mul3A_212 : vector<16xi32>
      %mul3A_214 = arith.constant 2 : i32
      %mul3A_215 = arith.muli %mul3A_214, %scan3A_198 : i32
      %add3A_216 = vector.broadcast %mul3A_215 : i32 to vector<16xi32>
      %add3A_217 = arith.addi %mul3A_213, %add3A_216 : vector<16xi32>
      %add3A_218 = arith.constant 1 : i32
      %add3A_219 = vector.broadcast %add3A_218 : i32 to vector<16xi32>
      %add3A_220 = arith.addi %add3A_217, %add3A_219 : vector<16xi32>
      %gather3A_221 = tpu.vector_load_idx %arg12[%add3A_220] : memref<256xi32, #tpu.memory_space<vmem>>[vector<16xi32>], vector<16xi32>,
      %mul3A_222 = arith.constant 110 : i32
      %mul3A_223 = vector.broadcast %mul3A_222 : i32 to vector<16xi32>
      %mul3A_224 = arith.muli %gather3A_221, %mul3A_223 : vector<16xi32>
      %and3A_225 = arith.constant 127 : i32
      %and3A_226 = vector.broadcast %and3A_225 : i32 to vector<16xi32>
      %and3A_227 = arith.andi %mul3A_224, %and3A_226 : vector<16xi32>
      %add3A_228 = arith.constant 0 : i32
      %add3A_229 = vector.broadcast %add3A_228 : i32 to vector<16xi32>
      %add3A_230 = arith.addi %add3A_229, %iota3A : vector<16xi32>
      %ge3A = arith.constant 72 : i32
      %ge3A_231 = vector.broadcast %ge3A : i32 to vector<16xi32>
      %ge3A_232 = arith.cmpi sge, %add3A_230, %ge3A_231 : vector<16xi32>
      %convert_element_type3A = arith.extui %ge3A_232 : vector<16xi1> to vector<16xi32>
      %mul3A_233 = arith.constant 2 : i32
      %mul3A_234 = arith.muli %mul3A_233, %scan3A_198 : i32
      %mul3A_235 = arith.constant 256 : i32
      %mul3A_236 = arith.muli %mul3A_235, %mul3A_234 : i32
      %mul3A_237 = arith.constant 256 : i32
      %mul3A_238 = vector.broadcast %mul3A_237 : i32 to vector<16xi32>
      %mul3A_239 = arith.muli %mul3A_238, %convert_element_type3A : vector<16xi32>
      %add3A_240 = vector.broadcast %mul3A_236 : i32 to vector<16xi32>
      %add3A_241 = arith.addi %add3A_240, %mul3A_239 : vector<16xi32>
      %ge3A_242 = arith.constant 72 : i32
      %ge3A_243 = vector.broadcast %ge3A_242 : i32 to vector<16xi32>
      %ge3A_244 = arith.cmpi sge, %add3A_230, %ge3A_243 : vector<16xi32>
      %select_n3A = arith.select %ge3A_244, %and3A_227, %and3A_210 : vector<16xi1>, vector<16xi32>
      %add3A_245 = arith.addi %add3A_241, %select_n3A : vector<16xi32>
      %add3A_246 = arith.constant 1 : i32
      %add3A_247 = vector.broadcast %add3A_246 : i32 to vector<16xi32>
      %add3A_248 = arith.addi %add3A_245, %add3A_247 : vector<16xi32>
      %add3A_249 = arith.addi %add3A_248, %add3A_230 : vector<16xi32>
      %mul3A_250 = arith.constant 72 : i32
      %mul3A_251 = vector.broadcast %mul3A_250 : i32 to vector<16xi32>
      %mul3A_252 = arith.muli %mul3A_251, %convert_element_type3A : vector<16xi32>
      %sub3A = arith.subi %add3A_249, %mul3A_252 : vector<16xi32>
      %shift_right_arithmetic3A = arith.constant 7 : i32
      %shift_right_arithmetic3A_253 = vector.broadcast %shift_right_arithmetic3A : i32 to vector<16xi32>
      %shift_right_arithmetic3A_254 = arith.shrsi %sub3A, %shift_right_arithmetic3A_253 : vector<16xi32>
      %and3A_255 = arith.constant 127 : i32
      %and3A_256 = vector.broadcast %and3A_255 : i32 to vector<16xi32>
      %and3A_257 = arith.andi %sub3A, %and3A_256 : vector<16xi32>
      %gather3A_258 = tpu.vector_load_idx %arg11[%shift_right_arithmetic3A_254, %and3A_257] : memref<512x128xf32, #tpu.memory_space<vmem>>[vector<16xi32>, vector<16xi32>], vector<16xf32>,
      %mul3A_259 = arith.constant 144 : i32
      %mul3A_260 = arith.muli %mul3A_259, %scan3A_198 : i32
      %add3A_261 = arith.constant 0 : i32
      %add3A_262 = arith.addi %mul3A_260, %add3A_261 : i32
      %get3A = arith.index_cast %add3A_262 : i32 to index
      %get3A_263 = tpu.vector_load %arg14[%get3A] {strides = array<i32>} : memref<18432xi32, #tpu.memory_space<vmem>>, vector<16xi32>,
      %convert_element_type3A_264 = arith.sitofp %get3A_263 : vector<16xi32> to vector<16xf32>
      %mul3A_265 = arith.mulf %gather3A_258, %convert_element_type3A_264 : vector<16xf32>
      %sub3A_266 = arith.constant 1.000000e+00 : f32
      %sub3A_267 = vector.broadcast %sub3A_266 : f32 to vector<16xf32>
      %sub3A_268 = arith.subf %convert_element_type3A_264, %sub3A_267 : vector<16xf32>
      %mul3A_269 = arith.constant 1.000000e+03 : f32
      %mul3A_270 = vector.broadcast %mul3A_269 : f32 to vector<16xf32>
      %mul3A_271 = arith.mulf %mul3A_270, %sub3A_268 : vector<16xf32>
      %add3A_272 = arith.addf %mul3A_265, %mul3A_271 : vector<16xf32>
      %swap3A = arith.index_cast %add3A_262 : i32 to index
      %swap3A_273 = tpu.vector_load %arg17[%swap3A] {strides = array<i32>} : memref<18432xf32, #tpu.memory_space<vmem>>, vector<16xf32>,
      tpu.vector_store %arg17[%swap3A], %add3A_272 {strides = array<i32>} : memref<18432xf32, #tpu.memory_space<vmem>>, vector<16xf32>,
      %add3A_274 = arith.constant 16 : i32
      %add3A_275 = vector.broadcast %add3A_274 : i32 to vector<16xi32>
      %add3A_276 = arith.addi %add3A_275, %iota3A : vector<16xi32>
      %ge3A_277 = arith.constant 72 : i32
      %ge3A_278 = vector.broadcast %ge3A_277 : i32 to vector<16xi32>
      %ge3A_279 = arith.cmpi sge, %add3A_276, %ge3A_278 : vector<16xi32>
      %convert_element_type3A_280 = arith.extui %ge3A_279 : vector<16xi1> to vector<16xi32>
      %mul3A_281 = arith.constant 2 : i32
      %mul3A_282 = arith.muli %mul3A_281, %scan3A_198 : i32
      %mul3A_283 = arith.constant 256 : i32
      %mul3A_284 = arith.muli %mul3A_283, %mul3A_282 : i32
      %mul3A_285 = arith.constant 256 : i32
      %mul3A_286 = vector.broadcast %mul3A_285 : i32 to vector<16xi32>
      %mul3A_287 = arith.muli %mul3A_286, %convert_element_type3A_280 : vector<16xi32>
      %add3A_288 = vector.broadcast %mul3A_284 : i32 to vector<16xi32>
      %add3A_289 = arith.addi %add3A_288, %mul3A_287 : vector<16xi32>
      %ge3A_290 = arith.constant 72 : i32
      %ge3A_291 = vector.broadcast %ge3A_290 : i32 to vector<16xi32>
      %ge3A_292 = arith.cmpi sge, %add3A_276, %ge3A_291 : vector<16xi32>
      %select_n3A_293 = arith.select %ge3A_292, %and3A_227, %and3A_210 : vector<16xi1>, vector<16xi32>
      %add3A_294 = arith.addi %add3A_289, %select_n3A_293 : vector<16xi32>
      %add3A_295 = arith.constant 1 : i32
      %add3A_296 = vector.broadcast %add3A_295 : i32 to vector<16xi32>
      %add3A_297 = arith.addi %add3A_294, %add3A_296 : vector<16xi32>
      %add3A_298 = arith.addi %add3A_297, %add3A_276 : vector<16xi32>
      %mul3A_299 = arith.constant 72 : i32
      %mul3A_300 = vector.broadcast %mul3A_299 : i32 to vector<16xi32>
      %mul3A_301 = arith.muli %mul3A_300, %convert_element_type3A_280 : vector<16xi32>
      %sub3A_302 = arith.subi %add3A_298, %mul3A_301 : vector<16xi32>
      %shift_right_arithmetic3A_303 = arith.constant 7 : i32
      %shift_right_arithmetic3A_304 = vector.broadcast %shift_right_arithmetic3A_303 : i32 to vector<16xi32>
      %shift_right_arithmetic3A_305 = arith.shrsi %sub3A_302, %shift_right_arithmetic3A_304 : vector<16xi32>
      %and3A_306 = arith.constant 127 : i32
      %and3A_307 = vector.broadcast %and3A_306 : i32 to vector<16xi32>
      %and3A_308 = arith.andi %sub3A_302, %and3A_307 : vector<16xi32>
      %gather3A_309 = tpu.vector_load_idx %arg11[%shift_right_arithmetic3A_305, %and3A_308] : memref<512x128xf32, #tpu.memory_space<vmem>>[vector<16xi32>, vector<16xi32>], vector<16xf32>,
      %mul3A_310 = arith.constant 144 : i32
      %mul3A_311 = arith.muli %mul3A_310, %scan3A_198 : i32
      %add3A_312 = arith.constant 16 : i32
      %add3A_313 = arith.addi %mul3A_311, %add3A_312 : i32
      %get3A_314 = arith.index_cast %add3A_313 : i32 to index
      %get3A_315 = tpu.vector_load %arg14[%get3A_314] {strides = array<i32>} : memref<18432xi32, #tpu.memory_space<vmem>>, vector<16xi32>,
      %convert_element_type3A_316 = arith.sitofp %get3A_315 : vector<16xi32> to vector<16xf32>
      %mul3A_317 = arith.mulf %gather3A_309, %convert_element_type3A_316 : vector<16xf32>
      %sub3A_318 = arith.constant 1.000000e+00 : f32
      %sub3A_319 = vector.broadcast %sub3A_318 : f32 to vector<16xf32>
      %sub3A_320 = arith.subf %convert_element_type3A_316, %sub3A_319 : vector<16xf32>
      %mul3A_321 = arith.constant 1.000000e+03 : f32
      %mul3A_322 = vector.broadcast %mul3A_321 : f32 to vector<16xf32>
      %mul3A_323 = arith.mulf %mul3A_322, %sub3A_320 : vector<16xf32>
      %add3A_324 = arith.addf %mul3A_317, %mul3A_323 : vector<16xf32>
      %swap3A_325 = arith.index_cast %add3A_313 : i32 to index
      %swap3A_326 = tpu.vector_load %arg17[%swap3A_325] {strides = array<i32>} : memref<18432xf32, #tpu.memory_space<vmem>>, vector<16xf32>,
      tpu.vector_store %arg17[%swap3A_325], %add3A_324 {strides = array<i32>} : memref<18432xf32, #tpu.memory_space<vmem>>, vector<16xf32>,
      %add3A_327 = arith.constant 32 : i32
      %add3A_328 = vector.broadcast %add3A_327 : i32 to vector<16xi32>
      %add3A_329 = arith.addi %add3A_328, %iota3A : vector<16xi32>
      %ge3A_330 = arith.constant 72 : i32
      %ge3A_331 = vector.broadcast %ge3A_330 : i32 to vector<16xi32>
      %ge3A_332 = arith.cmpi sge, %add3A_329, %ge3A_331 : vector<16xi32>
      %convert_element_type3A_333 = arith.extui %ge3A_332 : vector<16xi1> to vector<16xi32>
      %mul3A_334 = arith.constant 2 : i32
      %mul3A_335 = arith.muli %mul3A_334, %scan3A_198 : i32
      %mul3A_336 = arith.constant 256 : i32
      %mul3A_337 = arith.muli %mul3A_336, %mul3A_335 : i32
      %mul3A_338 = arith.constant 256 : i32
      %mul3A_339 = vector.broadcast %mul3A_338 : i32 to vector<16xi32>
      %mul3A_340 = arith.muli %mul3A_339, %convert_element_type3A_333 : vector<16xi32>
      %add3A_341 = vector.broadcast %mul3A_337 : i32 to vector<16xi32>
      %add3A_342 = arith.addi %add3A_341, %mul3A_340 : vector<16xi32>
      %ge3A_343 = arith.constant 72 : i32
      %ge3A_344 = vector.broadcast %ge3A_343 : i32 to vector<16xi32>
      %ge3A_345 = arith.cmpi sge, %add3A_329, %ge3A_344 : vector<16xi32>
      %select_n3A_346 = arith.select %ge3A_345, %and3A_227, %and3A_210 : vector<16xi1>, vector<16xi32>
      %add3A_347 = arith.addi %add3A_342, %select_n3A_346 : vector<16xi32>
      %add3A_348 = arith.constant 1 : i32
      %add3A_349 = vector.broadcast %add3A_348 : i32 to vector<16xi32>
      %add3A_350 = arith.addi %add3A_347, %add3A_349 : vector<16xi32>
      %add3A_351 = arith.addi %add3A_350, %add3A_329 : vector<16xi32>
      %mul3A_352 = arith.constant 72 : i32
      %mul3A_353 = vector.broadcast %mul3A_352 : i32 to vector<16xi32>
      %mul3A_354 = arith.muli %mul3A_353, %convert_element_type3A_333 : vector<16xi32>
      %sub3A_355 = arith.subi %add3A_351, %mul3A_354 : vector<16xi32>
      %shift_right_arithmetic3A_356 = arith.constant 7 : i32
      %shift_right_arithmetic3A_357 = vector.broadcast %shift_right_arithmetic3A_356 : i32 to vector<16xi32>
      %shift_right_arithmetic3A_358 = arith.shrsi %sub3A_355, %shift_right_arithmetic3A_357 : vector<16xi32>
      %and3A_359 = arith.constant 127 : i32
      %and3A_360 = vector.broadcast %and3A_359 : i32 to vector<16xi32>
      %and3A_361 = arith.andi %sub3A_355, %and3A_360 : vector<16xi32>
      %gather3A_362 = tpu.vector_load_idx %arg11[%shift_right_arithmetic3A_358, %and3A_361] : memref<512x128xf32, #tpu.memory_space<vmem>>[vector<16xi32>, vector<16xi32>], vector<16xf32>,
      %mul3A_363 = arith.constant 144 : i32
      %mul3A_364 = arith.muli %mul3A_363, %scan3A_198 : i32
      %add3A_365 = arith.constant 32 : i32
      %add3A_366 = arith.addi %mul3A_364, %add3A_365 : i32
      %get3A_367 = arith.index_cast %add3A_366 : i32 to index
      %get3A_368 = tpu.vector_load %arg14[%get3A_367] {strides = array<i32>} : memref<18432xi32, #tpu.memory_space<vmem>>, vector<16xi32>,
      %convert_element_type3A_369 = arith.sitofp %get3A_368 : vector<16xi32> to vector<16xf32>
      %mul3A_370 = arith.mulf %gather3A_362, %convert_element_type3A_369 : vector<16xf32>
      %sub3A_371 = arith.constant 1.000000e+00 : f32
      %sub3A_372 = vector.broadcast %sub3A_371 : f32 to vector<16xf32>
      %sub3A_373 = arith.subf %convert_element_type3A_369, %sub3A_372 : vector<16xf32>
      %mul3A_374 = arith.constant 1.000000e+03 : f32
      %mul3A_375 = vector.broadcast %mul3A_374 : f32 to vector<16xf32>
      %mul3A_376 = arith.mulf %mul3A_375, %sub3A_373 : vector<16xf32>
      %add3A_377 = arith.addf %mul3A_370, %mul3A_376 : vector<16xf32>
      %swap3A_378 = arith.index_cast %add3A_366 : i32 to index
      %swap3A_379 = tpu.vector_load %arg17[%swap3A_378] {strides = array<i32>} : memref<18432xf32, #tpu.memory_space<vmem>>, vector<16xf32>,
      tpu.vector_store %arg17[%swap3A_378], %add3A_377 {strides = array<i32>} : memref<18432xf32, #tpu.memory_space<vmem>>, vector<16xf32>,
      %add3A_380 = arith.constant 48 : i32
      %add3A_381 = vector.broadcast %add3A_380 : i32 to vector<16xi32>
      %add3A_382 = arith.addi %add3A_381, %iota3A : vector<16xi32>
      %ge3A_383 = arith.constant 72 : i32
      %ge3A_384 = vector.broadcast %ge3A_383 : i32 to vector<16xi32>
      %ge3A_385 = arith.cmpi sge, %add3A_382, %ge3A_384 : vector<16xi32>
      %convert_element_type3A_386 = arith.extui %ge3A_385 : vector<16xi1> to vector<16xi32>
      %mul3A_387 = arith.constant 2 : i32
      %mul3A_388 = arith.muli %mul3A_387, %scan3A_198 : i32
      %mul3A_389 = arith.constant 256 : i32
      %mul3A_390 = arith.muli %mul3A_389, %mul3A_388 : i32
      %mul3A_391 = arith.constant 256 : i32
      %mul3A_392 = vector.broadcast %mul3A_391 : i32 to vector<16xi32>
      %mul3A_393 = arith.muli %mul3A_392, %convert_element_type3A_386 : vector<16xi32>
      %add3A_394 = vector.broadcast %mul3A_390 : i32 to vector<16xi32>
      %add3A_395 = arith.addi %add3A_394, %mul3A_393 : vector<16xi32>
      %ge3A_396 = arith.constant 72 : i32
      %ge3A_397 = vector.broadcast %ge3A_396 : i32 to vector<16xi32>
      %ge3A_398 = arith.cmpi sge, %add3A_382, %ge3A_397 : vector<16xi32>
      %select_n3A_399 = arith.select %ge3A_398, %and3A_227, %and3A_210 : vector<16xi1>, vector<16xi32>
      %add3A_400 = arith.addi %add3A_395, %select_n3A_399 : vector<16xi32>
      %add3A_401 = arith.constant 1 : i32
      %add3A_402 = vector.broadcast %add3A_401 : i32 to vector<16xi32>
      %add3A_403 = arith.addi %add3A_400, %add3A_402 : vector<16xi32>
      %add3A_404 = arith.addi %add3A_403, %add3A_382 : vector<16xi32>
      %mul3A_405 = arith.constant 72 : i32
      %mul3A_406 = vector.broadcast %mul3A_405 : i32 to vector<16xi32>
      %mul3A_407 = arith.muli %mul3A_406, %convert_element_type3A_386 : vector<16xi32>
      %sub3A_408 = arith.subi %add3A_404, %mul3A_407 : vector<16xi32>
      %shift_right_arithmetic3A_409 = arith.constant 7 : i32
      %shift_right_arithmetic3A_410 = vector.broadcast %shift_right_arithmetic3A_409 : i32 to vector<16xi32>
      %shift_right_arithmetic3A_411 = arith.shrsi %sub3A_408, %shift_right_arithmetic3A_410 : vector<16xi32>
      %and3A_412 = arith.constant 127 : i32
      %and3A_413 = vector.broadcast %and3A_412 : i32 to vector<16xi32>
      %and3A_414 = arith.andi %sub3A_408, %and3A_413 : vector<16xi32>
      %gather3A_415 = tpu.vector_load_idx %arg11[%shift_right_arithmetic3A_411, %and3A_414] : memref<512x128xf32, #tpu.memory_space<vmem>>[vector<16xi32>, vector<16xi32>], vector<16xf32>,
      %mul3A_416 = arith.constant 144 : i32
      %mul3A_417 = arith.muli %mul3A_416, %scan3A_198 : i32
      %add3A_418 = arith.constant 48 : i32
      %add3A_419 = arith.addi %mul3A_417, %add3A_418 : i32
      %get3A_420 = arith.index_cast %add3A_419 : i32 to index
      %get3A_421 = tpu.vector_load %arg14[%get3A_420] {strides = array<i32>} : memref<18432xi32, #tpu.memory_space<vmem>>, vector<16xi32>,
      %convert_element_type3A_422 = arith.sitofp %get3A_421 : vector<16xi32> to vector<16xf32>
      %mul3A_423 = arith.mulf %gather3A_415, %convert_element_type3A_422 : vector<16xf32>
      %sub3A_424 = arith.constant 1.000000e+00 : f32
      %sub3A_425 = vector.broadcast %sub3A_424 : f32 to vector<16xf32>
      %sub3A_426 = arith.subf %convert_element_type3A_422, %sub3A_425 : vector<16xf32>
      %mul3A_427 = arith.constant 1.000000e+03 : f32
      %mul3A_428 = vector.broadcast %mul3A_427 : f32 to vector<16xf32>
      %mul3A_429 = arith.mulf %mul3A_428, %sub3A_426 : vector<16xf32>
      %add3A_430 = arith.addf %mul3A_423, %mul3A_429 : vector<16xf32>
      %swap3A_431 = arith.index_cast %add3A_419 : i32 to index
      %swap3A_432 = tpu.vector_load %arg17[%swap3A_431] {strides = array<i32>} : memref<18432xf32, #tpu.memory_space<vmem>>, vector<16xf32>,
      tpu.vector_store %arg17[%swap3A_431], %add3A_430 {strides = array<i32>} : memref<18432xf32, #tpu.memory_space<vmem>>, vector<16xf32>,
      %add3A_433 = arith.constant 64 : i32
      %add3A_434 = vector.broadcast %add3A_433 : i32 to vector<16xi32>
      %add3A_435 = arith.addi %add3A_434, %iota3A : vector<16xi32>
      %ge3A_436 = arith.constant 72 : i32
      %ge3A_437 = vector.broadcast %ge3A_436 : i32 to vector<16xi32>
      %ge3A_438 = arith.cmpi sge, %add3A_435, %ge3A_437 : vector<16xi32>
      %convert_element_type3A_439 = arith.extui %ge3A_438 : vector<16xi1> to vector<16xi32>
      %mul3A_440 = arith.constant 2 : i32
      %mul3A_441 = arith.muli %mul3A_440, %scan3A_198 : i32
      %mul3A_442 = arith.constant 256 : i32
      %mul3A_443 = arith.muli %mul3A_442, %mul3A_441 : i32
      %mul3A_444 = arith.constant 256 : i32
      %mul3A_445 = vector.broadcast %mul3A_444 : i32 to vector<16xi32>
      %mul3A_446 = arith.muli %mul3A_445, %convert_element_type3A_439 : vector<16xi32>
      %add3A_447 = vector.broadcast %mul3A_443 : i32 to vector<16xi32>
      %add3A_448 = arith.addi %add3A_447, %mul3A_446 : vector<16xi32>
      %ge3A_449 = arith.constant 72 : i32
      %ge3A_450 = vector.broadcast %ge3A_449 : i32 to vector<16xi32>
      %ge3A_451 = arith.cmpi sge, %add3A_435, %ge3A_450 : vector<16xi32>
      %select_n3A_452 = arith.select %ge3A_451, %and3A_227, %and3A_210 : vector<16xi1>, vector<16xi32>
      %add3A_453 = arith.addi %add3A_448, %select_n3A_452 : vector<16xi32>
      %add3A_454 = arith.constant 1 : i32
      %add3A_455 = vector.broadcast %add3A_454 : i32 to vector<16xi32>
      %add3A_456 = arith.addi %add3A_453, %add3A_455 : vector<16xi32>
      %add3A_457 = arith.addi %add3A_456, %add3A_435 : vector<16xi32>
      %mul3A_458 = arith.constant 72 : i32
      %mul3A_459 = vector.broadcast %mul3A_458 : i32 to vector<16xi32>
      %mul3A_460 = arith.muli %mul3A_459, %convert_element_type3A_439 : vector<16xi32>
      %sub3A_461 = arith.subi %add3A_457, %mul3A_460 : vector<16xi32>
      %shift_right_arithmetic3A_462 = arith.constant 7 : i32
      %shift_right_arithmetic3A_463 = vector.broadcast %shift_right_arithmetic3A_462 : i32 to vector<16xi32>
      %shift_right_arithmetic3A_464 = arith.shrsi %sub3A_461, %shift_right_arithmetic3A_463 : vector<16xi32>
      %and3A_465 = arith.constant 127 : i32
      %and3A_466 = vector.broadcast %and3A_465 : i32 to vector<16xi32>
      %and3A_467 = arith.andi %sub3A_461, %and3A_466 : vector<16xi32>
      %gather3A_468 = tpu.vector_load_idx %arg11[%shift_right_arithmetic3A_464, %and3A_467] : memref<512x128xf32, #tpu.memory_space<vmem>>[vector<16xi32>, vector<16xi32>], vector<16xf32>,
      %mul3A_469 = arith.constant 144 : i32
      %mul3A_470 = arith.muli %mul3A_469, %scan3A_198 : i32
      %add3A_471 = arith.constant 64 : i32
      %add3A_472 = arith.addi %mul3A_470, %add3A_471 : i32
      %get3A_473 = arith.index_cast %add3A_472 : i32 to index
      %get3A_474 = tpu.vector_load %arg14[%get3A_473] {strides = array<i32>} : memref<18432xi32, #tpu.memory_space<vmem>>, vector<16xi32>,
      %convert_element_type3A_475 = arith.sitofp %get3A_474 : vector<16xi32> to vector<16xf32>
      %mul3A_476 = arith.mulf %gather3A_468, %convert_element_type3A_475 : vector<16xf32>
      %sub3A_477 = arith.constant 1.000000e+00 : f32
      %sub3A_478 = vector.broadcast %sub3A_477 : f32 to vector<16xf32>
      %sub3A_479 = arith.subf %convert_element_type3A_475, %sub3A_478 : vector<16xf32>
      %mul3A_480 = arith.constant 1.000000e+03 : f32
      %mul3A_481 = vector.broadcast %mul3A_480 : f32 to vector<16xf32>
      %mul3A_482 = arith.mulf %mul3A_481, %sub3A_479 : vector<16xf32>
      %add3A_483 = arith.addf %mul3A_476, %mul3A_482 : vector<16xf32>
      %swap3A_484 = arith.index_cast %add3A_472 : i32 to index
      %swap3A_485 = tpu.vector_load %arg17[%swap3A_484] {strides = array<i32>} : memref<18432xf32, #tpu.memory_space<vmem>>, vector<16xf32>,
      tpu.vector_store %arg17[%swap3A_484], %add3A_483 {strides = array<i32>} : memref<18432xf32, #tpu.memory_space<vmem>>, vector<16xf32>,
      %add3A_486 = arith.constant 80 : i32
      %add3A_487 = vector.broadcast %add3A_486 : i32 to vector<16xi32>
      %add3A_488 = arith.addi %add3A_487, %iota3A : vector<16xi32>
      %ge3A_489 = arith.constant 72 : i32
      %ge3A_490 = vector.broadcast %ge3A_489 : i32 to vector<16xi32>
      %ge3A_491 = arith.cmpi sge, %add3A_488, %ge3A_490 : vector<16xi32>
      %convert_element_type3A_492 = arith.extui %ge3A_491 : vector<16xi1> to vector<16xi32>
      %mul3A_493 = arith.constant 2 : i32
      %mul3A_494 = arith.muli %mul3A_493, %scan3A_198 : i32
      %mul3A_495 = arith.constant 256 : i32
      %mul3A_496 = arith.muli %mul3A_495, %mul3A_494 : i32
      %mul3A_497 = arith.constant 256 : i32
      %mul3A_498 = vector.broadcast %mul3A_497 : i32 to vector<16xi32>
      %mul3A_499 = arith.muli %mul3A_498, %convert_element_type3A_492 : vector<16xi32>
      %add3A_500 = vector.broadcast %mul3A_496 : i32 to vector<16xi32>
      %add3A_501 = arith.addi %add3A_500, %mul3A_499 : vector<16xi32>
      %ge3A_502 = arith.constant 72 : i32
      %ge3A_503 = vector.broadcast %ge3A_502 : i32 to vector<16xi32>
      %ge3A_504 = arith.cmpi sge, %add3A_488, %ge3A_503 : vector<16xi32>
      %select_n3A_505 = arith.select %ge3A_504, %and3A_227, %and3A_210 : vector<16xi1>, vector<16xi32>
      %add3A_506 = arith.addi %add3A_501, %select_n3A_505 : vector<16xi32>
      %add3A_507 = arith.constant 1 : i32
      %add3A_508 = vector.broadcast %add3A_507 : i32 to vector<16xi32>
      %add3A_509 = arith.addi %add3A_506, %add3A_508 : vector<16xi32>
      %add3A_510 = arith.addi %add3A_509, %add3A_488 : vector<16xi32>
      %mul3A_511 = arith.constant 72 : i32
      %mul3A_512 = vector.broadcast %mul3A_511 : i32 to vector<16xi32>
      %mul3A_513 = arith.muli %mul3A_512, %convert_element_type3A_492 : vector<16xi32>
      %sub3A_514 = arith.subi %add3A_510, %mul3A_513 : vector<16xi32>
      %shift_right_arithmetic3A_515 = arith.constant 7 : i32
      %shift_right_arithmetic3A_516 = vector.broadcast %shift_right_arithmetic3A_515 : i32 to vector<16xi32>
      %shift_right_arithmetic3A_517 = arith.shrsi %sub3A_514, %shift_right_arithmetic3A_516 : vector<16xi32>
      %and3A_518 = arith.constant 127 : i32
      %and3A_519 = vector.broadcast %and3A_518 : i32 to vector<16xi32>
      %and3A_520 = arith.andi %sub3A_514, %and3A_519 : vector<16xi32>
      %gather3A_521 = tpu.vector_load_idx %arg11[%shift_right_arithmetic3A_517, %and3A_520] : memref<512x128xf32, #tpu.memory_space<vmem>>[vector<16xi32>, vector<16xi32>], vector<16xf32>,
      %mul3A_522 = arith.constant 144 : i32
      %mul3A_523 = arith.muli %mul3A_522, %scan3A_198 : i32
      %add3A_524 = arith.constant 80 : i32
      %add3A_525 = arith.addi %mul3A_523, %add3A_524 : i32
      %get3A_526 = arith.index_cast %add3A_525 : i32 to index
      %get3A_527 = tpu.vector_load %arg14[%get3A_526] {strides = array<i32>} : memref<18432xi32, #tpu.memory_space<vmem>>, vector<16xi32>,
      %convert_element_type3A_528 = arith.sitofp %get3A_527 : vector<16xi32> to vector<16xf32>
      %mul3A_529 = arith.mulf %gather3A_521, %convert_element_type3A_528 : vector<16xf32>
      %sub3A_530 = arith.constant 1.000000e+00 : f32
      %sub3A_531 = vector.broadcast %sub3A_530 : f32 to vector<16xf32>
      %sub3A_532 = arith.subf %convert_element_type3A_528, %sub3A_531 : vector<16xf32>
      %mul3A_533 = arith.constant 1.000000e+03 : f32
      %mul3A_534 = vector.broadcast %mul3A_533 : f32 to vector<16xf32>
      %mul3A_535 = arith.mulf %mul3A_534, %sub3A_532 : vector<16xf32>
      %add3A_536 = arith.addf %mul3A_529, %mul3A_535 : vector<16xf32>
      %swap3A_537 = arith.index_cast %add3A_525 : i32 to index
      %swap3A_538 = tpu.vector_load %arg17[%swap3A_537] {strides = array<i32>} : memref<18432xf32, #tpu.memory_space<vmem>>, vector<16xf32>,
      tpu.vector_store %arg17[%swap3A_537], %add3A_536 {strides = array<i32>} : memref<18432xf32, #tpu.memory_space<vmem>>, vector<16xf32>,
      %add3A_539 = arith.constant 96 : i32
      %add3A_540 = vector.broadcast %add3A_539 : i32 to vector<16xi32>
      %add3A_541 = arith.addi %add3A_540, %iota3A : vector<16xi32>
      %ge3A_542 = arith.constant 72 : i32
      %ge3A_543 = vector.broadcast %ge3A_542 : i32 to vector<16xi32>
      %ge3A_544 = arith.cmpi sge, %add3A_541, %ge3A_543 : vector<16xi32>
      %convert_element_type3A_545 = arith.extui %ge3A_544 : vector<16xi1> to vector<16xi32>
      %mul3A_546 = arith.constant 2 : i32
      %mul3A_547 = arith.muli %mul3A_546, %scan3A_198 : i32
      %mul3A_548 = arith.constant 256 : i32
      %mul3A_549 = arith.muli %mul3A_548, %mul3A_547 : i32
      %mul3A_550 = arith.constant 256 : i32
      %mul3A_551 = vector.broadcast %mul3A_550 : i32 to vector<16xi32>
      %mul3A_552 = arith.muli %mul3A_551, %convert_element_type3A_545 : vector<16xi32>
      %add3A_553 = vector.broadcast %mul3A_549 : i32 to vector<16xi32>
      %add3A_554 = arith.addi %add3A_553, %mul3A_552 : vector<16xi32>
      %ge3A_555 = arith.constant 72 : i32
      %ge3A_556 = vector.broadcast %ge3A_555 : i32 to vector<16xi32>
      %ge3A_557 = arith.cmpi sge, %add3A_541, %ge3A_556 : vector<16xi32>
      %select_n3A_558 = arith.select %ge3A_557, %and3A_227, %and3A_210 : vector<16xi1>, vector<16xi32>
      %add3A_559 = arith.addi %add3A_554, %select_n3A_558 : vector<16xi32>
      %add3A_560 = arith.constant 1 : i32
      %add3A_561 = vector.broadcast %add3A_560 : i32 to vector<16xi32>
      %add3A_562 = arith.addi %add3A_559, %add3A_561 : vector<16xi32>
      %add3A_563 = arith.addi %add3A_562, %add3A_541 : vector<16xi32>
      %mul3A_564 = arith.constant 72 : i32
      %mul3A_565 = vector.broadcast %mul3A_564 : i32 to vector<16xi32>
      %mul3A_566 = arith.muli %mul3A_565, %convert_element_type3A_545 : vector<16xi32>
      %sub3A_567 = arith.subi %add3A_563, %mul3A_566 : vector<16xi32>
      %shift_right_arithmetic3A_568 = arith.constant 7 : i32
      %shift_right_arithmetic3A_569 = vector.broadcast %shift_right_arithmetic3A_568 : i32 to vector<16xi32>
      %shift_right_arithmetic3A_570 = arith.shrsi %sub3A_567, %shift_right_arithmetic3A_569 : vector<16xi32>
      %and3A_571 = arith.constant 127 : i32
      %and3A_572 = vector.broadcast %and3A_571 : i32 to vector<16xi32>
      %and3A_573 = arith.andi %sub3A_567, %and3A_572 : vector<16xi32>
      %gather3A_574 = tpu.vector_load_idx %arg11[%shift_right_arithmetic3A_570, %and3A_573] : memref<512x128xf32, #tpu.memory_space<vmem>>[vector<16xi32>, vector<16xi32>], vector<16xf32>,
      %mul3A_575 = arith.constant 144 : i32
      %mul3A_576 = arith.muli %mul3A_575, %scan3A_198 : i32
      %add3A_577 = arith.constant 96 : i32
      %add3A_578 = arith.addi %mul3A_576, %add3A_577 : i32
      %get3A_579 = arith.index_cast %add3A_578 : i32 to index
      %get3A_580 = tpu.vector_load %arg14[%get3A_579] {strides = array<i32>} : memref<18432xi32, #tpu.memory_space<vmem>>, vector<16xi32>,
      %convert_element_type3A_581 = arith.sitofp %get3A_580 : vector<16xi32> to vector<16xf32>
      %mul3A_582 = arith.mulf %gather3A_574, %convert_element_type3A_581 : vector<16xf32>
      %sub3A_583 = arith.constant 1.000000e+00 : f32
      %sub3A_584 = vector.broadcast %sub3A_583 : f32 to vector<16xf32>
      %sub3A_585 = arith.subf %convert_element_type3A_581, %sub3A_584 : vector<16xf32>
      %mul3A_586 = arith.constant 1.000000e+03 : f32
      %mul3A_587 = vector.broadcast %mul3A_586 : f32 to vector<16xf32>
      %mul3A_588 = arith.mulf %mul3A_587, %sub3A_585 : vector<16xf32>
      %add3A_589 = arith.addf %mul3A_582, %mul3A_588 : vector<16xf32>
      %swap3A_590 = arith.index_cast %add3A_578 : i32 to index
      %swap3A_591 = tpu.vector_load %arg17[%swap3A_590] {strides = array<i32>} : memref<18432xf32, #tpu.memory_space<vmem>>, vector<16xf32>,
      tpu.vector_store %arg17[%swap3A_590], %add3A_589 {strides = array<i32>} : memref<18432xf32, #tpu.memory_space<vmem>>, vector<16xf32>,
      %add3A_592 = arith.constant 112 : i32
      %add3A_593 = vector.broadcast %add3A_592 : i32 to vector<16xi32>
      %add3A_594 = arith.addi %add3A_593, %iota3A : vector<16xi32>
      %ge3A_595 = arith.constant 72 : i32
      %ge3A_596 = vector.broadcast %ge3A_595 : i32 to vector<16xi32>
      %ge3A_597 = arith.cmpi sge, %add3A_594, %ge3A_596 : vector<16xi32>
      %convert_element_type3A_598 = arith.extui %ge3A_597 : vector<16xi1> to vector<16xi32>
      %mul3A_599 = arith.constant 2 : i32
      %mul3A_600 = arith.muli %mul3A_599, %scan3A_198 : i32
      %mul3A_601 = arith.constant 256 : i32
      %mul3A_602 = arith.muli %mul3A_601, %mul3A_600 : i32
      %mul3A_603 = arith.constant 256 : i32
      %mul3A_604 = vector.broadcast %mul3A_603 : i32 to vector<16xi32>
      %mul3A_605 = arith.muli %mul3A_604, %convert_element_type3A_598 : vector<16xi32>
      %add3A_606 = vector.broadcast %mul3A_602 : i32 to vector<16xi32>
      %add3A_607 = arith.addi %add3A_606, %mul3A_605 : vector<16xi32>
      %ge3A_608 = arith.constant 72 : i32
      %ge3A_609 = vector.broadcast %ge3A_608 : i32 to vector<16xi32>
      %ge3A_610 = arith.cmpi sge, %add3A_594, %ge3A_609 : vector<16xi32>
      %select_n3A_611 = arith.select %ge3A_610, %and3A_227, %and3A_210 : vector<16xi1>, vector<16xi32>
      %add3A_612 = arith.addi %add3A_607, %select_n3A_611 : vector<16xi32>
      %add3A_613 = arith.constant 1 : i32
      %add3A_614 = vector.broadcast %add3A_613 : i32 to vector<16xi32>
      %add3A_615 = arith.addi %add3A_612, %add3A_614 : vector<16xi32>
      %add3A_616 = arith.addi %add3A_615, %add3A_594 : vector<16xi32>
      %mul3A_617 = arith.constant 72 : i32
      %mul3A_618 = vector.broadcast %mul3A_617 : i32 to vector<16xi32>
      %mul3A_619 = arith.muli %mul3A_618, %convert_element_type3A_598 : vector<16xi32>
      %sub3A_620 = arith.subi %add3A_616, %mul3A_619 : vector<16xi32>
      %shift_right_arithmetic3A_621 = arith.constant 7 : i32
      %shift_right_arithmetic3A_622 = vector.broadcast %shift_right_arithmetic3A_621 : i32 to vector<16xi32>
      %shift_right_arithmetic3A_623 = arith.shrsi %sub3A_620, %shift_right_arithmetic3A_622 : vector<16xi32>
      %and3A_624 = arith.constant 127 : i32
      %and3A_625 = vector.broadcast %and3A_624 : i32 to vector<16xi32>
      %and3A_626 = arith.andi %sub3A_620, %and3A_625 : vector<16xi32>
      %gather3A_627 = tpu.vector_load_idx %arg11[%shift_right_arithmetic3A_623, %and3A_626] : memref<512x128xf32, #tpu.memory_space<vmem>>[vector<16xi32>, vector<16xi32>], vector<16xf32>,
      %mul3A_628 = arith.constant 144 : i32
      %mul3A_629 = arith.muli %mul3A_628, %scan3A_198 : i32
      %add3A_630 = arith.constant 112 : i32
      %add3A_631 = arith.addi %mul3A_629, %add3A_630 : i32
      %get3A_632 = arith.index_cast %add3A_631 : i32 to index
      %get3A_633 = tpu.vector_load %arg14[%get3A_632] {strides = array<i32>} : memref<18432xi32, #tpu.memory_space<vmem>>, vector<16xi32>,
      %convert_element_type3A_634 = arith.sitofp %get3A_633 : vector<16xi32> to vector<16xf32>
      %mul3A_635 = arith.mulf %gather3A_627, %convert_element_type3A_634 : vector<16xf32>
      %sub3A_636 = arith.constant 1.000000e+00 : f32
      %sub3A_637 = vector.broadcast %sub3A_636 : f32 to vector<16xf32>
      %sub3A_638 = arith.subf %convert_element_type3A_634, %sub3A_637 : vector<16xf32>
      %mul3A_639 = arith.constant 1.000000e+03 : f32
      %mul3A_640 = vector.broadcast %mul3A_639 : f32 to vector<16xf32>
      %mul3A_641 = arith.mulf %mul3A_640, %sub3A_638 : vector<16xf32>
      %add3A_642 = arith.addf %mul3A_635, %mul3A_641 : vector<16xf32>
      %swap3A_643 = arith.index_cast %add3A_631 : i32 to index
      %swap3A_644 = tpu.vector_load %arg17[%swap3A_643] {strides = array<i32>} : memref<18432xf32, #tpu.memory_space<vmem>>, vector<16xf32>,
      tpu.vector_store %arg17[%swap3A_643], %add3A_642 {strides = array<i32>} : memref<18432xf32, #tpu.memory_space<vmem>>, vector<16xf32>,
      %add3A_645 = arith.constant 128 : i32
      %add3A_646 = vector.broadcast %add3A_645 : i32 to vector<16xi32>
      %add3A_647 = arith.addi %add3A_646, %iota3A : vector<16xi32>
      %ge3A_648 = arith.constant 72 : i32
      %ge3A_649 = vector.broadcast %ge3A_648 : i32 to vector<16xi32>
      %ge3A_650 = arith.cmpi sge, %add3A_647, %ge3A_649 : vector<16xi32>
      %convert_element_type3A_651 = arith.extui %ge3A_650 : vector<16xi1> to vector<16xi32>
      %mul3A_652 = arith.constant 2 : i32
      %mul3A_653 = arith.muli %mul3A_652, %scan3A_198 : i32
      %mul3A_654 = arith.constant 256 : i32
      %mul3A_655 = arith.muli %mul3A_654, %mul3A_653 : i32
      %mul3A_656 = arith.constant 256 : i32
      %mul3A_657 = vector.broadcast %mul3A_656 : i32 to vector<16xi32>
      %mul3A_658 = arith.muli %mul3A_657, %convert_element_type3A_651 : vector<16xi32>
      %add3A_659 = vector.broadcast %mul3A_655 : i32 to vector<16xi32>
      %add3A_660 = arith.addi %add3A_659, %mul3A_658 : vector<16xi32>
      %ge3A_661 = arith.constant 72 : i32
      %ge3A_662 = vector.broadcast %ge3A_661 : i32 to vector<16xi32>
      %ge3A_663 = arith.cmpi sge, %add3A_647, %ge3A_662 : vector<16xi32>
      %select_n3A_664 = arith.select %ge3A_663, %and3A_227, %and3A_210 : vector<16xi1>, vector<16xi32>
      %add3A_665 = arith.addi %add3A_660, %select_n3A_664 : vector<16xi32>
      %add3A_666 = arith.constant 1 : i32
      %add3A_667 = vector.broadcast %add3A_666 : i32 to vector<16xi32>
      %add3A_668 = arith.addi %add3A_665, %add3A_667 : vector<16xi32>
      %add3A_669 = arith.addi %add3A_668, %add3A_647 : vector<16xi32>
      %mul3A_670 = arith.constant 72 : i32
      %mul3A_671 = vector.broadcast %mul3A_670 : i32 to vector<16xi32>
      %mul3A_672 = arith.muli %mul3A_671, %convert_element_type3A_651 : vector<16xi32>
      %sub3A_673 = arith.subi %add3A_669, %mul3A_672 : vector<16xi32>
      %shift_right_arithmetic3A_674 = arith.constant 7 : i32
      %shift_right_arithmetic3A_675 = vector.broadcast %shift_right_arithmetic3A_674 : i32 to vector<16xi32>
      %shift_right_arithmetic3A_676 = arith.shrsi %sub3A_673, %shift_right_arithmetic3A_675 : vector<16xi32>
      %and3A_677 = arith.constant 127 : i32
      %and3A_678 = vector.broadcast %and3A_677 : i32 to vector<16xi32>
      %and3A_679 = arith.andi %sub3A_673, %and3A_678 : vector<16xi32>
      %gather3A_680 = tpu.vector_load_idx %arg11[%shift_right_arithmetic3A_676, %and3A_679] : memref<512x128xf32, #tpu.memory_space<vmem>>[vector<16xi32>, vector<16xi32>], vector<16xf32>,
      %mul3A_681 = arith.constant 144 : i32
      %mul3A_682 = arith.muli %mul3A_681, %scan3A_198 : i32
      %add3A_683 = arith.constant 128 : i32
      %add3A_684 = arith.addi %mul3A_682, %add3A_683 : i32
      %get3A_685 = arith.index_cast %add3A_684 : i32 to index
      %get3A_686 = tpu.vector_load %arg14[%get3A_685] {strides = array<i32>} : memref<18432xi32, #tpu.memory_space<vmem>>, vector<16xi32>,
      %convert_element_type3A_687 = arith.sitofp %get3A_686 : vector<16xi32> to vector<16xf32>
      %mul3A_688 = arith.mulf %gather3A_680, %convert_element_type3A_687 : vector<16xf32>
      %sub3A_689 = arith.constant 1.000000e+00 : f32
      %sub3A_690 = vector.broadcast %sub3A_689 : f32 to vector<16xf32>
      %sub3A_691 = arith.subf %convert_element_type3A_687, %sub3A_690 : vector<16xf32>
      %mul3A_692 = arith.constant 1.000000e+03 : f32
      %mul3A_693 = vector.broadcast %mul3A_692 : f32 to vector<16xf32>
      %mul3A_694 = arith.mulf %mul3A_693, %sub3A_691 : vector<16xf32>
      %add3A_695 = arith.addf %mul3A_688, %mul3A_694 : vector<16xf32>
      %swap3A_696 = arith.index_cast %add3A_684 : i32 to index
      %swap3A_697 = tpu.vector_load %arg17[%swap3A_696] {strides = array<i32>} : memref<18432xf32, #tpu.memory_space<vmem>>, vector<16xf32>,
      tpu.vector_store %arg17[%swap3A_696], %add3A_695 {strides = array<i32>} : memref<18432xf32, #tpu.memory_space<vmem>>, vector<16xf32>,
    }
    %scan3A_87 = arith.constant 128 : i32
    %scan3A_88 = arith.constant 0 : i32
    %scan3A_89 = arith.constant 0 : i32
    %scan3A_90 = arith.constant 64 : i32
    %scan3A_91 = arith.addi %scan3A_89, %scan3A_90 : i32
    %scan3A_92 = arith.constant 1 : i32
    scf.for %scan3A_198 = %scan3A_89 to %scan3A_91 step %scan3A_92  : i32 {
      %mul3A_199 = arith.constant 0 : i32
      %mul3A_200 = vector.broadcast %mul3A_199 : i32 to vector<16xi32>
      %mul3A_201 = arith.muli %iota3A, %mul3A_200 : vector<16xi32>
      %mul3A_202 = arith.constant 4 : i32
      %mul3A_203 = arith.muli %mul3A_202, %scan3A_198 : i32
      %add3A_204 = vector.broadcast %mul3A_203 : i32 to vector<16xi32>
      %add3A_205 = arith.addi %mul3A_201, %add3A_204 : vector<16xi32>
      %add3A_206 = arith.constant 0 : i32
      %add3A_207 = vector.broadcast %add3A_206 : i32 to vector<16xi32>
      %add3A_208 = arith.addi %add3A_205, %add3A_207 : vector<16xi32>
      %gather3A = tpu.vector_load_idx %arg12[%add3A_208] : memref<256xi32, #tpu.memory_space<vmem>>[vector<16xi32>], vector<16xi32>,
      %mul3A_209 = arith.constant 110 : i32
      %mul3A_210 = vector.broadcast %mul3A_209 : i32 to vector<16xi32>
      %mul3A_211 = arith.muli %gather3A, %mul3A_210 : vector<16xi32>
      %and3A = arith.constant 127 : i32
      %and3A_212 = vector.broadcast %and3A : i32 to vector<16xi32>
      %and3A_213 = arith.andi %mul3A_211, %and3A_212 : vector<16xi32>
      %mul3A_214 = arith.constant 0 : i32
      %mul3A_215 = vector.broadcast %mul3A_214 : i32 to vector<16xi32>
      %mul3A_216 = arith.muli %iota3A, %mul3A_215 : vector<16xi32>
      %mul3A_217 = arith.constant 4 : i32
      %mul3A_218 = arith.muli %mul3A_217, %scan3A_198 : i32
      %add3A_219 = vector.broadcast %mul3A_218 : i32 to vector<16xi32>
      %add3A_220 = arith.addi %mul3A_216, %add3A_219 : vector<16xi32>
      %add3A_221 = arith.constant 1 : i32
      %add3A_222 = vector.broadcast %add3A_221 : i32 to vector<16xi32>
      %add3A_223 = arith.addi %add3A_220, %add3A_222 : vector<16xi32>
      %gather3A_224 = tpu.vector_load_idx %arg12[%add3A_223] : memref<256xi32, #tpu.memory_space<vmem>>[vector<16xi32>], vector<16xi32>,
      %mul3A_225 = arith.constant 110 : i32
      %mul3A_226 = vector.broadcast %mul3A_225 : i32 to vector<16xi32>
      %mul3A_227 = arith.muli %gather3A_224, %mul3A_226 : vector<16xi32>
      %and3A_228 = arith.constant 127 : i32
      %and3A_229 = vector.broadcast %and3A_228 : i32 to vector<16xi32>
      %and3A_230 = arith.andi %mul3A_227, %and3A_229 : vector<16xi32>
      %mul3A_231 = arith.constant 0 : i32
      %mul3A_232 = vector.broadcast %mul3A_231 : i32 to vector<16xi32>
      %mul3A_233 = arith.muli %iota3A, %mul3A_232 : vector<16xi32>
      %mul3A_234 = arith.constant 4 : i32
      %mul3A_235 = arith.muli %mul3A_234, %scan3A_198 : i32
      %add3A_236 = vector.broadcast %mul3A_235 : i32 to vector<16xi32>
      %add3A_237 = arith.addi %mul3A_233, %add3A_236 : vector<16xi32>
      %add3A_238 = arith.constant 2 : i32
      %add3A_239 = vector.broadcast %add3A_238 : i32 to vector<16xi32>
      %add3A_240 = arith.addi %add3A_237, %add3A_239 : vector<16xi32>
      %gather3A_241 = tpu.vector_load_idx %arg12[%add3A_240] : memref<256xi32, #tpu.memory_space<vmem>>[vector<16xi32>], vector<16xi32>,
      %mul3A_242 = arith.constant 110 : i32
      %mul3A_243 = vector.broadcast %mul3A_242 : i32 to vector<16xi32>
      %mul3A_244 = arith.muli %gather3A_241, %mul3A_243 : vector<16xi32>
      %and3A_245 = arith.constant 127 : i32
      %and3A_246 = vector.broadcast %and3A_245 : i32 to vector<16xi32>
      %and3A_247 = arith.andi %mul3A_244, %and3A_246 : vector<16xi32>
      %mul3A_248 = arith.constant 0 : i32
      %mul3A_249 = vector.broadcast %mul3A_248 : i32 to vector<16xi32>
      %mul3A_250 = arith.muli %iota3A, %mul3A_249 : vector<16xi32>
      %mul3A_251 = arith.constant 4 : i32
      %mul3A_252 = arith.muli %mul3A_251, %scan3A_198 : i32
      %add3A_253 = vector.broadcast %mul3A_252 : i32 to vector<16xi32>
      %add3A_254 = arith.addi %mul3A_250, %add3A_253 : vector<16xi32>
      %add3A_255 = arith.constant 3 : i32
      %add3A_256 = vector.broadcast %add3A_255 : i32 to vector<16xi32>
      %add3A_257 = arith.addi %add3A_254, %add3A_256 : vector<16xi32>
      %gather3A_258 = tpu.vector_load_idx %arg12[%add3A_257] : memref<256xi32, #tpu.memory_space<vmem>>[vector<16xi32>], vector<16xi32>,
      %mul3A_259 = arith.constant 110 : i32
      %mul3A_260 = vector.broadcast %mul3A_259 : i32 to vector<16xi32>
      %mul3A_261 = arith.muli %gather3A_258, %mul3A_260 : vector<16xi32>
      %and3A_262 = arith.constant 127 : i32
      %and3A_263 = vector.broadcast %and3A_262 : i32 to vector<16xi32>
      %and3A_264 = arith.andi %mul3A_261, %and3A_263 : vector<16xi32>
      %add3A_265 = arith.constant 0 : i32
      %add3A_266 = vector.broadcast %add3A_265 : i32 to vector<16xi32>
      %add3A_267 = arith.addi %add3A_266, %iota3A : vector<16xi32>
      %ge3A = arith.constant 36 : i32
      %ge3A_268 = vector.broadcast %ge3A : i32 to vector<16xi32>
      %ge3A_269 = arith.cmpi sge, %add3A_267, %ge3A_268 : vector<16xi32>
      %convert_element_type3A = arith.extui %ge3A_269 : vector<16xi1> to vector<16xi32>
      %ge3A_270 = arith.constant 72 : i32
      %ge3A_271 = vector.broadcast %ge3A_270 : i32 to vector<16xi32>
      %ge3A_272 = arith.cmpi sge, %add3A_267, %ge3A_271 : vector<16xi32>
      %convert_element_type3A_273 = arith.extui %ge3A_272 : vector<16xi1> to vector<16xi32>
      %add3A_274 = arith.addi %convert_element_type3A, %convert_element_type3A_273 : vector<16xi32>
      %ge3A_275 = arith.constant 108 : i32
      %ge3A_276 = vector.broadcast %ge3A_275 : i32 to vector<16xi32>
      %ge3A_277 = arith.cmpi sge, %add3A_267, %ge3A_276 : vector<16xi32>
      %convert_element_type3A_278 = arith.extui %ge3A_277 : vector<16xi1> to vector<16xi32>
      %add3A_279 = arith.addi %add3A_274, %convert_element_type3A_278 : vector<16xi32>
      %ge3A_280 = arith.constant 108 : i32
      %ge3A_281 = vector.broadcast %ge3A_280 : i32 to vector<16xi32>
      %ge3A_282 = arith.cmpi sge, %add3A_267, %ge3A_281 : vector<16xi32>
      %ge3A_283 = arith.constant 72 : i32
      %ge3A_284 = vector.broadcast %ge3A_283 : i32 to vector<16xi32>
      %ge3A_285 = arith.cmpi sge, %add3A_267, %ge3A_284 : vector<16xi32>
      %ge3A_286 = arith.constant 36 : i32
      %ge3A_287 = vector.broadcast %ge3A_286 : i32 to vector<16xi32>
      %ge3A_288 = arith.cmpi sge, %add3A_267, %ge3A_287 : vector<16xi32>
      %select_n3A = arith.select %ge3A_288, %and3A_230, %and3A_213 : vector<16xi1>, vector<16xi32>
      %select_n3A_289 = arith.select %ge3A_285, %and3A_247, %select_n3A : vector<16xi1>, vector<16xi32>
      %select_n3A_290 = arith.select %ge3A_282, %and3A_264, %select_n3A_289 : vector<16xi1>, vector<16xi32>
      %mul3A_291 = arith.constant 4 : i32
      %mul3A_292 = arith.muli %mul3A_291, %scan3A_198 : i32
      %mul3A_293 = arith.constant 256 : i32
      %mul3A_294 = arith.muli %mul3A_293, %mul3A_292 : i32
      %mul3A_295 = arith.constant 256 : i32
      %mul3A_296 = vector.broadcast %mul3A_295 : i32 to vector<16xi32>
      %mul3A_297 = arith.muli %mul3A_296, %add3A_279 : vector<16xi32>
      %add3A_298 = vector.broadcast %mul3A_294 : i32 to vector<16xi32>
      %add3A_299 = arith.addi %add3A_298, %mul3A_297 : vector<16xi32>
      %add3A_300 = arith.addi %add3A_299, %select_n3A_290 : vector<16xi32>
      %add3A_301 = arith.constant 73 : i32
      %add3A_302 = vector.broadcast %add3A_301 : i32 to vector<16xi32>
      %add3A_303 = arith.addi %add3A_300, %add3A_302 : vector<16xi32>
      %add3A_304 = arith.addi %add3A_303, %add3A_267 : vector<16xi32>
      %mul3A_305 = arith.constant 36 : i32
      %mul3A_306 = vector.broadcast %mul3A_305 : i32 to vector<16xi32>
      %mul3A_307 = arith.muli %mul3A_306, %add3A_279 : vector<16xi32>
      %sub3A = arith.subi %add3A_304, %mul3A_307 : vector<16xi32>
      %shift_right_arithmetic3A = arith.constant 7 : i32
      %shift_right_arithmetic3A_308 = vector.broadcast %shift_right_arithmetic3A : i32 to vector<16xi32>
      %shift_right_arithmetic3A_309 = arith.shrsi %sub3A, %shift_right_arithmetic3A_308 : vector<16xi32>
      %and3A_310 = arith.constant 127 : i32
      %and3A_311 = vector.broadcast %and3A_310 : i32 to vector<16xi32>
      %and3A_312 = arith.andi %sub3A, %and3A_311 : vector<16xi32>
      %gather3A_313 = tpu.vector_load_idx %arg11[%shift_right_arithmetic3A_309, %and3A_312] : memref<512x128xf32, #tpu.memory_space<vmem>>[vector<16xi32>, vector<16xi32>], vector<16xf32>,
      %mul3A_314 = arith.constant 144 : i32
      %mul3A_315 = arith.muli %mul3A_314, %scan3A_198 : i32
      %add3A_316 = arith.constant 0 : i32
      %add3A_317 = arith.addi %mul3A_315, %add3A_316 : i32
      %get3A = arith.index_cast %add3A_317 : i32 to index
      %get3A_318 = tpu.vector_load %arg15[%get3A] {strides = array<i32>} : memref<9216xi32, #tpu.memory_space<vmem>>, vector<16xi32>,
      %convert_element_type3A_319 = arith.sitofp %get3A_318 : vector<16xi32> to vector<16xf32>
      %mul3A_320 = arith.mulf %gather3A_313, %convert_element_type3A_319 : vector<16xf32>
      %sub3A_321 = arith.constant 1.000000e+00 : f32
      %sub3A_322 = vector.broadcast %sub3A_321 : f32 to vector<16xf32>
      %sub3A_323 = arith.subf %convert_element_type3A_319, %sub3A_322 : vector<16xf32>
      %mul3A_324 = arith.constant 1.000000e+03 : f32
      %mul3A_325 = vector.broadcast %mul3A_324 : f32 to vector<16xf32>
      %mul3A_326 = arith.mulf %mul3A_325, %sub3A_323 : vector<16xf32>
      %add3A_327 = arith.addf %mul3A_320, %mul3A_326 : vector<16xf32>
      %swap3A = arith.index_cast %add3A_317 : i32 to index
      %swap3A_328 = tpu.vector_load %arg18[%swap3A] {strides = array<i32>} : memref<9216xf32, #tpu.memory_space<vmem>>, vector<16xf32>,
      tpu.vector_store %arg18[%swap3A], %add3A_327 {strides = array<i32>} : memref<9216xf32, #tpu.memory_space<vmem>>, vector<16xf32>,
      %add3A_329 = arith.constant 16 : i32
      %add3A_330 = vector.broadcast %add3A_329 : i32 to vector<16xi32>
      %add3A_331 = arith.addi %add3A_330, %iota3A : vector<16xi32>
      %ge3A_332 = arith.constant 36 : i32
      %ge3A_333 = vector.broadcast %ge3A_332 : i32 to vector<16xi32>
      %ge3A_334 = arith.cmpi sge, %add3A_331, %ge3A_333 : vector<16xi32>
      %convert_element_type3A_335 = arith.extui %ge3A_334 : vector<16xi1> to vector<16xi32>
      %ge3A_336 = arith.constant 72 : i32
      %ge3A_337 = vector.broadcast %ge3A_336 : i32 to vector<16xi32>
      %ge3A_338 = arith.cmpi sge, %add3A_331, %ge3A_337 : vector<16xi32>
      %convert_element_type3A_339 = arith.extui %ge3A_338 : vector<16xi1> to vector<16xi32>
      %add3A_340 = arith.addi %convert_element_type3A_335, %convert_element_type3A_339 : vector<16xi32>
      %ge3A_341 = arith.constant 108 : i32
      %ge3A_342 = vector.broadcast %ge3A_341 : i32 to vector<16xi32>
      %ge3A_343 = arith.cmpi sge, %add3A_331, %ge3A_342 : vector<16xi32>
      %convert_element_type3A_344 = arith.extui %ge3A_343 : vector<16xi1> to vector<16xi32>
      %add3A_345 = arith.addi %add3A_340, %convert_element_type3A_344 : vector<16xi32>
      %ge3A_346 = arith.constant 108 : i32
      %ge3A_347 = vector.broadcast %ge3A_346 : i32 to vector<16xi32>
      %ge3A_348 = arith.cmpi sge, %add3A_331, %ge3A_347 : vector<16xi32>
      %ge3A_349 = arith.constant 72 : i32
      %ge3A_350 = vector.broadcast %ge3A_349 : i32 to vector<16xi32>
      %ge3A_351 = arith.cmpi sge, %add3A_331, %ge3A_350 : vector<16xi32>
      %ge3A_352 = arith.constant 36 : i32
      %ge3A_353 = vector.broadcast %ge3A_352 : i32 to vector<16xi32>
      %ge3A_354 = arith.cmpi sge, %add3A_331, %ge3A_353 : vector<16xi32>
      %select_n3A_355 = arith.select %ge3A_354, %and3A_230, %and3A_213 : vector<16xi1>, vector<16xi32>
      %select_n3A_356 = arith.select %ge3A_351, %and3A_247, %select_n3A_355 : vector<16xi1>, vector<16xi32>
      %select_n3A_357 = arith.select %ge3A_348, %and3A_264, %select_n3A_356 : vector<16xi1>, vector<16xi32>
      %mul3A_358 = arith.constant 4 : i32
      %mul3A_359 = arith.muli %mul3A_358, %scan3A_198 : i32
      %mul3A_360 = arith.constant 256 : i32
      %mul3A_361 = arith.muli %mul3A_360, %mul3A_359 : i32
      %mul3A_362 = arith.constant 256 : i32
      %mul3A_363 = vector.broadcast %mul3A_362 : i32 to vector<16xi32>
      %mul3A_364 = arith.muli %mul3A_363, %add3A_345 : vector<16xi32>
      %add3A_365 = vector.broadcast %mul3A_361 : i32 to vector<16xi32>
      %add3A_366 = arith.addi %add3A_365, %mul3A_364 : vector<16xi32>
      %add3A_367 = arith.addi %add3A_366, %select_n3A_357 : vector<16xi32>
      %add3A_368 = arith.constant 73 : i32
      %add3A_369 = vector.broadcast %add3A_368 : i32 to vector<16xi32>
      %add3A_370 = arith.addi %add3A_367, %add3A_369 : vector<16xi32>
      %add3A_371 = arith.addi %add3A_370, %add3A_331 : vector<16xi32>
      %mul3A_372 = arith.constant 36 : i32
      %mul3A_373 = vector.broadcast %mul3A_372 : i32 to vector<16xi32>
      %mul3A_374 = arith.muli %mul3A_373, %add3A_345 : vector<16xi32>
      %sub3A_375 = arith.subi %add3A_371, %mul3A_374 : vector<16xi32>
      %shift_right_arithmetic3A_376 = arith.constant 7 : i32
      %shift_right_arithmetic3A_377 = vector.broadcast %shift_right_arithmetic3A_376 : i32 to vector<16xi32>
      %shift_right_arithmetic3A_378 = arith.shrsi %sub3A_375, %shift_right_arithmetic3A_377 : vector<16xi32>
      %and3A_379 = arith.constant 127 : i32
      %and3A_380 = vector.broadcast %and3A_379 : i32 to vector<16xi32>
      %and3A_381 = arith.andi %sub3A_375, %and3A_380 : vector<16xi32>
      %gather3A_382 = tpu.vector_load_idx %arg11[%shift_right_arithmetic3A_378, %and3A_381] : memref<512x128xf32, #tpu.memory_space<vmem>>[vector<16xi32>, vector<16xi32>], vector<16xf32>,
      %mul3A_383 = arith.constant 144 : i32
      %mul3A_384 = arith.muli %mul3A_383, %scan3A_198 : i32
      %add3A_385 = arith.constant 16 : i32
      %add3A_386 = arith.addi %mul3A_384, %add3A_385 : i32
      %get3A_387 = arith.index_cast %add3A_386 : i32 to index
      %get3A_388 = tpu.vector_load %arg15[%get3A_387] {strides = array<i32>} : memref<9216xi32, #tpu.memory_space<vmem>>, vector<16xi32>,
      %convert_element_type3A_389 = arith.sitofp %get3A_388 : vector<16xi32> to vector<16xf32>
      %mul3A_390 = arith.mulf %gather3A_382, %convert_element_type3A_389 : vector<16xf32>
      %sub3A_391 = arith.constant 1.000000e+00 : f32
      %sub3A_392 = vector.broadcast %sub3A_391 : f32 to vector<16xf32>
      %sub3A_393 = arith.subf %convert_element_type3A_389, %sub3A_392 : vector<16xf32>
      %mul3A_394 = arith.constant 1.000000e+03 : f32
      %mul3A_395 = vector.broadcast %mul3A_394 : f32 to vector<16xf32>
      %mul3A_396 = arith.mulf %mul3A_395, %sub3A_393 : vector<16xf32>
      %add3A_397 = arith.addf %mul3A_390, %mul3A_396 : vector<16xf32>
      %swap3A_398 = arith.index_cast %add3A_386 : i32 to index
      %swap3A_399 = tpu.vector_load %arg18[%swap3A_398] {strides = array<i32>} : memref<9216xf32, #tpu.memory_space<vmem>>, vector<16xf32>,
      tpu.vector_store %arg18[%swap3A_398], %add3A_397 {strides = array<i32>} : memref<9216xf32, #tpu.memory_space<vmem>>, vector<16xf32>,
      %add3A_400 = arith.constant 32 : i32
      %add3A_401 = vector.broadcast %add3A_400 : i32 to vector<16xi32>
      %add3A_402 = arith.addi %add3A_401, %iota3A : vector<16xi32>
      %ge3A_403 = arith.constant 36 : i32
      %ge3A_404 = vector.broadcast %ge3A_403 : i32 to vector<16xi32>
      %ge3A_405 = arith.cmpi sge, %add3A_402, %ge3A_404 : vector<16xi32>
      %convert_element_type3A_406 = arith.extui %ge3A_405 : vector<16xi1> to vector<16xi32>
      %ge3A_407 = arith.constant 72 : i32
      %ge3A_408 = vector.broadcast %ge3A_407 : i32 to vector<16xi32>
      %ge3A_409 = arith.cmpi sge, %add3A_402, %ge3A_408 : vector<16xi32>
      %convert_element_type3A_410 = arith.extui %ge3A_409 : vector<16xi1> to vector<16xi32>
      %add3A_411 = arith.addi %convert_element_type3A_406, %convert_element_type3A_410 : vector<16xi32>
      %ge3A_412 = arith.constant 108 : i32
      %ge3A_413 = vector.broadcast %ge3A_412 : i32 to vector<16xi32>
      %ge3A_414 = arith.cmpi sge, %add3A_402, %ge3A_413 : vector<16xi32>
      %convert_element_type3A_415 = arith.extui %ge3A_414 : vector<16xi1> to vector<16xi32>
      %add3A_416 = arith.addi %add3A_411, %convert_element_type3A_415 : vector<16xi32>
      %ge3A_417 = arith.constant 108 : i32
      %ge3A_418 = vector.broadcast %ge3A_417 : i32 to vector<16xi32>
      %ge3A_419 = arith.cmpi sge, %add3A_402, %ge3A_418 : vector<16xi32>
      %ge3A_420 = arith.constant 72 : i32
      %ge3A_421 = vector.broadcast %ge3A_420 : i32 to vector<16xi32>
      %ge3A_422 = arith.cmpi sge, %add3A_402, %ge3A_421 : vector<16xi32>
      %ge3A_423 = arith.constant 36 : i32
      %ge3A_424 = vector.broadcast %ge3A_423 : i32 to vector<16xi32>
      %ge3A_425 = arith.cmpi sge, %add3A_402, %ge3A_424 : vector<16xi32>
      %select_n3A_426 = arith.select %ge3A_425, %and3A_230, %and3A_213 : vector<16xi1>, vector<16xi32>
      %select_n3A_427 = arith.select %ge3A_422, %and3A_247, %select_n3A_426 : vector<16xi1>, vector<16xi32>
      %select_n3A_428 = arith.select %ge3A_419, %and3A_264, %select_n3A_427 : vector<16xi1>, vector<16xi32>
      %mul3A_429 = arith.constant 4 : i32
      %mul3A_430 = arith.muli %mul3A_429, %scan3A_198 : i32
      %mul3A_431 = arith.constant 256 : i32
      %mul3A_432 = arith.muli %mul3A_431, %mul3A_430 : i32
      %mul3A_433 = arith.constant 256 : i32
      %mul3A_434 = vector.broadcast %mul3A_433 : i32 to vector<16xi32>
      %mul3A_435 = arith.muli %mul3A_434, %add3A_416 : vector<16xi32>
      %add3A_436 = vector.broadcast %mul3A_432 : i32 to vector<16xi32>
      %add3A_437 = arith.addi %add3A_436, %mul3A_435 : vector<16xi32>
      %add3A_438 = arith.addi %add3A_437, %select_n3A_428 : vector<16xi32>
      %add3A_439 = arith.constant 73 : i32
      %add3A_440 = vector.broadcast %add3A_439 : i32 to vector<16xi32>
      %add3A_441 = arith.addi %add3A_438, %add3A_440 : vector<16xi32>
      %add3A_442 = arith.addi %add3A_441, %add3A_402 : vector<16xi32>
      %mul3A_443 = arith.constant 36 : i32
      %mul3A_444 = vector.broadcast %mul3A_443 : i32 to vector<16xi32>
      %mul3A_445 = arith.muli %mul3A_444, %add3A_416 : vector<16xi32>
      %sub3A_446 = arith.subi %add3A_442, %mul3A_445 : vector<16xi32>
      %shift_right_arithmetic3A_447 = arith.constant 7 : i32
      %shift_right_arithmetic3A_448 = vector.broadcast %shift_right_arithmetic3A_447 : i32 to vector<16xi32>
      %shift_right_arithmetic3A_449 = arith.shrsi %sub3A_446, %shift_right_arithmetic3A_448 : vector<16xi32>
      %and3A_450 = arith.constant 127 : i32
      %and3A_451 = vector.broadcast %and3A_450 : i32 to vector<16xi32>
      %and3A_452 = arith.andi %sub3A_446, %and3A_451 : vector<16xi32>
      %gather3A_453 = tpu.vector_load_idx %arg11[%shift_right_arithmetic3A_449, %and3A_452] : memref<512x128xf32, #tpu.memory_space<vmem>>[vector<16xi32>, vector<16xi32>], vector<16xf32>,
      %mul3A_454 = arith.constant 144 : i32
      %mul3A_455 = arith.muli %mul3A_454, %scan3A_198 : i32
      %add3A_456 = arith.constant 32 : i32
      %add3A_457 = arith.addi %mul3A_455, %add3A_456 : i32
      %get3A_458 = arith.index_cast %add3A_457 : i32 to index
      %get3A_459 = tpu.vector_load %arg15[%get3A_458] {strides = array<i32>} : memref<9216xi32, #tpu.memory_space<vmem>>, vector<16xi32>,
      %convert_element_type3A_460 = arith.sitofp %get3A_459 : vector<16xi32> to vector<16xf32>
      %mul3A_461 = arith.mulf %gather3A_453, %convert_element_type3A_460 : vector<16xf32>
      %sub3A_462 = arith.constant 1.000000e+00 : f32
      %sub3A_463 = vector.broadcast %sub3A_462 : f32 to vector<16xf32>
      %sub3A_464 = arith.subf %convert_element_type3A_460, %sub3A_463 : vector<16xf32>
      %mul3A_465 = arith.constant 1.000000e+03 : f32
      %mul3A_466 = vector.broadcast %mul3A_465 : f32 to vector<16xf32>
      %mul3A_467 = arith.mulf %mul3A_466, %sub3A_464 : vector<16xf32>
      %add3A_468 = arith.addf %mul3A_461, %mul3A_467 : vector<16xf32>
      %swap3A_469 = arith.index_cast %add3A_457 : i32 to index
      %swap3A_470 = tpu.vector_load %arg18[%swap3A_469] {strides = array<i32>} : memref<9216xf32, #tpu.memory_space<vmem>>, vector<16xf32>,
      tpu.vector_store %arg18[%swap3A_469], %add3A_468 {strides = array<i32>} : memref<9216xf32, #tpu.memory_space<vmem>>, vector<16xf32>,
      %add3A_471 = arith.constant 48 : i32
      %add3A_472 = vector.broadcast %add3A_471 : i32 to vector<16xi32>
      %add3A_473 = arith.addi %add3A_472, %iota3A : vector<16xi32>
      %ge3A_474 = arith.constant 36 : i32
      %ge3A_475 = vector.broadcast %ge3A_474 : i32 to vector<16xi32>
      %ge3A_476 = arith.cmpi sge, %add3A_473, %ge3A_475 : vector<16xi32>
      %convert_element_type3A_477 = arith.extui %ge3A_476 : vector<16xi1> to vector<16xi32>
      %ge3A_478 = arith.constant 72 : i32
      %ge3A_479 = vector.broadcast %ge3A_478 : i32 to vector<16xi32>
      %ge3A_480 = arith.cmpi sge, %add3A_473, %ge3A_479 : vector<16xi32>
      %convert_element_type3A_481 = arith.extui %ge3A_480 : vector<16xi1> to vector<16xi32>
      %add3A_482 = arith.addi %convert_element_type3A_477, %convert_element_type3A_481 : vector<16xi32>
      %ge3A_483 = arith.constant 108 : i32
      %ge3A_484 = vector.broadcast %ge3A_483 : i32 to vector<16xi32>
      %ge3A_485 = arith.cmpi sge, %add3A_473, %ge3A_484 : vector<16xi32>
      %convert_element_type3A_486 = arith.extui %ge3A_485 : vector<16xi1> to vector<16xi32>
      %add3A_487 = arith.addi %add3A_482, %convert_element_type3A_486 : vector<16xi32>
      %ge3A_488 = arith.constant 108 : i32
      %ge3A_489 = vector.broadcast %ge3A_488 : i32 to vector<16xi32>
      %ge3A_490 = arith.cmpi sge, %add3A_473, %ge3A_489 : vector<16xi32>
      %ge3A_491 = arith.constant 72 : i32
      %ge3A_492 = vector.broadcast %ge3A_491 : i32 to vector<16xi32>
      %ge3A_493 = arith.cmpi sge, %add3A_473, %ge3A_492 : vector<16xi32>
      %ge3A_494 = arith.constant 36 : i32
      %ge3A_495 = vector.broadcast %ge3A_494 : i32 to vector<16xi32>
      %ge3A_496 = arith.cmpi sge, %add3A_473, %ge3A_495 : vector<16xi32>
      %select_n3A_497 = arith.select %ge3A_496, %and3A_230, %and3A_213 : vector<16xi1>, vector<16xi32>
      %select_n3A_498 = arith.select %ge3A_493, %and3A_247, %select_n3A_497 : vector<16xi1>, vector<16xi32>
      %select_n3A_499 = arith.select %ge3A_490, %and3A_264, %select_n3A_498 : vector<16xi1>, vector<16xi32>
      %mul3A_500 = arith.constant 4 : i32
      %mul3A_501 = arith.muli %mul3A_500, %scan3A_198 : i32
      %mul3A_502 = arith.constant 256 : i32
      %mul3A_503 = arith.muli %mul3A_502, %mul3A_501 : i32
      %mul3A_504 = arith.constant 256 : i32
      %mul3A_505 = vector.broadcast %mul3A_504 : i32 to vector<16xi32>
      %mul3A_506 = arith.muli %mul3A_505, %add3A_487 : vector<16xi32>
      %add3A_507 = vector.broadcast %mul3A_503 : i32 to vector<16xi32>
      %add3A_508 = arith.addi %add3A_507, %mul3A_506 : vector<16xi32>
      %add3A_509 = arith.addi %add3A_508, %select_n3A_499 : vector<16xi32>
      %add3A_510 = arith.constant 73 : i32
      %add3A_511 = vector.broadcast %add3A_510 : i32 to vector<16xi32>
      %add3A_512 = arith.addi %add3A_509, %add3A_511 : vector<16xi32>
      %add3A_513 = arith.addi %add3A_512, %add3A_473 : vector<16xi32>
      %mul3A_514 = arith.constant 36 : i32
      %mul3A_515 = vector.broadcast %mul3A_514 : i32 to vector<16xi32>
      %mul3A_516 = arith.muli %mul3A_515, %add3A_487 : vector<16xi32>
      %sub3A_517 = arith.subi %add3A_513, %mul3A_516 : vector<16xi32>
      %shift_right_arithmetic3A_518 = arith.constant 7 : i32
      %shift_right_arithmetic3A_519 = vector.broadcast %shift_right_arithmetic3A_518 : i32 to vector<16xi32>
      %shift_right_arithmetic3A_520 = arith.shrsi %sub3A_517, %shift_right_arithmetic3A_519 : vector<16xi32>
      %and3A_521 = arith.constant 127 : i32
      %and3A_522 = vector.broadcast %and3A_521 : i32 to vector<16xi32>
      %and3A_523 = arith.andi %sub3A_517, %and3A_522 : vector<16xi32>
      %gather3A_524 = tpu.vector_load_idx %arg11[%shift_right_arithmetic3A_520, %and3A_523] : memref<512x128xf32, #tpu.memory_space<vmem>>[vector<16xi32>, vector<16xi32>], vector<16xf32>,
      %mul3A_525 = arith.constant 144 : i32
      %mul3A_526 = arith.muli %mul3A_525, %scan3A_198 : i32
      %add3A_527 = arith.constant 48 : i32
      %add3A_528 = arith.addi %mul3A_526, %add3A_527 : i32
      %get3A_529 = arith.index_cast %add3A_528 : i32 to index
      %get3A_530 = tpu.vector_load %arg15[%get3A_529] {strides = array<i32>} : memref<9216xi32, #tpu.memory_space<vmem>>, vector<16xi32>,
      %convert_element_type3A_531 = arith.sitofp %get3A_530 : vector<16xi32> to vector<16xf32>
      %mul3A_532 = arith.mulf %gather3A_524, %convert_element_type3A_531 : vector<16xf32>
      %sub3A_533 = arith.constant 1.000000e+00 : f32
      %sub3A_534 = vector.broadcast %sub3A_533 : f32 to vector<16xf32>
      %sub3A_535 = arith.subf %convert_element_type3A_531, %sub3A_534 : vector<16xf32>
      %mul3A_536 = arith.constant 1.000000e+03 : f32
      %mul3A_537 = vector.broadcast %mul3A_536 : f32 to vector<16xf32>
      %mul3A_538 = arith.mulf %mul3A_537, %sub3A_535 : vector<16xf32>
      %add3A_539 = arith.addf %mul3A_532, %mul3A_538 : vector<16xf32>
      %swap3A_540 = arith.index_cast %add3A_528 : i32 to index
      %swap3A_541 = tpu.vector_load %arg18[%swap3A_540] {strides = array<i32>} : memref<9216xf32, #tpu.memory_space<vmem>>, vector<16xf32>,
      tpu.vector_store %arg18[%swap3A_540], %add3A_539 {strides = array<i32>} : memref<9216xf32, #tpu.memory_space<vmem>>, vector<16xf32>,
      %add3A_542 = arith.constant 64 : i32
      %add3A_543 = vector.broadcast %add3A_542 : i32 to vector<16xi32>
      %add3A_544 = arith.addi %add3A_543, %iota3A : vector<16xi32>
      %ge3A_545 = arith.constant 36 : i32
      %ge3A_546 = vector.broadcast %ge3A_545 : i32 to vector<16xi32>
      %ge3A_547 = arith.cmpi sge, %add3A_544, %ge3A_546 : vector<16xi32>
      %convert_element_type3A_548 = arith.extui %ge3A_547 : vector<16xi1> to vector<16xi32>
      %ge3A_549 = arith.constant 72 : i32
      %ge3A_550 = vector.broadcast %ge3A_549 : i32 to vector<16xi32>
      %ge3A_551 = arith.cmpi sge, %add3A_544, %ge3A_550 : vector<16xi32>
      %convert_element_type3A_552 = arith.extui %ge3A_551 : vector<16xi1> to vector<16xi32>
      %add3A_553 = arith.addi %convert_element_type3A_548, %convert_element_type3A_552 : vector<16xi32>
      %ge3A_554 = arith.constant 108 : i32
      %ge3A_555 = vector.broadcast %ge3A_554 : i32 to vector<16xi32>
      %ge3A_556 = arith.cmpi sge, %add3A_544, %ge3A_555 : vector<16xi32>
      %convert_element_type3A_557 = arith.extui %ge3A_556 : vector<16xi1> to vector<16xi32>
      %add3A_558 = arith.addi %add3A_553, %convert_element_type3A_557 : vector<16xi32>
      %ge3A_559 = arith.constant 108 : i32
      %ge3A_560 = vector.broadcast %ge3A_559 : i32 to vector<16xi32>
      %ge3A_561 = arith.cmpi sge, %add3A_544, %ge3A_560 : vector<16xi32>
      %ge3A_562 = arith.constant 72 : i32
      %ge3A_563 = vector.broadcast %ge3A_562 : i32 to vector<16xi32>
      %ge3A_564 = arith.cmpi sge, %add3A_544, %ge3A_563 : vector<16xi32>
      %ge3A_565 = arith.constant 36 : i32
      %ge3A_566 = vector.broadcast %ge3A_565 : i32 to vector<16xi32>
      %ge3A_567 = arith.cmpi sge, %add3A_544, %ge3A_566 : vector<16xi32>
      %select_n3A_568 = arith.select %ge3A_567, %and3A_230, %and3A_213 : vector<16xi1>, vector<16xi32>
      %select_n3A_569 = arith.select %ge3A_564, %and3A_247, %select_n3A_568 : vector<16xi1>, vector<16xi32>
      %select_n3A_570 = arith.select %ge3A_561, %and3A_264, %select_n3A_569 : vector<16xi1>, vector<16xi32>
      %mul3A_571 = arith.constant 4 : i32
      %mul3A_572 = arith.muli %mul3A_571, %scan3A_198 : i32
      %mul3A_573 = arith.constant 256 : i32
      %mul3A_574 = arith.muli %mul3A_573, %mul3A_572 : i32
      %mul3A_575 = arith.constant 256 : i32
      %mul3A_576 = vector.broadcast %mul3A_575 : i32 to vector<16xi32>
      %mul3A_577 = arith.muli %mul3A_576, %add3A_558 : vector<16xi32>
      %add3A_578 = vector.broadcast %mul3A_574 : i32 to vector<16xi32>
      %add3A_579 = arith.addi %add3A_578, %mul3A_577 : vector<16xi32>
      %add3A_580 = arith.addi %add3A_579, %select_n3A_570 : vector<16xi32>
      %add3A_581 = arith.constant 73 : i32
      %add3A_582 = vector.broadcast %add3A_581 : i32 to vector<16xi32>
      %add3A_583 = arith.addi %add3A_580, %add3A_582 : vector<16xi32>
      %add3A_584 = arith.addi %add3A_583, %add3A_544 : vector<16xi32>
      %mul3A_585 = arith.constant 36 : i32
      %mul3A_586 = vector.broadcast %mul3A_585 : i32 to vector<16xi32>
      %mul3A_587 = arith.muli %mul3A_586, %add3A_558 : vector<16xi32>
      %sub3A_588 = arith.subi %add3A_584, %mul3A_587 : vector<16xi32>
      %shift_right_arithmetic3A_589 = arith.constant 7 : i32
      %shift_right_arithmetic3A_590 = vector.broadcast %shift_right_arithmetic3A_589 : i32 to vector<16xi32>
      %shift_right_arithmetic3A_591 = arith.shrsi %sub3A_588, %shift_right_arithmetic3A_590 : vector<16xi32>
      %and3A_592 = arith.constant 127 : i32
      %and3A_593 = vector.broadcast %and3A_592 : i32 to vector<16xi32>
      %and3A_594 = arith.andi %sub3A_588, %and3A_593 : vector<16xi32>
      %gather3A_595 = tpu.vector_load_idx %arg11[%shift_right_arithmetic3A_591, %and3A_594] : memref<512x128xf32, #tpu.memory_space<vmem>>[vector<16xi32>, vector<16xi32>], vector<16xf32>,
      %mul3A_596 = arith.constant 144 : i32
      %mul3A_597 = arith.muli %mul3A_596, %scan3A_198 : i32
      %add3A_598 = arith.constant 64 : i32
      %add3A_599 = arith.addi %mul3A_597, %add3A_598 : i32
      %get3A_600 = arith.index_cast %add3A_599 : i32 to index
      %get3A_601 = tpu.vector_load %arg15[%get3A_600] {strides = array<i32>} : memref<9216xi32, #tpu.memory_space<vmem>>, vector<16xi32>,
      %convert_element_type3A_602 = arith.sitofp %get3A_601 : vector<16xi32> to vector<16xf32>
      %mul3A_603 = arith.mulf %gather3A_595, %convert_element_type3A_602 : vector<16xf32>
      %sub3A_604 = arith.constant 1.000000e+00 : f32
      %sub3A_605 = vector.broadcast %sub3A_604 : f32 to vector<16xf32>
      %sub3A_606 = arith.subf %convert_element_type3A_602, %sub3A_605 : vector<16xf32>
      %mul3A_607 = arith.constant 1.000000e+03 : f32
      %mul3A_608 = vector.broadcast %mul3A_607 : f32 to vector<16xf32>
      %mul3A_609 = arith.mulf %mul3A_608, %sub3A_606 : vector<16xf32>
      %add3A_610 = arith.addf %mul3A_603, %mul3A_609 : vector<16xf32>
      %swap3A_611 = arith.index_cast %add3A_599 : i32 to index
      %swap3A_612 = tpu.vector_load %arg18[%swap3A_611] {strides = array<i32>} : memref<9216xf32, #tpu.memory_space<vmem>>, vector<16xf32>,
      tpu.vector_store %arg18[%swap3A_611], %add3A_610 {strides = array<i32>} : memref<9216xf32, #tpu.memory_space<vmem>>, vector<16xf32>,
      %add3A_613 = arith.constant 80 : i32
      %add3A_614 = vector.broadcast %add3A_613 : i32 to vector<16xi32>
      %add3A_615 = arith.addi %add3A_614, %iota3A : vector<16xi32>
      %ge3A_616 = arith.constant 36 : i32
      %ge3A_617 = vector.broadcast %ge3A_616 : i32 to vector<16xi32>
      %ge3A_618 = arith.cmpi sge, %add3A_615, %ge3A_617 : vector<16xi32>
      %convert_element_type3A_619 = arith.extui %ge3A_618 : vector<16xi1> to vector<16xi32>
      %ge3A_620 = arith.constant 72 : i32
      %ge3A_621 = vector.broadcast %ge3A_620 : i32 to vector<16xi32>
      %ge3A_622 = arith.cmpi sge, %add3A_615, %ge3A_621 : vector<16xi32>
      %convert_element_type3A_623 = arith.extui %ge3A_622 : vector<16xi1> to vector<16xi32>
      %add3A_624 = arith.addi %convert_element_type3A_619, %convert_element_type3A_623 : vector<16xi32>
      %ge3A_625 = arith.constant 108 : i32
      %ge3A_626 = vector.broadcast %ge3A_625 : i32 to vector<16xi32>
      %ge3A_627 = arith.cmpi sge, %add3A_615, %ge3A_626 : vector<16xi32>
      %convert_element_type3A_628 = arith.extui %ge3A_627 : vector<16xi1> to vector<16xi32>
      %add3A_629 = arith.addi %add3A_624, %convert_element_type3A_628 : vector<16xi32>
      %ge3A_630 = arith.constant 108 : i32
      %ge3A_631 = vector.broadcast %ge3A_630 : i32 to vector<16xi32>
      %ge3A_632 = arith.cmpi sge, %add3A_615, %ge3A_631 : vector<16xi32>
      %ge3A_633 = arith.constant 72 : i32
      %ge3A_634 = vector.broadcast %ge3A_633 : i32 to vector<16xi32>
      %ge3A_635 = arith.cmpi sge, %add3A_615, %ge3A_634 : vector<16xi32>
      %ge3A_636 = arith.constant 36 : i32
      %ge3A_637 = vector.broadcast %ge3A_636 : i32 to vector<16xi32>
      %ge3A_638 = arith.cmpi sge, %add3A_615, %ge3A_637 : vector<16xi32>
      %select_n3A_639 = arith.select %ge3A_638, %and3A_230, %and3A_213 : vector<16xi1>, vector<16xi32>
      %select_n3A_640 = arith.select %ge3A_635, %and3A_247, %select_n3A_639 : vector<16xi1>, vector<16xi32>
      %select_n3A_641 = arith.select %ge3A_632, %and3A_264, %select_n3A_640 : vector<16xi1>, vector<16xi32>
      %mul3A_642 = arith.constant 4 : i32
      %mul3A_643 = arith.muli %mul3A_642, %scan3A_198 : i32
      %mul3A_644 = arith.constant 256 : i32
      %mul3A_645 = arith.muli %mul3A_644, %mul3A_643 : i32
      %mul3A_646 = arith.constant 256 : i32
      %mul3A_647 = vector.broadcast %mul3A_646 : i32 to vector<16xi32>
      %mul3A_648 = arith.muli %mul3A_647, %add3A_629 : vector<16xi32>
      %add3A_649 = vector.broadcast %mul3A_645 : i32 to vector<16xi32>
      %add3A_650 = arith.addi %add3A_649, %mul3A_648 : vector<16xi32>
      %add3A_651 = arith.addi %add3A_650, %select_n3A_641 : vector<16xi32>
      %add3A_652 = arith.constant 73 : i32
      %add3A_653 = vector.broadcast %add3A_652 : i32 to vector<16xi32>
      %add3A_654 = arith.addi %add3A_651, %add3A_653 : vector<16xi32>
      %add3A_655 = arith.addi %add3A_654, %add3A_615 : vector<16xi32>
      %mul3A_656 = arith.constant 36 : i32
      %mul3A_657 = vector.broadcast %mul3A_656 : i32 to vector<16xi32>
      %mul3A_658 = arith.muli %mul3A_657, %add3A_629 : vector<16xi32>
      %sub3A_659 = arith.subi %add3A_655, %mul3A_658 : vector<16xi32>
      %shift_right_arithmetic3A_660 = arith.constant 7 : i32
      %shift_right_arithmetic3A_661 = vector.broadcast %shift_right_arithmetic3A_660 : i32 to vector<16xi32>
      %shift_right_arithmetic3A_662 = arith.shrsi %sub3A_659, %shift_right_arithmetic3A_661 : vector<16xi32>
      %and3A_663 = arith.constant 127 : i32
      %and3A_664 = vector.broadcast %and3A_663 : i32 to vector<16xi32>
      %and3A_665 = arith.andi %sub3A_659, %and3A_664 : vector<16xi32>
      %gather3A_666 = tpu.vector_load_idx %arg11[%shift_right_arithmetic3A_662, %and3A_665] : memref<512x128xf32, #tpu.memory_space<vmem>>[vector<16xi32>, vector<16xi32>], vector<16xf32>,
      %mul3A_667 = arith.constant 144 : i32
      %mul3A_668 = arith.muli %mul3A_667, %scan3A_198 : i32
      %add3A_669 = arith.constant 80 : i32
      %add3A_670 = arith.addi %mul3A_668, %add3A_669 : i32
      %get3A_671 = arith.index_cast %add3A_670 : i32 to index
      %get3A_672 = tpu.vector_load %arg15[%get3A_671] {strides = array<i32>} : memref<9216xi32, #tpu.memory_space<vmem>>, vector<16xi32>,
      %convert_element_type3A_673 = arith.sitofp %get3A_672 : vector<16xi32> to vector<16xf32>
      %mul3A_674 = arith.mulf %gather3A_666, %convert_element_type3A_673 : vector<16xf32>
      %sub3A_675 = arith.constant 1.000000e+00 : f32
      %sub3A_676 = vector.broadcast %sub3A_675 : f32 to vector<16xf32>
      %sub3A_677 = arith.subf %convert_element_type3A_673, %sub3A_676 : vector<16xf32>
      %mul3A_678 = arith.constant 1.000000e+03 : f32
      %mul3A_679 = vector.broadcast %mul3A_678 : f32 to vector<16xf32>
      %mul3A_680 = arith.mulf %mul3A_679, %sub3A_677 : vector<16xf32>
      %add3A_681 = arith.addf %mul3A_674, %mul3A_680 : vector<16xf32>
      %swap3A_682 = arith.index_cast %add3A_670 : i32 to index
      %swap3A_683 = tpu.vector_load %arg18[%swap3A_682] {strides = array<i32>} : memref<9216xf32, #tpu.memory_space<vmem>>, vector<16xf32>,
      tpu.vector_store %arg18[%swap3A_682], %add3A_681 {strides = array<i32>} : memref<9216xf32, #tpu.memory_space<vmem>>, vector<16xf32>,
      %add3A_684 = arith.constant 96 : i32
      %add3A_685 = vector.broadcast %add3A_684 : i32 to vector<16xi32>
      %add3A_686 = arith.addi %add3A_685, %iota3A : vector<16xi32>
      %ge3A_687 = arith.constant 36 : i32
      %ge3A_688 = vector.broadcast %ge3A_687 : i32 to vector<16xi32>
      %ge3A_689 = arith.cmpi sge, %add3A_686, %ge3A_688 : vector<16xi32>
      %convert_element_type3A_690 = arith.extui %ge3A_689 : vector<16xi1> to vector<16xi32>
      %ge3A_691 = arith.constant 72 : i32
      %ge3A_692 = vector.broadcast %ge3A_691 : i32 to vector<16xi32>
      %ge3A_693 = arith.cmpi sge, %add3A_686, %ge3A_692 : vector<16xi32>
      %convert_element_type3A_694 = arith.extui %ge3A_693 : vector<16xi1> to vector<16xi32>
      %add3A_695 = arith.addi %convert_element_type3A_690, %convert_element_type3A_694 : vector<16xi32>
      %ge3A_696 = arith.constant 108 : i32
      %ge3A_697 = vector.broadcast %ge3A_696 : i32 to vector<16xi32>
      %ge3A_698 = arith.cmpi sge, %add3A_686, %ge3A_697 : vector<16xi32>
      %convert_element_type3A_699 = arith.extui %ge3A_698 : vector<16xi1> to vector<16xi32>
      %add3A_700 = arith.addi %add3A_695, %convert_element_type3A_699 : vector<16xi32>
      %ge3A_701 = arith.constant 108 : i32
      %ge3A_702 = vector.broadcast %ge3A_701 : i32 to vector<16xi32>
      %ge3A_703 = arith.cmpi sge, %add3A_686, %ge3A_702 : vector<16xi32>
      %ge3A_704 = arith.constant 72 : i32
      %ge3A_705 = vector.broadcast %ge3A_704 : i32 to vector<16xi32>
      %ge3A_706 = arith.cmpi sge, %add3A_686, %ge3A_705 : vector<16xi32>
      %ge3A_707 = arith.constant 36 : i32
      %ge3A_708 = vector.broadcast %ge3A_707 : i32 to vector<16xi32>
      %ge3A_709 = arith.cmpi sge, %add3A_686, %ge3A_708 : vector<16xi32>
      %select_n3A_710 = arith.select %ge3A_709, %and3A_230, %and3A_213 : vector<16xi1>, vector<16xi32>
      %select_n3A_711 = arith.select %ge3A_706, %and3A_247, %select_n3A_710 : vector<16xi1>, vector<16xi32>
      %select_n3A_712 = arith.select %ge3A_703, %and3A_264, %select_n3A_711 : vector<16xi1>, vector<16xi32>
      %mul3A_713 = arith.constant 4 : i32
      %mul3A_714 = arith.muli %mul3A_713, %scan3A_198 : i32
      %mul3A_715 = arith.constant 256 : i32
      %mul3A_716 = arith.muli %mul3A_715, %mul3A_714 : i32
      %mul3A_717 = arith.constant 256 : i32
      %mul3A_718 = vector.broadcast %mul3A_717 : i32 to vector<16xi32>
      %mul3A_719 = arith.muli %mul3A_718, %add3A_700 : vector<16xi32>
      %add3A_720 = vector.broadcast %mul3A_716 : i32 to vector<16xi32>
      %add3A_721 = arith.addi %add3A_720, %mul3A_719 : vector<16xi32>
      %add3A_722 = arith.addi %add3A_721, %select_n3A_712 : vector<16xi32>
      %add3A_723 = arith.constant 73 : i32
      %add3A_724 = vector.broadcast %add3A_723 : i32 to vector<16xi32>
      %add3A_725 = arith.addi %add3A_722, %add3A_724 : vector<16xi32>
      %add3A_726 = arith.addi %add3A_725, %add3A_686 : vector<16xi32>
      %mul3A_727 = arith.constant 36 : i32
      %mul3A_728 = vector.broadcast %mul3A_727 : i32 to vector<16xi32>
      %mul3A_729 = arith.muli %mul3A_728, %add3A_700 : vector<16xi32>
      %sub3A_730 = arith.subi %add3A_726, %mul3A_729 : vector<16xi32>
      %shift_right_arithmetic3A_731 = arith.constant 7 : i32
      %shift_right_arithmetic3A_732 = vector.broadcast %shift_right_arithmetic3A_731 : i32 to vector<16xi32>
      %shift_right_arithmetic3A_733 = arith.shrsi %sub3A_730, %shift_right_arithmetic3A_732 : vector<16xi32>
      %and3A_734 = arith.constant 127 : i32
      %and3A_735 = vector.broadcast %and3A_734 : i32 to vector<16xi32>
      %and3A_736 = arith.andi %sub3A_730, %and3A_735 : vector<16xi32>
      %gather3A_737 = tpu.vector_load_idx %arg11[%shift_right_arithmetic3A_733, %and3A_736] : memref<512x128xf32, #tpu.memory_space<vmem>>[vector<16xi32>, vector<16xi32>], vector<16xf32>,
      %mul3A_738 = arith.constant 144 : i32
      %mul3A_739 = arith.muli %mul3A_738, %scan3A_198 : i32
      %add3A_740 = arith.constant 96 : i32
      %add3A_741 = arith.addi %mul3A_739, %add3A_740 : i32
      %get3A_742 = arith.index_cast %add3A_741 : i32 to index
      %get3A_743 = tpu.vector_load %arg15[%get3A_742] {strides = array<i32>} : memref<9216xi32, #tpu.memory_space<vmem>>, vector<16xi32>,
      %convert_element_type3A_744 = arith.sitofp %get3A_743 : vector<16xi32> to vector<16xf32>
      %mul3A_745 = arith.mulf %gather3A_737, %convert_element_type3A_744 : vector<16xf32>
      %sub3A_746 = arith.constant 1.000000e+00 : f32
      %sub3A_747 = vector.broadcast %sub3A_746 : f32 to vector<16xf32>
      %sub3A_748 = arith.subf %convert_element_type3A_744, %sub3A_747 : vector<16xf32>
      %mul3A_749 = arith.constant 1.000000e+03 : f32
      %mul3A_750 = vector.broadcast %mul3A_749 : f32 to vector<16xf32>
      %mul3A_751 = arith.mulf %mul3A_750, %sub3A_748 : vector<16xf32>
      %add3A_752 = arith.addf %mul3A_745, %mul3A_751 : vector<16xf32>
      %swap3A_753 = arith.index_cast %add3A_741 : i32 to index
      %swap3A_754 = tpu.vector_load %arg18[%swap3A_753] {strides = array<i32>} : memref<9216xf32, #tpu.memory_space<vmem>>, vector<16xf32>,
      tpu.vector_store %arg18[%swap3A_753], %add3A_752 {strides = array<i32>} : memref<9216xf32, #tpu.memory_space<vmem>>, vector<16xf32>,
      %add3A_755 = arith.constant 112 : i32
      %add3A_756 = vector.broadcast %add3A_755 : i32 to vector<16xi32>
      %add3A_757 = arith.addi %add3A_756, %iota3A : vector<16xi32>
      %ge3A_758 = arith.constant 36 : i32
      %ge3A_759 = vector.broadcast %ge3A_758 : i32 to vector<16xi32>
      %ge3A_760 = arith.cmpi sge, %add3A_757, %ge3A_759 : vector<16xi32>
      %convert_element_type3A_761 = arith.extui %ge3A_760 : vector<16xi1> to vector<16xi32>
      %ge3A_762 = arith.constant 72 : i32
      %ge3A_763 = vector.broadcast %ge3A_762 : i32 to vector<16xi32>
      %ge3A_764 = arith.cmpi sge, %add3A_757, %ge3A_763 : vector<16xi32>
      %convert_element_type3A_765 = arith.extui %ge3A_764 : vector<16xi1> to vector<16xi32>
      %add3A_766 = arith.addi %convert_element_type3A_761, %convert_element_type3A_765 : vector<16xi32>
      %ge3A_767 = arith.constant 108 : i32
      %ge3A_768 = vector.broadcast %ge3A_767 : i32 to vector<16xi32>
      %ge3A_769 = arith.cmpi sge, %add3A_757, %ge3A_768 : vector<16xi32>
      %convert_element_type3A_770 = arith.extui %ge3A_769 : vector<16xi1> to vector<16xi32>
      %add3A_771 = arith.addi %add3A_766, %convert_element_type3A_770 : vector<16xi32>
      %ge3A_772 = arith.constant 108 : i32
      %ge3A_773 = vector.broadcast %ge3A_772 : i32 to vector<16xi32>
      %ge3A_774 = arith.cmpi sge, %add3A_757, %ge3A_773 : vector<16xi32>
      %ge3A_775 = arith.constant 72 : i32
      %ge3A_776 = vector.broadcast %ge3A_775 : i32 to vector<16xi32>
      %ge3A_777 = arith.cmpi sge, %add3A_757, %ge3A_776 : vector<16xi32>
      %ge3A_778 = arith.constant 36 : i32
      %ge3A_779 = vector.broadcast %ge3A_778 : i32 to vector<16xi32>
      %ge3A_780 = arith.cmpi sge, %add3A_757, %ge3A_779 : vector<16xi32>
      %select_n3A_781 = arith.select %ge3A_780, %and3A_230, %and3A_213 : vector<16xi1>, vector<16xi32>
      %select_n3A_782 = arith.select %ge3A_777, %and3A_247, %select_n3A_781 : vector<16xi1>, vector<16xi32>
      %select_n3A_783 = arith.select %ge3A_774, %and3A_264, %select_n3A_782 : vector<16xi1>, vector<16xi32>
      %mul3A_784 = arith.constant 4 : i32
      %mul3A_785 = arith.muli %mul3A_784, %scan3A_198 : i32
      %mul3A_786 = arith.constant 256 : i32
      %mul3A_787 = arith.muli %mul3A_786, %mul3A_785 : i32
      %mul3A_788 = arith.constant 256 : i32
      %mul3A_789 = vector.broadcast %mul3A_788 : i32 to vector<16xi32>
      %mul3A_790 = arith.muli %mul3A_789, %add3A_771 : vector<16xi32>
      %add3A_791 = vector.broadcast %mul3A_787 : i32 to vector<16xi32>
      %add3A_792 = arith.addi %add3A_791, %mul3A_790 : vector<16xi32>
      %add3A_793 = arith.addi %add3A_792, %select_n3A_783 : vector<16xi32>
      %add3A_794 = arith.constant 73 : i32
      %add3A_795 = vector.broadcast %add3A_794 : i32 to vector<16xi32>
      %add3A_796 = arith.addi %add3A_793, %add3A_795 : vector<16xi32>
      %add3A_797 = arith.addi %add3A_796, %add3A_757 : vector<16xi32>
      %mul3A_798 = arith.constant 36 : i32
      %mul3A_799 = vector.broadcast %mul3A_798 : i32 to vector<16xi32>
      %mul3A_800 = arith.muli %mul3A_799, %add3A_771 : vector<16xi32>
      %sub3A_801 = arith.subi %add3A_797, %mul3A_800 : vector<16xi32>
      %shift_right_arithmetic3A_802 = arith.constant 7 : i32
      %shift_right_arithmetic3A_803 = vector.broadcast %shift_right_arithmetic3A_802 : i32 to vector<16xi32>
      %shift_right_arithmetic3A_804 = arith.shrsi %sub3A_801, %shift_right_arithmetic3A_803 : vector<16xi32>
      %and3A_805 = arith.constant 127 : i32
      %and3A_806 = vector.broadcast %and3A_805 : i32 to vector<16xi32>
      %and3A_807 = arith.andi %sub3A_801, %and3A_806 : vector<16xi32>
      %gather3A_808 = tpu.vector_load_idx %arg11[%shift_right_arithmetic3A_804, %and3A_807] : memref<512x128xf32, #tpu.memory_space<vmem>>[vector<16xi32>, vector<16xi32>], vector<16xf32>,
      %mul3A_809 = arith.constant 144 : i32
      %mul3A_810 = arith.muli %mul3A_809, %scan3A_198 : i32
      %add3A_811 = arith.constant 112 : i32
      %add3A_812 = arith.addi %mul3A_810, %add3A_811 : i32
      %get3A_813 = arith.index_cast %add3A_812 : i32 to index
      %get3A_814 = tpu.vector_load %arg15[%get3A_813] {strides = array<i32>} : memref<9216xi32, #tpu.memory_space<vmem>>, vector<16xi32>,
      %convert_element_type3A_815 = arith.sitofp %get3A_814 : vector<16xi32> to vector<16xf32>
      %mul3A_816 = arith.mulf %gather3A_808, %convert_element_type3A_815 : vector<16xf32>
      %sub3A_817 = arith.constant 1.000000e+00 : f32
      %sub3A_818 = vector.broadcast %sub3A_817 : f32 to vector<16xf32>
      %sub3A_819 = arith.subf %convert_element_type3A_815, %sub3A_818 : vector<16xf32>
      %mul3A_820 = arith.constant 1.000000e+03 : f32
      %mul3A_821 = vector.broadcast %mul3A_820 : f32 to vector<16xf32>
      %mul3A_822 = arith.mulf %mul3A_821, %sub3A_819 : vector<16xf32>
      %add3A_823 = arith.addf %mul3A_816, %mul3A_822 : vector<16xf32>
      %swap3A_824 = arith.index_cast %add3A_812 : i32 to index
      %swap3A_825 = tpu.vector_load %arg18[%swap3A_824] {strides = array<i32>} : memref<9216xf32, #tpu.memory_space<vmem>>, vector<16xf32>,
      tpu.vector_store %arg18[%swap3A_824], %add3A_823 {strides = array<i32>} : memref<9216xf32, #tpu.memory_space<vmem>>, vector<16xf32>,
      %add3A_826 = arith.constant 128 : i32
      %add3A_827 = vector.broadcast %add3A_826 : i32 to vector<16xi32>
      %add3A_828 = arith.addi %add3A_827, %iota3A : vector<16xi32>
      %ge3A_829 = arith.constant 36 : i32
      %ge3A_830 = vector.broadcast %ge3A_829 : i32 to vector<16xi32>
      %ge3A_831 = arith.cmpi sge, %add3A_828, %ge3A_830 : vector<16xi32>
      %convert_element_type3A_832 = arith.extui %ge3A_831 : vector<16xi1> to vector<16xi32>
      %ge3A_833 = arith.constant 72 : i32
      %ge3A_834 = vector.broadcast %ge3A_833 : i32 to vector<16xi32>
      %ge3A_835 = arith.cmpi sge, %add3A_828, %ge3A_834 : vector<16xi32>
      %convert_element_type3A_836 = arith.extui %ge3A_835 : vector<16xi1> to vector<16xi32>
      %add3A_837 = arith.addi %convert_element_type3A_832, %convert_element_type3A_836 : vector<16xi32>
      %ge3A_838 = arith.constant 108 : i32
      %ge3A_839 = vector.broadcast %ge3A_838 : i32 to vector<16xi32>
      %ge3A_840 = arith.cmpi sge, %add3A_828, %ge3A_839 : vector<16xi32>
      %convert_element_type3A_841 = arith.extui %ge3A_840 : vector<16xi1> to vector<16xi32>
      %add3A_842 = arith.addi %add3A_837, %convert_element_type3A_841 : vector<16xi32>
      %ge3A_843 = arith.constant 108 : i32
      %ge3A_844 = vector.broadcast %ge3A_843 : i32 to vector<16xi32>
      %ge3A_845 = arith.cmpi sge, %add3A_828, %ge3A_844 : vector<16xi32>
      %ge3A_846 = arith.constant 72 : i32
      %ge3A_847 = vector.broadcast %ge3A_846 : i32 to vector<16xi32>
      %ge3A_848 = arith.cmpi sge, %add3A_828, %ge3A_847 : vector<16xi32>
      %ge3A_849 = arith.constant 36 : i32
      %ge3A_850 = vector.broadcast %ge3A_849 : i32 to vector<16xi32>
      %ge3A_851 = arith.cmpi sge, %add3A_828, %ge3A_850 : vector<16xi32>
      %select_n3A_852 = arith.select %ge3A_851, %and3A_230, %and3A_213 : vector<16xi1>, vector<16xi32>
      %select_n3A_853 = arith.select %ge3A_848, %and3A_247, %select_n3A_852 : vector<16xi1>, vector<16xi32>
      %select_n3A_854 = arith.select %ge3A_845, %and3A_264, %select_n3A_853 : vector<16xi1>, vector<16xi32>
      %mul3A_855 = arith.constant 4 : i32
      %mul3A_856 = arith.muli %mul3A_855, %scan3A_198 : i32
      %mul3A_857 = arith.constant 256 : i32
      %mul3A_858 = arith.muli %mul3A_857, %mul3A_856 : i32
      %mul3A_859 = arith.constant 256 : i32
      %mul3A_860 = vector.broadcast %mul3A_859 : i32 to vector<16xi32>
      %mul3A_861 = arith.muli %mul3A_860, %add3A_842 : vector<16xi32>
      %add3A_862 = vector.broadcast %mul3A_858 : i32 to vector<16xi32>
      %add3A_863 = arith.addi %add3A_862, %mul3A_861 : vector<16xi32>
      %add3A_864 = arith.addi %add3A_863, %select_n3A_854 : vector<16xi32>
      %add3A_865 = arith.constant 73 : i32
      %add3A_866 = vector.broadcast %add3A_865 : i32 to vector<16xi32>
      %add3A_867 = arith.addi %add3A_864, %add3A_866 : vector<16xi32>
      %add3A_868 = arith.addi %add3A_867, %add3A_828 : vector<16xi32>
      %mul3A_869 = arith.constant 36 : i32
      %mul3A_870 = vector.broadcast %mul3A_869 : i32 to vector<16xi32>
      %mul3A_871 = arith.muli %mul3A_870, %add3A_842 : vector<16xi32>
      %sub3A_872 = arith.subi %add3A_868, %mul3A_871 : vector<16xi32>
      %shift_right_arithmetic3A_873 = arith.constant 7 : i32
      %shift_right_arithmetic3A_874 = vector.broadcast %shift_right_arithmetic3A_873 : i32 to vector<16xi32>
      %shift_right_arithmetic3A_875 = arith.shrsi %sub3A_872, %shift_right_arithmetic3A_874 : vector<16xi32>
      %and3A_876 = arith.constant 127 : i32
      %and3A_877 = vector.broadcast %and3A_876 : i32 to vector<16xi32>
      %and3A_878 = arith.andi %sub3A_872, %and3A_877 : vector<16xi32>
      %gather3A_879 = tpu.vector_load_idx %arg11[%shift_right_arithmetic3A_875, %and3A_878] : memref<512x128xf32, #tpu.memory_space<vmem>>[vector<16xi32>, vector<16xi32>], vector<16xf32>,
      %mul3A_880 = arith.constant 144 : i32
      %mul3A_881 = arith.muli %mul3A_880, %scan3A_198 : i32
      %add3A_882 = arith.constant 128 : i32
      %add3A_883 = arith.addi %mul3A_881, %add3A_882 : i32
      %get3A_884 = arith.index_cast %add3A_883 : i32 to index
      %get3A_885 = tpu.vector_load %arg15[%get3A_884] {strides = array<i32>} : memref<9216xi32, #tpu.memory_space<vmem>>, vector<16xi32>,
      %convert_element_type3A_886 = arith.sitofp %get3A_885 : vector<16xi32> to vector<16xf32>
      %mul3A_887 = arith.mulf %gather3A_879, %convert_element_type3A_886 : vector<16xf32>
      %sub3A_888 = arith.constant 1.000000e+00 : f32
      %sub3A_889 = vector.broadcast %sub3A_888 : f32 to vector<16xf32>
      %sub3A_890 = arith.subf %convert_element_type3A_886, %sub3A_889 : vector<16xf32>
      %mul3A_891 = arith.constant 1.000000e+03 : f32
      %mul3A_892 = vector.broadcast %mul3A_891 : f32 to vector<16xf32>
      %mul3A_893 = arith.mulf %mul3A_892, %sub3A_890 : vector<16xf32>
      %add3A_894 = arith.addf %mul3A_887, %mul3A_893 : vector<16xf32>
      %swap3A_895 = arith.index_cast %add3A_883 : i32 to index
      %swap3A_896 = tpu.vector_load %arg18[%swap3A_895] {strides = array<i32>} : memref<9216xf32, #tpu.memory_space<vmem>>, vector<16xf32>,
      tpu.vector_store %arg18[%swap3A_895], %add3A_894 {strides = array<i32>} : memref<9216xf32, #tpu.memory_space<vmem>>, vector<16xf32>,
    }
    %scan3A_93 = arith.constant 64 : i32
    "tpu.region"() ({
      %run_scoped3A = tpu.sem_alloc : memref<!tpu.dma_semaphore, #tpu.memory_space<semaphore_mem>>
      %dma_start3A_198 = tpu.memref_slice %arg7[%add3A_4] : memref<16384xf32, #tpu.memory_space<hbm>> -> memref<256xf32, #tpu.memory_space<hbm>>
      %dma_start3A_199 = tpu.memref_slice %arg7[%add3A_4] : memref<16384xf32, #tpu.memory_space<hbm>> -> memref<256xf32, #tpu.memory_space<hbm>>
      tpu.enqueue_dma source(%arg19 : memref<256xf32, #tpu.memory_space<vmem>>) target(%dma_start3A_199 : memref<256xf32, #tpu.memory_space<hbm>>) target_semaphore(%run_scoped3A : memref<!tpu.dma_semaphore, #tpu.memory_space<semaphore_mem>>)
      %dma_wait3A_200 = tpu.memref_slice %arg7[%add3A_4] : memref<16384xf32, #tpu.memory_space<hbm>> -> memref<256xf32, #tpu.memory_space<hbm>>
      %dma_wait3A_201 = tpu.memref_slice %arg7[%add3A_4] : memref<16384xf32, #tpu.memory_space<hbm>> -> memref<256xf32, #tpu.memory_space<hbm>>
      tpu.wait_dma2 semaphore(%run_scoped3A : memref<!tpu.dma_semaphore, #tpu.memory_space<semaphore_mem>>) src(%arg19 : memref<256xf32, #tpu.memory_space<vmem>>) dst(%dma_wait3A_201 : memref<256xf32, #tpu.memory_space<hbm>>)
      tpu.yield
    }) : () -> ()
    %mul3A_94 = arith.constant 72 : i32
    %mul3A_95 = arith.muli %add3A_4, %mul3A_94 : i32
    "tpu.region"() ({
      %run_scoped3A = tpu.sem_alloc : memref<!tpu.dma_semaphore, #tpu.memory_space<semaphore_mem>>
      %dma_start3A_198 = tpu.memref_slice %arg8[%mul3A_95] : memref<1179648xf32, #tpu.memory_space<hbm>> -> memref<18432xf32, #tpu.memory_space<hbm>>
      %dma_start3A_199 = tpu.memref_slice %arg8[%mul3A_95] : memref<1179648xf32, #tpu.memory_space<hbm>> -> memref<18432xf32, #tpu.memory_space<hbm>>
      tpu.enqueue_dma source(%arg17 : memref<18432xf32, #tpu.memory_space<vmem>>) target(%dma_start3A_199 : memref<18432xf32, #tpu.memory_space<hbm>>) target_semaphore(%run_scoped3A : memref<!tpu.dma_semaphore, #tpu.memory_space<semaphore_mem>>)
      %dma_wait3A_200 = tpu.memref_slice %arg8[%mul3A_95] : memref<1179648xf32, #tpu.memory_space<hbm>> -> memref<18432xf32, #tpu.memory_space<hbm>>
      %dma_wait3A_201 = tpu.memref_slice %arg8[%mul3A_95] : memref<1179648xf32, #tpu.memory_space<hbm>> -> memref<18432xf32, #tpu.memory_space<hbm>>
      tpu.wait_dma2 semaphore(%run_scoped3A : memref<!tpu.dma_semaphore, #tpu.memory_space<semaphore_mem>>) src(%arg17 : memref<18432xf32, #tpu.memory_space<vmem>>) dst(%dma_wait3A_201 : memref<18432xf32, #tpu.memory_space<hbm>>)
      tpu.yield
    }) : () -> ()
    %mul3A_96 = arith.constant 36 : i32
    %mul3A_97 = arith.muli %add3A_4, %mul3A_96 : i32
    "tpu.region"() ({
      %run_scoped3A = tpu.sem_alloc : memref<!tpu.dma_semaphore, #tpu.memory_space<semaphore_mem>>
      %dma_start3A_198 = tpu.memref_slice %arg9[%mul3A_97] : memref<589824xf32, #tpu.memory_space<hbm>> -> memref<9216xf32, #tpu.memory_space<hbm>>
      %dma_start3A_199 = tpu.memref_slice %arg9[%mul3A_97] : memref<589824xf32, #tpu.memory_space<hbm>> -> memref<9216xf32, #tpu.memory_space<hbm>>
      tpu.enqueue_dma source(%arg18 : memref<9216xf32, #tpu.memory_space<vmem>>) target(%dma_start3A_199 : memref<9216xf32, #tpu.memory_space<hbm>>) target_semaphore(%run_scoped3A : memref<!tpu.dma_semaphore, #tpu.memory_space<semaphore_mem>>)
      %dma_wait3A_200 = tpu.memref_slice %arg9[%mul3A_97] : memref<589824xf32, #tpu.memory_space<hbm>> -> memref<9216xf32, #tpu.memory_space<hbm>>
      %dma_wait3A_201 = tpu.memref_slice %arg9[%mul3A_97] : memref<589824xf32, #tpu.memory_space<hbm>> -> memref<9216xf32, #tpu.memory_space<hbm>>
      tpu.wait_dma2 semaphore(%run_scoped3A : memref<!tpu.dma_semaphore, #tpu.memory_space<semaphore_mem>>) src(%arg18 : memref<9216xf32, #tpu.memory_space<vmem>>) dst(%dma_wait3A_201 : memref<9216xf32, #tpu.memory_space<hbm>>)
      tpu.yield
    }) : () -> ()
    "tpu.region"() ({
      %run_scoped3A = tpu.sem_alloc : memref<!tpu.dma_semaphore, #tpu.memory_space<semaphore_mem>>
      %dma_start3A_198 = tpu.memref_slice %arg10[%add3A_4] : memref<16384xf32, #tpu.memory_space<hbm>> -> memref<256xf32, #tpu.memory_space<hbm>>
      %dma_start3A_199 = tpu.memref_slice %arg10[%add3A_4] : memref<16384xf32, #tpu.memory_space<hbm>> -> memref<256xf32, #tpu.memory_space<hbm>>
      tpu.enqueue_dma source(%arg20 : memref<256xf32, #tpu.memory_space<vmem>>) target(%dma_start3A_199 : memref<256xf32, #tpu.memory_space<hbm>>) target_semaphore(%run_scoped3A : memref<!tpu.dma_semaphore, #tpu.memory_space<semaphore_mem>>)
      %dma_wait3A_200 = tpu.memref_slice %arg10[%add3A_4] : memref<16384xf32, #tpu.memory_space<hbm>> -> memref<256xf32, #tpu.memory_space<hbm>>
      %dma_wait3A_201 = tpu.memref_slice %arg10[%add3A_4] : memref<16384xf32, #tpu.memory_space<hbm>> -> memref<256xf32, #tpu.memory_space<hbm>>
      tpu.wait_dma2 semaphore(%run_scoped3A : memref<!tpu.dma_semaphore, #tpu.memory_space<semaphore_mem>>) src(%arg20 : memref<256xf32, #tpu.memory_space<vmem>>) dst(%dma_wait3A_201 : memref<256xf32, #tpu.memory_space<hbm>>)
      tpu.yield
    }) : () -> ()
    %mul3A_98 = arith.constant 512 : i32
    %mul3A_99 = arith.muli %add3A, %mul3A_98 : i32
    %add3A_100 = arith.constant 256 : i32
    %add3A_101 = arith.addi %mul3A_99, %add3A_100 : i32
    "tpu.region"() ({
      %run_scoped3A = tpu.sem_alloc : memref<!tpu.dma_semaphore, #tpu.memory_space<semaphore_mem>>
      %dma_start3A_198 = tpu.memref_slice %arg3[%add3A_101] : memref<16384xi32, #tpu.memory_space<hbm>> -> memref<256xi32, #tpu.memory_space<hbm>>
      %dma_start3A_199 = tpu.memref_slice %arg3[%add3A_101] : memref<16384xi32, #tpu.memory_space<hbm>> -> memref<256xi32, #tpu.memory_space<hbm>>
      tpu.enqueue_dma source(%dma_start3A_199 : memref<256xi32, #tpu.memory_space<hbm>>) target(%arg12 : memref<256xi32, #tpu.memory_space<vmem>>) target_semaphore(%run_scoped3A : memref<!tpu.dma_semaphore, #tpu.memory_space<semaphore_mem>>)
      %dma_wait3A_200 = tpu.memref_slice %arg3[%add3A_101] : memref<16384xi32, #tpu.memory_space<hbm>> -> memref<256xi32, #tpu.memory_space<hbm>>
      %dma_wait3A_201 = tpu.memref_slice %arg3[%add3A_101] : memref<16384xi32, #tpu.memory_space<hbm>> -> memref<256xi32, #tpu.memory_space<hbm>>
      tpu.wait_dma2 semaphore(%run_scoped3A : memref<!tpu.dma_semaphore, #tpu.memory_space<semaphore_mem>>) src(%dma_wait3A_201 : memref<256xi32, #tpu.memory_space<hbm>>) dst(%arg12 : memref<256xi32, #tpu.memory_space<vmem>>)
      tpu.yield
    }) : () -> ()
    %scan3A_102 = arith.constant 0 : i32
    %scan3A_103 = arith.constant 0 : i32
    %scan3A_104 = arith.constant 32 : i32
    %scan3A_105 = arith.addi %scan3A_103, %scan3A_104 : i32
    %scan3A_106 = arith.constant 1 : i32
    scf.for %scan3A_198 = %scan3A_103 to %scan3A_105 step %scan3A_106  : i32 {
      %mul3A_199 = arith.constant 16 : i32
      %mul3A_200 = arith.muli %mul3A_199, %scan3A_198 : i32
      %add3A_201 = vector.broadcast %mul3A_200 : i32 to vector<16xi32>
      %add3A_202 = arith.addi %add3A_201, %iota3A : vector<16xi32>
      %shift_right_arithmetic3A = arith.constant 1 : i32
      %shift_right_arithmetic3A_203 = vector.broadcast %shift_right_arithmetic3A : i32 to vector<16xi32>
      %shift_right_arithmetic3A_204 = arith.shrsi %add3A_202, %shift_right_arithmetic3A_203 : vector<16xi32>
      %gather3A = tpu.vector_load_idx %arg12[%shift_right_arithmetic3A_204] : memref<256xi32, #tpu.memory_space<vmem>>[vector<16xi32>], vector<16xi32>,
      %mul3A_205 = arith.constant 110 : i32
      %mul3A_206 = vector.broadcast %mul3A_205 : i32 to vector<16xi32>
      %mul3A_207 = arith.muli %gather3A, %mul3A_206 : vector<16xi32>
      %shift_right_arithmetic3A_208 = arith.constant 7 : i32
      %shift_right_arithmetic3A_209 = vector.broadcast %shift_right_arithmetic3A_208 : i32 to vector<16xi32>
      %shift_right_arithmetic3A_210 = arith.shrsi %mul3A_207, %shift_right_arithmetic3A_209 : vector<16xi32>
      %and3A = arith.constant 1 : i32
      %and3A_211 = vector.broadcast %and3A : i32 to vector<16xi32>
      %and3A_212 = arith.andi %iota3A, %and3A_211 : vector<16xi32>
      %add3A_213 = arith.addi %shift_right_arithmetic3A_210, %and3A_212 : vector<16xi32>
      %min3A = arith.constant 171874 : i32
      %min3A_214 = vector.broadcast %min3A : i32 to vector<16xi32>
      %min3A_215 = arith.minsi %add3A_213, %min3A_214 : vector<16xi32>
      %mul3A_216 = arith.constant 16 : i32
      %mul3A_217 = arith.muli %mul3A_216, %scan3A_198 : i32
      %swap3A = arith.index_cast %mul3A_217 : i32 to index
      %swap3A_218 = tpu.vector_load %arg13[%swap3A] {strides = array<i32>} : memref<512xi32, #tpu.memory_space<vmem>>, vector<16xi32>,
      tpu.vector_store %arg13[%swap3A], %min3A_215 {strides = array<i32>} : memref<512xi32, #tpu.memory_space<vmem>>, vector<16xi32>,
    }
    %scan3A_107 = arith.constant 32 : i32
    %dma_start3A_108 = arith.constant 0 : i32
    %dma_start3A_109 = arith.constant 0 : i32
    %dma_start3A_110 = tpu.memref_slice %arg11[%dma_start3A_108, %dma_start3A_109] : memref<512x128xf32, #tpu.memory_space<vmem>> -> memref<128x128xf32, #tpu.memory_space<vmem>>
    %dma_start3A_111 = arith.constant 0 : i32
    %dma_start3A_112 = tpu.memref_slice %arg13[%dma_start3A_111] : memref<512xi32, #tpu.memory_space<vmem>> -> memref<128xi32, #tpu.memory_space<vmem>>
    %dma_start3A_113 = arith.constant 0 : i32
    %dma_start3A_114 = arith.constant 0 : i32
    %dma_start3A_115 = tpu.memref_slice %arg2[%dma_start3A_113, %dma_start3A_114] : memref<171875x128xf32, #tpu.memory_space<hbm>> -> memref<171875x128xf32, #tpu.memory_space<hbm>>
    tpu.enqueue_indirect_dma source(%dma_start3A_115 : memref<171875x128xf32, #tpu.memory_space<hbm>>) target(%dma_start3A_110 : memref<128x128xf32, #tpu.memory_space<vmem>>) offsets(%dma_start3A_112 : memref<128xi32, #tpu.memory_space<vmem>>) semaphore(%arg21 : memref<!tpu.dma_semaphore, #tpu.memory_space<semaphore_mem>>)
    %dma_start3A_116 = arith.constant 128 : i32
    %dma_start3A_117 = arith.constant 0 : i32
    %dma_start3A_118 = tpu.memref_slice %arg11[%dma_start3A_116, %dma_start3A_117] : memref<512x128xf32, #tpu.memory_space<vmem>> -> memref<128x128xf32, #tpu.memory_space<vmem>>
    %dma_start3A_119 = arith.constant 128 : i32
    %dma_start3A_120 = tpu.memref_slice %arg13[%dma_start3A_119] : memref<512xi32, #tpu.memory_space<vmem>> -> memref<128xi32, #tpu.memory_space<vmem>>
    %dma_start3A_121 = arith.constant 0 : i32
    %dma_start3A_122 = arith.constant 0 : i32
    %dma_start3A_123 = tpu.memref_slice %arg2[%dma_start3A_121, %dma_start3A_122] : memref<171875x128xf32, #tpu.memory_space<hbm>> -> memref<171875x128xf32, #tpu.memory_space<hbm>>
    tpu.enqueue_indirect_dma source(%dma_start3A_123 : memref<171875x128xf32, #tpu.memory_space<hbm>>) target(%dma_start3A_118 : memref<128x128xf32, #tpu.memory_space<vmem>>) offsets(%dma_start3A_120 : memref<128xi32, #tpu.memory_space<vmem>>) semaphore(%arg21 : memref<!tpu.dma_semaphore, #tpu.memory_space<semaphore_mem>>)
    %dma_start3A_124 = arith.constant 256 : i32
    %dma_start3A_125 = arith.constant 0 : i32
    %dma_start3A_126 = tpu.memref_slice %arg11[%dma_start3A_124, %dma_start3A_125] : memref<512x128xf32, #tpu.memory_space<vmem>> -> memref<128x128xf32, #tpu.memory_space<vmem>>
    %dma_start3A_127 = arith.constant 256 : i32
    %dma_start3A_128 = tpu.memref_slice %arg13[%dma_start3A_127] : memref<512xi32, #tpu.memory_space<vmem>> -> memref<128xi32, #tpu.memory_space<vmem>>
    %dma_start3A_129 = arith.constant 0 : i32
    %dma_start3A_130 = arith.constant 0 : i32
    %dma_start3A_131 = tpu.memref_slice %arg2[%dma_start3A_129, %dma_start3A_130] : memref<171875x128xf32, #tpu.memory_space<hbm>> -> memref<171875x128xf32, #tpu.memory_space<hbm>>
    tpu.enqueue_indirect_dma source(%dma_start3A_131 : memref<171875x128xf32, #tpu.memory_space<hbm>>) target(%dma_start3A_126 : memref<128x128xf32, #tpu.memory_space<vmem>>) offsets(%dma_start3A_128 : memref<128xi32, #tpu.memory_space<vmem>>) semaphore(%arg21 : memref<!tpu.dma_semaphore, #tpu.memory_space<semaphore_mem>>)
    %dma_start3A_132 = arith.constant 384 : i32
    %dma_start3A_133 = arith.constant 0 : i32
    %dma_start3A_134 = tpu.memref_slice %arg11[%dma_start3A_132, %dma_start3A_133] : memref<512x128xf32, #tpu.memory_space<vmem>> -> memref<128x128xf32, #tpu.memory_space<vmem>>
    %dma_start3A_135 = arith.constant 384 : i32
    %dma_start3A_136 = tpu.memref_slice %arg13[%dma_start3A_135] : memref<512xi32, #tpu.memory_space<vmem>> -> memref<128xi32, #tpu.memory_space<vmem>>
    %dma_start3A_137 = arith.constant 0 : i32
    %dma_start3A_138 = arith.constant 0 : i32
    %dma_start3A_139 = tpu.memref_slice %arg2[%dma_start3A_137, %dma_start3A_138] : memref<171875x128xf32, #tpu.memory_space<hbm>> -> memref<171875x128xf32, #tpu.memory_space<hbm>>
    tpu.enqueue_indirect_dma source(%dma_start3A_139 : memref<171875x128xf32, #tpu.memory_space<hbm>>) target(%dma_start3A_134 : memref<128x128xf32, #tpu.memory_space<vmem>>) offsets(%dma_start3A_136 : memref<128xi32, #tpu.memory_space<vmem>>) semaphore(%arg21 : memref<!tpu.dma_semaphore, #tpu.memory_space<semaphore_mem>>)
    "tpu.region"() ({
      %run_scoped3A = tpu.sem_alloc : memref<!tpu.dma_semaphore, #tpu.memory_space<semaphore_mem>>
      %dma_start3A_198 = tpu.memref_slice %arg4[%add3A_101] : memref<16384xi32, #tpu.memory_space<hbm>> -> memref<256xi32, #tpu.memory_space<hbm>>
      %dma_start3A_199 = tpu.memref_slice %arg4[%add3A_101] : memref<16384xi32, #tpu.memory_space<hbm>> -> memref<256xi32, #tpu.memory_space<hbm>>
      tpu.enqueue_dma source(%dma_start3A_199 : memref<256xi32, #tpu.memory_space<hbm>>) target(%arg16 : memref<256xi32, #tpu.memory_space<vmem>>) target_semaphore(%run_scoped3A : memref<!tpu.dma_semaphore, #tpu.memory_space<semaphore_mem>>)
      %dma_wait3A_200 = tpu.memref_slice %arg4[%add3A_101] : memref<16384xi32, #tpu.memory_space<hbm>> -> memref<256xi32, #tpu.memory_space<hbm>>
      %dma_wait3A_201 = tpu.memref_slice %arg4[%add3A_101] : memref<16384xi32, #tpu.memory_space<hbm>> -> memref<256xi32, #tpu.memory_space<hbm>>
      tpu.wait_dma2 semaphore(%run_scoped3A : memref<!tpu.dma_semaphore, #tpu.memory_space<semaphore_mem>>) src(%dma_wait3A_201 : memref<256xi32, #tpu.memory_space<hbm>>) dst(%arg16 : memref<256xi32, #tpu.memory_space<vmem>>)
      tpu.yield
    }) : () -> ()
    %mul3A_140 = arith.constant 72 : i32
    %mul3A_141 = arith.muli %add3A_101, %mul3A_140 : i32
    "tpu.region"() ({
      %run_scoped3A = tpu.sem_alloc : memref<!tpu.dma_semaphore, #tpu.memory_space<semaphore_mem>>
      %dma_start3A_198 = tpu.memref_slice %arg5[%mul3A_141] : memref<1179648xi32, #tpu.memory_space<hbm>> -> memref<18432xi32, #tpu.memory_space<hbm>>
      %dma_start3A_199 = tpu.memref_slice %arg5[%mul3A_141] : memref<1179648xi32, #tpu.memory_space<hbm>> -> memref<18432xi32, #tpu.memory_space<hbm>>
      tpu.enqueue_dma source(%dma_start3A_199 : memref<18432xi32, #tpu.memory_space<hbm>>) target(%arg14 : memref<18432xi32, #tpu.memory_space<vmem>>) target_semaphore(%run_scoped3A : memref<!tpu.dma_semaphore, #tpu.memory_space<semaphore_mem>>)
      %dma_wait3A_200 = tpu.memref_slice %arg5[%mul3A_141] : memref<1179648xi32, #tpu.memory_space<hbm>> -> memref<18432xi32, #tpu.memory_space<hbm>>
      %dma_wait3A_201 = tpu.memref_slice %arg5[%mul3A_141] : memref<1179648xi32, #tpu.memory_space<hbm>> -> memref<18432xi32, #tpu.memory_space<hbm>>
      tpu.wait_dma2 semaphore(%run_scoped3A : memref<!tpu.dma_semaphore, #tpu.memory_space<semaphore_mem>>) src(%dma_wait3A_201 : memref<18432xi32, #tpu.memory_space<hbm>>) dst(%arg14 : memref<18432xi32, #tpu.memory_space<vmem>>)
      tpu.yield
    }) : () -> ()
    %mul3A_142 = arith.constant 36 : i32
    %mul3A_143 = arith.muli %add3A_101, %mul3A_142 : i32
    "tpu.region"() ({
      %run_scoped3A = tpu.sem_alloc : memref<!tpu.dma_semaphore, #tpu.memory_space<semaphore_mem>>
      %dma_start3A_198 = tpu.memref_slice %arg6[%mul3A_143] : memref<589824xi32, #tpu.memory_space<hbm>> -> memref<9216xi32, #tpu.memory_space<hbm>>
      %dma_start3A_199 = tpu.memref_slice %arg6[%mul3A_143] : memref<589824xi32, #tpu.memory_space<hbm>> -> memref<9216xi32, #tpu.memory_space<hbm>>
      tpu.enqueue_dma source(%dma_start3A_199 : memref<9216xi32, #tpu.memory_space<hbm>>) target(%arg15 : memref<9216xi32, #tpu.memory_space<vmem>>) target_semaphore(%run_scoped3A : memref<!tpu.dma_semaphore, #tpu.memory_space<semaphore_mem>>)
      %dma_wait3A_200 = tpu.memref_slice %arg6[%mul3A_143] : memref<589824xi32, #tpu.memory_space<hbm>> -> memref<9216xi32, #tpu.memory_space<hbm>>
      %dma_wait3A_201 = tpu.memref_slice %arg6[%mul3A_143] : memref<589824xi32, #tpu.memory_space<hbm>> -> memref<9216xi32, #tpu.memory_space<hbm>>
      tpu.wait_dma2 semaphore(%run_scoped3A : memref<!tpu.dma_semaphore, #tpu.memory_space<semaphore_mem>>) src(%dma_wait3A_201 : memref<9216xi32, #tpu.memory_space<hbm>>) dst(%arg15 : memref<9216xi32, #tpu.memory_space<vmem>>)
      tpu.yield
    }) : () -> ()
    %dma_wait3A_144 = arith.constant 0 : i32
    %dma_wait3A_145 = arith.constant 0 : i32
    %dma_wait3A_146 = tpu.memref_slice %arg11[%dma_wait3A_144, %dma_wait3A_145] : memref<512x128xf32, #tpu.memory_space<vmem>> -> memref<128x128xf32, #tpu.memory_space<vmem>>
    %dma_wait3A_147 = arith.constant 0 : i32
    %dma_wait3A_148 = tpu.memref_slice %arg13[%dma_wait3A_147] : memref<512xi32, #tpu.memory_space<vmem>> -> memref<128xi32, #tpu.memory_space<vmem>>
    %dma_wait3A_149 = arith.constant 0 : i32
    %dma_wait3A_150 = arith.constant 0 : i32
    %dma_wait3A_151 = tpu.memref_slice %arg2[%dma_wait3A_149, %dma_wait3A_150] : memref<171875x128xf32, #tpu.memory_space<hbm>> -> memref<171875x128xf32, #tpu.memory_space<hbm>>
    tpu.wait_indirect_dma semaphore(%arg21 : memref<!tpu.dma_semaphore, #tpu.memory_space<semaphore_mem>>) src(%dma_wait3A_151 : memref<171875x128xf32, #tpu.memory_space<hbm>>) dst(%dma_wait3A_146 : memref<128x128xf32, #tpu.memory_space<vmem>>)
    %dma_wait3A_152 = arith.constant 128 : i32
    %dma_wait3A_153 = arith.constant 0 : i32
    %dma_wait3A_154 = tpu.memref_slice %arg11[%dma_wait3A_152, %dma_wait3A_153] : memref<512x128xf32, #tpu.memory_space<vmem>> -> memref<128x128xf32, #tpu.memory_space<vmem>>
    %dma_wait3A_155 = arith.constant 128 : i32
    %dma_wait3A_156 = tpu.memref_slice %arg13[%dma_wait3A_155] : memref<512xi32, #tpu.memory_space<vmem>> -> memref<128xi32, #tpu.memory_space<vmem>>
    %dma_wait3A_157 = arith.constant 0 : i32
    %dma_wait3A_158 = arith.constant 0 : i32
    %dma_wait3A_159 = tpu.memref_slice %arg2[%dma_wait3A_157, %dma_wait3A_158] : memref<171875x128xf32, #tpu.memory_space<hbm>> -> memref<171875x128xf32, #tpu.memory_space<hbm>>
    tpu.wait_indirect_dma semaphore(%arg21 : memref<!tpu.dma_semaphore, #tpu.memory_space<semaphore_mem>>) src(%dma_wait3A_159 : memref<171875x128xf32, #tpu.memory_space<hbm>>) dst(%dma_wait3A_154 : memref<128x128xf32, #tpu.memory_space<vmem>>)
    %dma_wait3A_160 = arith.constant 256 : i32
    %dma_wait3A_161 = arith.constant 0 : i32
    %dma_wait3A_162 = tpu.memref_slice %arg11[%dma_wait3A_160, %dma_wait3A_161] : memref<512x128xf32, #tpu.memory_space<vmem>> -> memref<128x128xf32, #tpu.memory_space<vmem>>
    %dma_wait3A_163 = arith.constant 256 : i32
    %dma_wait3A_164 = tpu.memref_slice %arg13[%dma_wait3A_163] : memref<512xi32, #tpu.memory_space<vmem>> -> memref<128xi32, #tpu.memory_space<vmem>>
    %dma_wait3A_165 = arith.constant 0 : i32
    %dma_wait3A_166 = arith.constant 0 : i32
    %dma_wait3A_167 = tpu.memref_slice %arg2[%dma_wait3A_165, %dma_wait3A_166] : memref<171875x128xf32, #tpu.memory_space<hbm>> -> memref<171875x128xf32, #tpu.memory_space<hbm>>
    tpu.wait_indirect_dma semaphore(%arg21 : memref<!tpu.dma_semaphore, #tpu.memory_space<semaphore_mem>>) src(%dma_wait3A_167 : memref<171875x128xf32, #tpu.memory_space<hbm>>) dst(%dma_wait3A_162 : memref<128x128xf32, #tpu.memory_space<vmem>>)
    %dma_wait3A_168 = arith.constant 384 : i32
    %dma_wait3A_169 = arith.constant 0 : i32
    %dma_wait3A_170 = tpu.memref_slice %arg11[%dma_wait3A_168, %dma_wait3A_169] : memref<512x128xf32, #tpu.memory_space<vmem>> -> memref<128x128xf32, #tpu.memory_space<vmem>>
    %dma_wait3A_171 = arith.constant 384 : i32
    %dma_wait3A_172 = tpu.memref_slice %arg13[%dma_wait3A_171] : memref<512xi32, #tpu.memory_space<vmem>> -> memref<128xi32, #tpu.memory_space<vmem>>
    %dma_wait3A_173 = arith.constant 0 : i32
    %dma_wait3A_174 = arith.constant 0 : i32
    %dma_wait3A_175 = tpu.memref_slice %arg2[%dma_wait3A_173, %dma_wait3A_174] : memref<171875x128xf32, #tpu.memory_space<hbm>> -> memref<171875x128xf32, #tpu.memory_space<hbm>>
    tpu.wait_indirect_dma semaphore(%arg21 : memref<!tpu.dma_semaphore, #tpu.memory_space<semaphore_mem>>) src(%dma_wait3A_175 : memref<171875x128xf32, #tpu.memory_space<hbm>>) dst(%dma_wait3A_170 : memref<128x128xf32, #tpu.memory_space<vmem>>)
    %scan3A_176 = arith.constant 0 : i32
    %scan3A_177 = arith.constant 0 : i32
    %scan3A_178 = arith.constant 16 : i32
    %scan3A_179 = arith.addi %scan3A_177, %scan3A_178 : i32
    %scan3A_180 = arith.constant 1 : i32
    scf.for %scan3A_198 = %scan3A_177 to %scan3A_179 step %scan3A_180  : i32 {
      %mul3A_199 = arith.constant 16 : i32
      %mul3A_200 = arith.muli %mul3A_199, %scan3A_198 : i32
      %add3A_201 = vector.broadcast %mul3A_200 : i32 to vector<16xi32>
      %add3A_202 = arith.addi %add3A_201, %iota3A : vector<16xi32>
      %gather3A = tpu.vector_load_idx %arg12[%add3A_202] : memref<256xi32, #tpu.memory_space<vmem>>[vector<16xi32>], vector<16xi32>,
      %mul3A_203 = arith.constant 256 : i32
      %mul3A_204 = vector.broadcast %mul3A_203 : i32 to vector<16xi32>
      %mul3A_205 = arith.muli %mul3A_204, %add3A_202 : vector<16xi32>
      %mul3A_206 = arith.constant 110 : i32
      %mul3A_207 = vector.broadcast %mul3A_206 : i32 to vector<16xi32>
      %mul3A_208 = arith.muli %gather3A, %mul3A_207 : vector<16xi32>
      %and3A = arith.constant 127 : i32
      %and3A_209 = vector.broadcast %and3A : i32 to vector<16xi32>
      %and3A_210 = arith.andi %mul3A_208, %and3A_209 : vector<16xi32>
      %add3A_211 = arith.addi %mul3A_205, %and3A_210 : vector<16xi32>
      %shift_right_arithmetic3A = arith.constant 7 : i32
      %shift_right_arithmetic3A_212 = vector.broadcast %shift_right_arithmetic3A : i32 to vector<16xi32>
      %shift_right_arithmetic3A_213 = arith.shrsi %add3A_211, %shift_right_arithmetic3A_212 : vector<16xi32>
      %and3A_214 = arith.constant 127 : i32
      %and3A_215 = vector.broadcast %and3A_214 : i32 to vector<16xi32>
      %and3A_216 = arith.andi %add3A_211, %and3A_215 : vector<16xi32>
      %gather3A_217 = tpu.vector_load_idx %arg11[%shift_right_arithmetic3A_213, %and3A_216] : memref<512x128xf32, #tpu.memory_space<vmem>>[vector<16xi32>, vector<16xi32>], vector<16xf32>,
      %mul3A_218 = arith.constant 16 : i32
      %mul3A_219 = arith.muli %mul3A_218, %scan3A_198 : i32
      %get3A = arith.index_cast %mul3A_219 : i32 to index
      %get3A_220 = tpu.vector_load %arg16[%get3A] {strides = array<i32>} : memref<256xi32, #tpu.memory_space<vmem>>, vector<16xi32>,
      %convert_element_type3A = arith.sitofp %get3A_220 : vector<16xi32> to vector<16xf32>
      %mul3A_221 = arith.mulf %gather3A_217, %convert_element_type3A : vector<16xf32>
      %sub3A = arith.constant 1.000000e+00 : f32
      %sub3A_222 = vector.broadcast %sub3A : f32 to vector<16xf32>
      %sub3A_223 = arith.subf %convert_element_type3A, %sub3A_222 : vector<16xf32>
      %mul3A_224 = arith.constant 1.000000e+03 : f32
      %mul3A_225 = vector.broadcast %mul3A_224 : f32 to vector<16xf32>
      %mul3A_226 = arith.mulf %mul3A_225, %sub3A_223 : vector<16xf32>
      %add3A_227 = arith.addf %mul3A_221, %mul3A_226 : vector<16xf32>
      %mul3A_228 = arith.constant 16 : i32
      %mul3A_229 = arith.muli %mul3A_228, %scan3A_198 : i32
      %swap3A = arith.index_cast %mul3A_229 : i32 to index
      %swap3A_230 = tpu.vector_load %arg19[%swap3A] {strides = array<i32>} : memref<256xf32, #tpu.memory_space<vmem>>, vector<16xf32>,
      tpu.vector_store %arg19[%swap3A], %add3A_227 {strides = array<i32>} : memref<256xf32, #tpu.memory_space<vmem>>, vector<16xf32>,
      %add3A_231 = arith.constant 109 : i32
      %add3A_232 = vector.broadcast %add3A_231 : i32 to vector<16xi32>
      %add3A_233 = arith.addi %add3A_211, %add3A_232 : vector<16xi32>
      %shift_right_arithmetic3A_234 = arith.constant 7 : i32
      %shift_right_arithmetic3A_235 = vector.broadcast %shift_right_arithmetic3A_234 : i32 to vector<16xi32>
      %shift_right_arithmetic3A_236 = arith.shrsi %add3A_233, %shift_right_arithmetic3A_235 : vector<16xi32>
      %and3A_237 = arith.constant 127 : i32
      %and3A_238 = vector.broadcast %and3A_237 : i32 to vector<16xi32>
      %and3A_239 = arith.andi %add3A_233, %and3A_238 : vector<16xi32>
      %gather3A_240 = tpu.vector_load_idx %arg11[%shift_right_arithmetic3A_236, %and3A_239] : memref<512x128xf32, #tpu.memory_space<vmem>>[vector<16xi32>, vector<16xi32>], vector<16xf32>,
      %mul3A_241 = arith.constant 16 : i32
      %mul3A_242 = arith.muli %mul3A_241, %scan3A_198 : i32
      %swap3A_243 = arith.index_cast %mul3A_242 : i32 to index
      %swap3A_244 = tpu.vector_load %arg20[%swap3A_243] {strides = array<i32>} : memref<256xf32, #tpu.memory_space<vmem>>, vector<16xf32>,
      tpu.vector_store %arg20[%swap3A_243], %gather3A_240 {strides = array<i32>} : memref<256xf32, #tpu.memory_space<vmem>>, vector<16xf32>,
    }
    %scan3A_181 = arith.constant 16 : i32
    %scan3A_182 = arith.constant 0 : i32
    %scan3A_183 = arith.constant 0 : i32
    %scan3A_184 = arith.constant 128 : i32
    %scan3A_185 = arith.addi %scan3A_183, %scan3A_184 : i32
    %scan3A_186 = arith.constant 1 : i32
    scf.for %scan3A_198 = %scan3A_183 to %scan3A_185 step %scan3A_186  : i32 {
      %mul3A_199 = arith.constant 0 : i32
      %mul3A_200 = vector.broadcast %mul3A_199 : i32 to vector<16xi32>
      %mul3A_201 = arith.muli %iota3A, %mul3A_200 : vector<16xi32>
      %mul3A_202 = arith.constant 2 : i32
      %mul3A_203 = arith.muli %mul3A_202, %scan3A_198 : i32
      %add3A_204 = vector.broadcast %mul3A_203 : i32 to vector<16xi32>
      %add3A_205 = arith.addi %mul3A_201, %add3A_204 : vector<16xi32>
      %gather3A = tpu.vector_load_idx %arg12[%add3A_205] : memref<256xi32, #tpu.memory_space<vmem>>[vector<16xi32>], vector<16xi32>,
      %mul3A_206 = arith.constant 110 : i32
      %mul3A_207 = vector.broadcast %mul3A_206 : i32 to vector<16xi32>
      %mul3A_208 = arith.muli %gather3A, %mul3A_207 : vector<16xi32>
      %and3A = arith.constant 127 : i32
      %and3A_209 = vector.broadcast %and3A : i32 to vector<16xi32>
      %and3A_210 = arith.andi %mul3A_208, %and3A_209 : vector<16xi32>
      %mul3A_211 = arith.constant 0 : i32
      %mul3A_212 = vector.broadcast %mul3A_211 : i32 to vector<16xi32>
      %mul3A_213 = arith.muli %iota3A, %mul3A_212 : vector<16xi32>
      %mul3A_214 = arith.constant 2 : i32
      %mul3A_215 = arith.muli %mul3A_214, %scan3A_198 : i32
      %add3A_216 = vector.broadcast %mul3A_215 : i32 to vector<16xi32>
      %add3A_217 = arith.addi %mul3A_213, %add3A_216 : vector<16xi32>
      %add3A_218 = arith.constant 1 : i32
      %add3A_219 = vector.broadcast %add3A_218 : i32 to vector<16xi32>
      %add3A_220 = arith.addi %add3A_217, %add3A_219 : vector<16xi32>
      %gather3A_221 = tpu.vector_load_idx %arg12[%add3A_220] : memref<256xi32, #tpu.memory_space<vmem>>[vector<16xi32>], vector<16xi32>,
      %mul3A_222 = arith.constant 110 : i32
      %mul3A_223 = vector.broadcast %mul3A_222 : i32 to vector<16xi32>
      %mul3A_224 = arith.muli %gather3A_221, %mul3A_223 : vector<16xi32>
      %and3A_225 = arith.constant 127 : i32
      %and3A_226 = vector.broadcast %and3A_225 : i32 to vector<16xi32>
      %and3A_227 = arith.andi %mul3A_224, %and3A_226 : vector<16xi32>
      %add3A_228 = arith.constant 0 : i32
      %add3A_229 = vector.broadcast %add3A_228 : i32 to vector<16xi32>
      %add3A_230 = arith.addi %add3A_229, %iota3A : vector<16xi32>
      %ge3A = arith.constant 72 : i32
      %ge3A_231 = vector.broadcast %ge3A : i32 to vector<16xi32>
      %ge3A_232 = arith.cmpi sge, %add3A_230, %ge3A_231 : vector<16xi32>
      %convert_element_type3A = arith.extui %ge3A_232 : vector<16xi1> to vector<16xi32>
      %mul3A_233 = arith.constant 2 : i32
      %mul3A_234 = arith.muli %mul3A_233, %scan3A_198 : i32
      %mul3A_235 = arith.constant 256 : i32
      %mul3A_236 = arith.muli %mul3A_235, %mul3A_234 : i32
      %mul3A_237 = arith.constant 256 : i32
      %mul3A_238 = vector.broadcast %mul3A_237 : i32 to vector<16xi32>
      %mul3A_239 = arith.muli %mul3A_238, %convert_element_type3A : vector<16xi32>
      %add3A_240 = vector.broadcast %mul3A_236 : i32 to vector<16xi32>
      %add3A_241 = arith.addi %add3A_240, %mul3A_239 : vector<16xi32>
      %ge3A_242 = arith.constant 72 : i32
      %ge3A_243 = vector.broadcast %ge3A_242 : i32 to vector<16xi32>
      %ge3A_244 = arith.cmpi sge, %add3A_230, %ge3A_243 : vector<16xi32>
      %select_n3A = arith.select %ge3A_244, %and3A_227, %and3A_210 : vector<16xi1>, vector<16xi32>
      %add3A_245 = arith.addi %add3A_241, %select_n3A : vector<16xi32>
      %add3A_246 = arith.constant 1 : i32
      %add3A_247 = vector.broadcast %add3A_246 : i32 to vector<16xi32>
      %add3A_248 = arith.addi %add3A_245, %add3A_247 : vector<16xi32>
      %add3A_249 = arith.addi %add3A_248, %add3A_230 : vector<16xi32>
      %mul3A_250 = arith.constant 72 : i32
      %mul3A_251 = vector.broadcast %mul3A_250 : i32 to vector<16xi32>
      %mul3A_252 = arith.muli %mul3A_251, %convert_element_type3A : vector<16xi32>
      %sub3A = arith.subi %add3A_249, %mul3A_252 : vector<16xi32>
      %shift_right_arithmetic3A = arith.constant 7 : i32
      %shift_right_arithmetic3A_253 = vector.broadcast %shift_right_arithmetic3A : i32 to vector<16xi32>
      %shift_right_arithmetic3A_254 = arith.shrsi %sub3A, %shift_right_arithmetic3A_253 : vector<16xi32>
      %and3A_255 = arith.constant 127 : i32
      %and3A_256 = vector.broadcast %and3A_255 : i32 to vector<16xi32>
      %and3A_257 = arith.andi %sub3A, %and3A_256 : vector<16xi32>
      %gather3A_258 = tpu.vector_load_idx %arg11[%shift_right_arithmetic3A_254, %and3A_257] : memref<512x128xf32, #tpu.memory_space<vmem>>[vector<16xi32>, vector<16xi32>], vector<16xf32>,
      %mul3A_259 = arith.constant 144 : i32
      %mul3A_260 = arith.muli %mul3A_259, %scan3A_198 : i32
      %add3A_261 = arith.constant 0 : i32
      %add3A_262 = arith.addi %mul3A_260, %add3A_261 : i32
      %get3A = arith.index_cast %add3A_262 : i32 to index
      %get3A_263 = tpu.vector_load %arg14[%get3A] {strides = array<i32>} : memref<18432xi32, #tpu.memory_space<vmem>>, vector<16xi32>,
      %convert_element_type3A_264 = arith.sitofp %get3A_263 : vector<16xi32> to vector<16xf32>
      %mul3A_265 = arith.mulf %gather3A_258, %convert_element_type3A_264 : vector<16xf32>
      %sub3A_266 = arith.constant 1.000000e+00 : f32
      %sub3A_267 = vector.broadcast %sub3A_266 : f32 to vector<16xf32>
      %sub3A_268 = arith.subf %convert_element_type3A_264, %sub3A_267 : vector<16xf32>
      %mul3A_269 = arith.constant 1.000000e+03 : f32
      %mul3A_270 = vector.broadcast %mul3A_269 : f32 to vector<16xf32>
      %mul3A_271 = arith.mulf %mul3A_270, %sub3A_268 : vector<16xf32>
      %add3A_272 = arith.addf %mul3A_265, %mul3A_271 : vector<16xf32>
      %swap3A = arith.index_cast %add3A_262 : i32 to index
      %swap3A_273 = tpu.vector_load %arg17[%swap3A] {strides = array<i32>} : memref<18432xf32, #tpu.memory_space<vmem>>, vector<16xf32>,
      tpu.vector_store %arg17[%swap3A], %add3A_272 {strides = array<i32>} : memref<18432xf32, #tpu.memory_space<vmem>>, vector<16xf32>,
      %add3A_274 = arith.constant 16 : i32
      %add3A_275 = vector.broadcast %add3A_274 : i32 to vector<16xi32>
      %add3A_276 = arith.addi %add3A_275, %iota3A : vector<16xi32>
      %ge3A_277 = arith.constant 72 : i32
      %ge3A_278 = vector.broadcast %ge3A_277 : i32 to vector<16xi32>
      %ge3A_279 = arith.cmpi sge, %add3A_276, %ge3A_278 : vector<16xi32>
      %convert_element_type3A_280 = arith.extui %ge3A_279 : vector<16xi1> to vector<16xi32>
      %mul3A_281 = arith.constant 2 : i32
      %mul3A_282 = arith.muli %mul3A_281, %scan3A_198 : i32
      %mul3A_283 = arith.constant 256 : i32
      %mul3A_284 = arith.muli %mul3A_283, %mul3A_282 : i32
      %mul3A_285 = arith.constant 256 : i32
      %mul3A_286 = vector.broadcast %mul3A_285 : i32 to vector<16xi32>
      %mul3A_287 = arith.muli %mul3A_286, %convert_element_type3A_280 : vector<16xi32>
      %add3A_288 = vector.broadcast %mul3A_284 : i32 to vector<16xi32>
      %add3A_289 = arith.addi %add3A_288, %mul3A_287 : vector<16xi32>
      %ge3A_290 = arith.constant 72 : i32
      %ge3A_291 = vector.broadcast %ge3A_290 : i32 to vector<16xi32>
      %ge3A_292 = arith.cmpi sge, %add3A_276, %ge3A_291 : vector<16xi32>
      %select_n3A_293 = arith.select %ge3A_292, %and3A_227, %and3A_210 : vector<16xi1>, vector<16xi32>
      %add3A_294 = arith.addi %add3A_289, %select_n3A_293 : vector<16xi32>
      %add3A_295 = arith.constant 1 : i32
      %add3A_296 = vector.broadcast %add3A_295 : i32 to vector<16xi32>
      %add3A_297 = arith.addi %add3A_294, %add3A_296 : vector<16xi32>
      %add3A_298 = arith.addi %add3A_297, %add3A_276 : vector<16xi32>
      %mul3A_299 = arith.constant 72 : i32
      %mul3A_300 = vector.broadcast %mul3A_299 : i32 to vector<16xi32>
      %mul3A_301 = arith.muli %mul3A_300, %convert_element_type3A_280 : vector<16xi32>
      %sub3A_302 = arith.subi %add3A_298, %mul3A_301 : vector<16xi32>
      %shift_right_arithmetic3A_303 = arith.constant 7 : i32
      %shift_right_arithmetic3A_304 = vector.broadcast %shift_right_arithmetic3A_303 : i32 to vector<16xi32>
      %shift_right_arithmetic3A_305 = arith.shrsi %sub3A_302, %shift_right_arithmetic3A_304 : vector<16xi32>
      %and3A_306 = arith.constant 127 : i32
      %and3A_307 = vector.broadcast %and3A_306 : i32 to vector<16xi32>
      %and3A_308 = arith.andi %sub3A_302, %and3A_307 : vector<16xi32>
      %gather3A_309 = tpu.vector_load_idx %arg11[%shift_right_arithmetic3A_305, %and3A_308] : memref<512x128xf32, #tpu.memory_space<vmem>>[vector<16xi32>, vector<16xi32>], vector<16xf32>,
      %mul3A_310 = arith.constant 144 : i32
      %mul3A_311 = arith.muli %mul3A_310, %scan3A_198 : i32
      %add3A_312 = arith.constant 16 : i32
      %add3A_313 = arith.addi %mul3A_311, %add3A_312 : i32
      %get3A_314 = arith.index_cast %add3A_313 : i32 to index
      %get3A_315 = tpu.vector_load %arg14[%get3A_314] {strides = array<i32>} : memref<18432xi32, #tpu.memory_space<vmem>>, vector<16xi32>,
      %convert_element_type3A_316 = arith.sitofp %get3A_315 : vector<16xi32> to vector<16xf32>
      %mul3A_317 = arith.mulf %gather3A_309, %convert_element_type3A_316 : vector<16xf32>
      %sub3A_318 = arith.constant 1.000000e+00 : f32
      %sub3A_319 = vector.broadcast %sub3A_318 : f32 to vector<16xf32>
      %sub3A_320 = arith.subf %convert_element_type3A_316, %sub3A_319 : vector<16xf32>
      %mul3A_321 = arith.constant 1.000000e+03 : f32
      %mul3A_322 = vector.broadcast %mul3A_321 : f32 to vector<16xf32>
      %mul3A_323 = arith.mulf %mul3A_322, %sub3A_320 : vector<16xf32>
      %add3A_324 = arith.addf %mul3A_317, %mul3A_323 : vector<16xf32>
      %swap3A_325 = arith.index_cast %add3A_313 : i32 to index
      %swap3A_326 = tpu.vector_load %arg17[%swap3A_325] {strides = array<i32>} : memref<18432xf32, #tpu.memory_space<vmem>>, vector<16xf32>,
      tpu.vector_store %arg17[%swap3A_325], %add3A_324 {strides = array<i32>} : memref<18432xf32, #tpu.memory_space<vmem>>, vector<16xf32>,
      %add3A_327 = arith.constant 32 : i32
      %add3A_328 = vector.broadcast %add3A_327 : i32 to vector<16xi32>
      %add3A_329 = arith.addi %add3A_328, %iota3A : vector<16xi32>
      %ge3A_330 = arith.constant 72 : i32
      %ge3A_331 = vector.broadcast %ge3A_330 : i32 to vector<16xi32>
      %ge3A_332 = arith.cmpi sge, %add3A_329, %ge3A_331 : vector<16xi32>
      %convert_element_type3A_333 = arith.extui %ge3A_332 : vector<16xi1> to vector<16xi32>
      %mul3A_334 = arith.constant 2 : i32
      %mul3A_335 = arith.muli %mul3A_334, %scan3A_198 : i32
      %mul3A_336 = arith.constant 256 : i32
      %mul3A_337 = arith.muli %mul3A_336, %mul3A_335 : i32
      %mul3A_338 = arith.constant 256 : i32
      %mul3A_339 = vector.broadcast %mul3A_338 : i32 to vector<16xi32>
      %mul3A_340 = arith.muli %mul3A_339, %convert_element_type3A_333 : vector<16xi32>
      %add3A_341 = vector.broadcast %mul3A_337 : i32 to vector<16xi32>
      %add3A_342 = arith.addi %add3A_341, %mul3A_340 : vector<16xi32>
      %ge3A_343 = arith.constant 72 : i32
      %ge3A_344 = vector.broadcast %ge3A_343 : i32 to vector<16xi32>
      %ge3A_345 = arith.cmpi sge, %add3A_329, %ge3A_344 : vector<16xi32>
      %select_n3A_346 = arith.select %ge3A_345, %and3A_227, %and3A_210 : vector<16xi1>, vector<16xi32>
      %add3A_347 = arith.addi %add3A_342, %select_n3A_346 : vector<16xi32>
      %add3A_348 = arith.constant 1 : i32
      %add3A_349 = vector.broadcast %add3A_348 : i32 to vector<16xi32>
      %add3A_350 = arith.addi %add3A_347, %add3A_349 : vector<16xi32>
      %add3A_351 = arith.addi %add3A_350, %add3A_329 : vector<16xi32>
      %mul3A_352 = arith.constant 72 : i32
      %mul3A_353 = vector.broadcast %mul3A_352 : i32 to vector<16xi32>
      %mul3A_354 = arith.muli %mul3A_353, %convert_element_type3A_333 : vector<16xi32>
      %sub3A_355 = arith.subi %add3A_351, %mul3A_354 : vector<16xi32>
      %shift_right_arithmetic3A_356 = arith.constant 7 : i32
      %shift_right_arithmetic3A_357 = vector.broadcast %shift_right_arithmetic3A_356 : i32 to vector<16xi32>
      %shift_right_arithmetic3A_358 = arith.shrsi %sub3A_355, %shift_right_arithmetic3A_357 : vector<16xi32>
      %and3A_359 = arith.constant 127 : i32
      %and3A_360 = vector.broadcast %and3A_359 : i32 to vector<16xi32>
      %and3A_361 = arith.andi %sub3A_355, %and3A_360 : vector<16xi32>
      %gather3A_362 = tpu.vector_load_idx %arg11[%shift_right_arithmetic3A_358, %and3A_361] : memref<512x128xf32, #tpu.memory_space<vmem>>[vector<16xi32>, vector<16xi32>], vector<16xf32>,
      %mul3A_363 = arith.constant 144 : i32
      %mul3A_364 = arith.muli %mul3A_363, %scan3A_198 : i32
      %add3A_365 = arith.constant 32 : i32
      %add3A_366 = arith.addi %mul3A_364, %add3A_365 : i32
      %get3A_367 = arith.index_cast %add3A_366 : i32 to index
      %get3A_368 = tpu.vector_load %arg14[%get3A_367] {strides = array<i32>} : memref<18432xi32, #tpu.memory_space<vmem>>, vector<16xi32>,
      %convert_element_type3A_369 = arith.sitofp %get3A_368 : vector<16xi32> to vector<16xf32>
      %mul3A_370 = arith.mulf %gather3A_362, %convert_element_type3A_369 : vector<16xf32>
      %sub3A_371 = arith.constant 1.000000e+00 : f32
      %sub3A_372 = vector.broadcast %sub3A_371 : f32 to vector<16xf32>
      %sub3A_373 = arith.subf %convert_element_type3A_369, %sub3A_372 : vector<16xf32>
      %mul3A_374 = arith.constant 1.000000e+03 : f32
      %mul3A_375 = vector.broadcast %mul3A_374 : f32 to vector<16xf32>
      %mul3A_376 = arith.mulf %mul3A_375, %sub3A_373 : vector<16xf32>
      %add3A_377 = arith.addf %mul3A_370, %mul3A_376 : vector<16xf32>
      %swap3A_378 = arith.index_cast %add3A_366 : i32 to index
      %swap3A_379 = tpu.vector_load %arg17[%swap3A_378] {strides = array<i32>} : memref<18432xf32, #tpu.memory_space<vmem>>, vector<16xf32>,
      tpu.vector_store %arg17[%swap3A_378], %add3A_377 {strides = array<i32>} : memref<18432xf32, #tpu.memory_space<vmem>>, vector<16xf32>,
      %add3A_380 = arith.constant 48 : i32
      %add3A_381 = vector.broadcast %add3A_380 : i32 to vector<16xi32>
      %add3A_382 = arith.addi %add3A_381, %iota3A : vector<16xi32>
      %ge3A_383 = arith.constant 72 : i32
      %ge3A_384 = vector.broadcast %ge3A_383 : i32 to vector<16xi32>
      %ge3A_385 = arith.cmpi sge, %add3A_382, %ge3A_384 : vector<16xi32>
      %convert_element_type3A_386 = arith.extui %ge3A_385 : vector<16xi1> to vector<16xi32>
      %mul3A_387 = arith.constant 2 : i32
      %mul3A_388 = arith.muli %mul3A_387, %scan3A_198 : i32
      %mul3A_389 = arith.constant 256 : i32
      %mul3A_390 = arith.muli %mul3A_389, %mul3A_388 : i32
      %mul3A_391 = arith.constant 256 : i32
      %mul3A_392 = vector.broadcast %mul3A_391 : i32 to vector<16xi32>
      %mul3A_393 = arith.muli %mul3A_392, %convert_element_type3A_386 : vector<16xi32>
      %add3A_394 = vector.broadcast %mul3A_390 : i32 to vector<16xi32>
      %add3A_395 = arith.addi %add3A_394, %mul3A_393 : vector<16xi32>
      %ge3A_396 = arith.constant 72 : i32
      %ge3A_397 = vector.broadcast %ge3A_396 : i32 to vector<16xi32>
      %ge3A_398 = arith.cmpi sge, %add3A_382, %ge3A_397 : vector<16xi32>
      %select_n3A_399 = arith.select %ge3A_398, %and3A_227, %and3A_210 : vector<16xi1>, vector<16xi32>
      %add3A_400 = arith.addi %add3A_395, %select_n3A_399 : vector<16xi32>
      %add3A_401 = arith.constant 1 : i32
      %add3A_402 = vector.broadcast %add3A_401 : i32 to vector<16xi32>
      %add3A_403 = arith.addi %add3A_400, %add3A_402 : vector<16xi32>
      %add3A_404 = arith.addi %add3A_403, %add3A_382 : vector<16xi32>
      %mul3A_405 = arith.constant 72 : i32
      %mul3A_406 = vector.broadcast %mul3A_405 : i32 to vector<16xi32>
      %mul3A_407 = arith.muli %mul3A_406, %convert_element_type3A_386 : vector<16xi32>
      %sub3A_408 = arith.subi %add3A_404, %mul3A_407 : vector<16xi32>
      %shift_right_arithmetic3A_409 = arith.constant 7 : i32
      %shift_right_arithmetic3A_410 = vector.broadcast %shift_right_arithmetic3A_409 : i32 to vector<16xi32>
      %shift_right_arithmetic3A_411 = arith.shrsi %sub3A_408, %shift_right_arithmetic3A_410 : vector<16xi32>
      %and3A_412 = arith.constant 127 : i32
      %and3A_413 = vector.broadcast %and3A_412 : i32 to vector<16xi32>
      %and3A_414 = arith.andi %sub3A_408, %and3A_413 : vector<16xi32>
      %gather3A_415 = tpu.vector_load_idx %arg11[%shift_right_arithmetic3A_411, %and3A_414] : memref<512x128xf32, #tpu.memory_space<vmem>>[vector<16xi32>, vector<16xi32>], vector<16xf32>,
      %mul3A_416 = arith.constant 144 : i32
      %mul3A_417 = arith.muli %mul3A_416, %scan3A_198 : i32
      %add3A_418 = arith.constant 48 : i32
      %add3A_419 = arith.addi %mul3A_417, %add3A_418 : i32
      %get3A_420 = arith.index_cast %add3A_419 : i32 to index
      %get3A_421 = tpu.vector_load %arg14[%get3A_420] {strides = array<i32>} : memref<18432xi32, #tpu.memory_space<vmem>>, vector<16xi32>,
      %convert_element_type3A_422 = arith.sitofp %get3A_421 : vector<16xi32> to vector<16xf32>
      %mul3A_423 = arith.mulf %gather3A_415, %convert_element_type3A_422 : vector<16xf32>
      %sub3A_424 = arith.constant 1.000000e+00 : f32
      %sub3A_425 = vector.broadcast %sub3A_424 : f32 to vector<16xf32>
      %sub3A_426 = arith.subf %convert_element_type3A_422, %sub3A_425 : vector<16xf32>
      %mul3A_427 = arith.constant 1.000000e+03 : f32
      %mul3A_428 = vector.broadcast %mul3A_427 : f32 to vector<16xf32>
      %mul3A_429 = arith.mulf %mul3A_428, %sub3A_426 : vector<16xf32>
      %add3A_430 = arith.addf %mul3A_423, %mul3A_429 : vector<16xf32>
      %swap3A_431 = arith.index_cast %add3A_419 : i32 to index
      %swap3A_432 = tpu.vector_load %arg17[%swap3A_431] {strides = array<i32>} : memref<18432xf32, #tpu.memory_space<vmem>>, vector<16xf32>,
      tpu.vector_store %arg17[%swap3A_431], %add3A_430 {strides = array<i32>} : memref<18432xf32, #tpu.memory_space<vmem>>, vector<16xf32>,
      %add3A_433 = arith.constant 64 : i32
      %add3A_434 = vector.broadcast %add3A_433 : i32 to vector<16xi32>
      %add3A_435 = arith.addi %add3A_434, %iota3A : vector<16xi32>
      %ge3A_436 = arith.constant 72 : i32
      %ge3A_437 = vector.broadcast %ge3A_436 : i32 to vector<16xi32>
      %ge3A_438 = arith.cmpi sge, %add3A_435, %ge3A_437 : vector<16xi32>
      %convert_element_type3A_439 = arith.extui %ge3A_438 : vector<16xi1> to vector<16xi32>
      %mul3A_440 = arith.constant 2 : i32
      %mul3A_441 = arith.muli %mul3A_440, %scan3A_198 : i32
      %mul3A_442 = arith.constant 256 : i32
      %mul3A_443 = arith.muli %mul3A_442, %mul3A_441 : i32
      %mul3A_444 = arith.constant 256 : i32
      %mul3A_445 = vector.broadcast %mul3A_444 : i32 to vector<16xi32>
      %mul3A_446 = arith.muli %mul3A_445, %convert_element_type3A_439 : vector<16xi32>
      %add3A_447 = vector.broadcast %mul3A_443 : i32 to vector<16xi32>
      %add3A_448 = arith.addi %add3A_447, %mul3A_446 : vector<16xi32>
      %ge3A_449 = arith.constant 72 : i32
      %ge3A_450 = vector.broadcast %ge3A_449 : i32 to vector<16xi32>
      %ge3A_451 = arith.cmpi sge, %add3A_435, %ge3A_450 : vector<16xi32>
      %select_n3A_452 = arith.select %ge3A_451, %and3A_227, %and3A_210 : vector<16xi1>, vector<16xi32>
      %add3A_453 = arith.addi %add3A_448, %select_n3A_452 : vector<16xi32>
      %add3A_454 = arith.constant 1 : i32
      %add3A_455 = vector.broadcast %add3A_454 : i32 to vector<16xi32>
      %add3A_456 = arith.addi %add3A_453, %add3A_455 : vector<16xi32>
      %add3A_457 = arith.addi %add3A_456, %add3A_435 : vector<16xi32>
      %mul3A_458 = arith.constant 72 : i32
      %mul3A_459 = vector.broadcast %mul3A_458 : i32 to vector<16xi32>
      %mul3A_460 = arith.muli %mul3A_459, %convert_element_type3A_439 : vector<16xi32>
      %sub3A_461 = arith.subi %add3A_457, %mul3A_460 : vector<16xi32>
      %shift_right_arithmetic3A_462 = arith.constant 7 : i32
      %shift_right_arithmetic3A_463 = vector.broadcast %shift_right_arithmetic3A_462 : i32 to vector<16xi32>
      %shift_right_arithmetic3A_464 = arith.shrsi %sub3A_461, %shift_right_arithmetic3A_463 : vector<16xi32>
      %and3A_465 = arith.constant 127 : i32
      %and3A_466 = vector.broadcast %and3A_465 : i32 to vector<16xi32>
      %and3A_467 = arith.andi %sub3A_461, %and3A_466 : vector<16xi32>
      %gather3A_468 = tpu.vector_load_idx %arg11[%shift_right_arithmetic3A_464, %and3A_467] : memref<512x128xf32, #tpu.memory_space<vmem>>[vector<16xi32>, vector<16xi32>], vector<16xf32>,
      %mul3A_469 = arith.constant 144 : i32
      %mul3A_470 = arith.muli %mul3A_469, %scan3A_198 : i32
      %add3A_471 = arith.constant 64 : i32
      %add3A_472 = arith.addi %mul3A_470, %add3A_471 : i32
      %get3A_473 = arith.index_cast %add3A_472 : i32 to index
      %get3A_474 = tpu.vector_load %arg14[%get3A_473] {strides = array<i32>} : memref<18432xi32, #tpu.memory_space<vmem>>, vector<16xi32>,
      %convert_element_type3A_475 = arith.sitofp %get3A_474 : vector<16xi32> to vector<16xf32>
      %mul3A_476 = arith.mulf %gather3A_468, %convert_element_type3A_475 : vector<16xf32>
      %sub3A_477 = arith.constant 1.000000e+00 : f32
      %sub3A_478 = vector.broadcast %sub3A_477 : f32 to vector<16xf32>
      %sub3A_479 = arith.subf %convert_element_type3A_475, %sub3A_478 : vector<16xf32>
      %mul3A_480 = arith.constant 1.000000e+03 : f32
      %mul3A_481 = vector.broadcast %mul3A_480 : f32 to vector<16xf32>
      %mul3A_482 = arith.mulf %mul3A_481, %sub3A_479 : vector<16xf32>
      %add3A_483 = arith.addf %mul3A_476, %mul3A_482 : vector<16xf32>
      %swap3A_484 = arith.index_cast %add3A_472 : i32 to index
      %swap3A_485 = tpu.vector_load %arg17[%swap3A_484] {strides = array<i32>} : memref<18432xf32, #tpu.memory_space<vmem>>, vector<16xf32>,
      tpu.vector_store %arg17[%swap3A_484], %add3A_483 {strides = array<i32>} : memref<18432xf32, #tpu.memory_space<vmem>>, vector<16xf32>,
      %add3A_486 = arith.constant 80 : i32
      %add3A_487 = vector.broadcast %add3A_486 : i32 to vector<16xi32>
      %add3A_488 = arith.addi %add3A_487, %iota3A : vector<16xi32>
      %ge3A_489 = arith.constant 72 : i32
      %ge3A_490 = vector.broadcast %ge3A_489 : i32 to vector<16xi32>
      %ge3A_491 = arith.cmpi sge, %add3A_488, %ge3A_490 : vector<16xi32>
      %convert_element_type3A_492 = arith.extui %ge3A_491 : vector<16xi1> to vector<16xi32>
      %mul3A_493 = arith.constant 2 : i32
      %mul3A_494 = arith.muli %mul3A_493, %scan3A_198 : i32
      %mul3A_495 = arith.constant 256 : i32
      %mul3A_496 = arith.muli %mul3A_495, %mul3A_494 : i32
      %mul3A_497 = arith.constant 256 : i32
      %mul3A_498 = vector.broadcast %mul3A_497 : i32 to vector<16xi32>
      %mul3A_499 = arith.muli %mul3A_498, %convert_element_type3A_492 : vector<16xi32>
      %add3A_500 = vector.broadcast %mul3A_496 : i32 to vector<16xi32>
      %add3A_501 = arith.addi %add3A_500, %mul3A_499 : vector<16xi32>
      %ge3A_502 = arith.constant 72 : i32
      %ge3A_503 = vector.broadcast %ge3A_502 : i32 to vector<16xi32>
      %ge3A_504 = arith.cmpi sge, %add3A_488, %ge3A_503 : vector<16xi32>
      %select_n3A_505 = arith.select %ge3A_504, %and3A_227, %and3A_210 : vector<16xi1>, vector<16xi32>
      %add3A_506 = arith.addi %add3A_501, %select_n3A_505 : vector<16xi32>
      %add3A_507 = arith.constant 1 : i32
      %add3A_508 = vector.broadcast %add3A_507 : i32 to vector<16xi32>
      %add3A_509 = arith.addi %add3A_506, %add3A_508 : vector<16xi32>
      %add3A_510 = arith.addi %add3A_509, %add3A_488 : vector<16xi32>
      %mul3A_511 = arith.constant 72 : i32
      %mul3A_512 = vector.broadcast %mul3A_511 : i32 to vector<16xi32>
      %mul3A_513 = arith.muli %mul3A_512, %convert_element_type3A_492 : vector<16xi32>
      %sub3A_514 = arith.subi %add3A_510, %mul3A_513 : vector<16xi32>
      %shift_right_arithmetic3A_515 = arith.constant 7 : i32
      %shift_right_arithmetic3A_516 = vector.broadcast %shift_right_arithmetic3A_515 : i32 to vector<16xi32>
      %shift_right_arithmetic3A_517 = arith.shrsi %sub3A_514, %shift_right_arithmetic3A_516 : vector<16xi32>
      %and3A_518 = arith.constant 127 : i32
      %and3A_519 = vector.broadcast %and3A_518 : i32 to vector<16xi32>
      %and3A_520 = arith.andi %sub3A_514, %and3A_519 : vector<16xi32>
      %gather3A_521 = tpu.vector_load_idx %arg11[%shift_right_arithmetic3A_517, %and3A_520] : memref<512x128xf32, #tpu.memory_space<vmem>>[vector<16xi32>, vector<16xi32>], vector<16xf32>,
      %mul3A_522 = arith.constant 144 : i32
      %mul3A_523 = arith.muli %mul3A_522, %scan3A_198 : i32
      %add3A_524 = arith.constant 80 : i32
      %add3A_525 = arith.addi %mul3A_523, %add3A_524 : i32
      %get3A_526 = arith.index_cast %add3A_525 : i32 to index
      %get3A_527 = tpu.vector_load %arg14[%get3A_526] {strides = array<i32>} : memref<18432xi32, #tpu.memory_space<vmem>>, vector<16xi32>,
      %convert_element_type3A_528 = arith.sitofp %get3A_527 : vector<16xi32> to vector<16xf32>
      %mul3A_529 = arith.mulf %gather3A_521, %convert_element_type3A_528 : vector<16xf32>
      %sub3A_530 = arith.constant 1.000000e+00 : f32
      %sub3A_531 = vector.broadcast %sub3A_530 : f32 to vector<16xf32>
      %sub3A_532 = arith.subf %convert_element_type3A_528, %sub3A_531 : vector<16xf32>
      %mul3A_533 = arith.constant 1.000000e+03 : f32
      %mul3A_534 = vector.broadcast %mul3A_533 : f32 to vector<16xf32>
      %mul3A_535 = arith.mulf %mul3A_534, %sub3A_532 : vector<16xf32>
      %add3A_536 = arith.addf %mul3A_529, %mul3A_535 : vector<16xf32>
      %swap3A_537 = arith.index_cast %add3A_525 : i32 to index
      %swap3A_538 = tpu.vector_load %arg17[%swap3A_537] {strides = array<i32>} : memref<18432xf32, #tpu.memory_space<vmem>>, vector<16xf32>,
      tpu.vector_store %arg17[%swap3A_537], %add3A_536 {strides = array<i32>} : memref<18432xf32, #tpu.memory_space<vmem>>, vector<16xf32>,
      %add3A_539 = arith.constant 96 : i32
      %add3A_540 = vector.broadcast %add3A_539 : i32 to vector<16xi32>
      %add3A_541 = arith.addi %add3A_540, %iota3A : vector<16xi32>
      %ge3A_542 = arith.constant 72 : i32
      %ge3A_543 = vector.broadcast %ge3A_542 : i32 to vector<16xi32>
      %ge3A_544 = arith.cmpi sge, %add3A_541, %ge3A_543 : vector<16xi32>
      %convert_element_type3A_545 = arith.extui %ge3A_544 : vector<16xi1> to vector<16xi32>
      %mul3A_546 = arith.constant 2 : i32
      %mul3A_547 = arith.muli %mul3A_546, %scan3A_198 : i32
      %mul3A_548 = arith.constant 256 : i32
      %mul3A_549 = arith.muli %mul3A_548, %mul3A_547 : i32
      %mul3A_550 = arith.constant 256 : i32
      %mul3A_551 = vector.broadcast %mul3A_550 : i32 to vector<16xi32>
      %mul3A_552 = arith.muli %mul3A_551, %convert_element_type3A_545 : vector<16xi32>
      %add3A_553 = vector.broadcast %mul3A_549 : i32 to vector<16xi32>
      %add3A_554 = arith.addi %add3A_553, %mul3A_552 : vector<16xi32>
      %ge3A_555 = arith.constant 72 : i32
      %ge3A_556 = vector.broadcast %ge3A_555 : i32 to vector<16xi32>
      %ge3A_557 = arith.cmpi sge, %add3A_541, %ge3A_556 : vector<16xi32>
      %select_n3A_558 = arith.select %ge3A_557, %and3A_227, %and3A_210 : vector<16xi1>, vector<16xi32>
      %add3A_559 = arith.addi %add3A_554, %select_n3A_558 : vector<16xi32>
      %add3A_560 = arith.constant 1 : i32
      %add3A_561 = vector.broadcast %add3A_560 : i32 to vector<16xi32>
      %add3A_562 = arith.addi %add3A_559, %add3A_561 : vector<16xi32>
      %add3A_563 = arith.addi %add3A_562, %add3A_541 : vector<16xi32>
      %mul3A_564 = arith.constant 72 : i32
      %mul3A_565 = vector.broadcast %mul3A_564 : i32 to vector<16xi32>
      %mul3A_566 = arith.muli %mul3A_565, %convert_element_type3A_545 : vector<16xi32>
      %sub3A_567 = arith.subi %add3A_563, %mul3A_566 : vector<16xi32>
      %shift_right_arithmetic3A_568 = arith.constant 7 : i32
      %shift_right_arithmetic3A_569 = vector.broadcast %shift_right_arithmetic3A_568 : i32 to vector<16xi32>
      %shift_right_arithmetic3A_570 = arith.shrsi %sub3A_567, %shift_right_arithmetic3A_569 : vector<16xi32>
      %and3A_571 = arith.constant 127 : i32
      %and3A_572 = vector.broadcast %and3A_571 : i32 to vector<16xi32>
      %and3A_573 = arith.andi %sub3A_567, %and3A_572 : vector<16xi32>
      %gather3A_574 = tpu.vector_load_idx %arg11[%shift_right_arithmetic3A_570, %and3A_573] : memref<512x128xf32, #tpu.memory_space<vmem>>[vector<16xi32>, vector<16xi32>], vector<16xf32>,
      %mul3A_575 = arith.constant 144 : i32
      %mul3A_576 = arith.muli %mul3A_575, %scan3A_198 : i32
      %add3A_577 = arith.constant 96 : i32
      %add3A_578 = arith.addi %mul3A_576, %add3A_577 : i32
      %get3A_579 = arith.index_cast %add3A_578 : i32 to index
      %get3A_580 = tpu.vector_load %arg14[%get3A_579] {strides = array<i32>} : memref<18432xi32, #tpu.memory_space<vmem>>, vector<16xi32>,
      %convert_element_type3A_581 = arith.sitofp %get3A_580 : vector<16xi32> to vector<16xf32>
      %mul3A_582 = arith.mulf %gather3A_574, %convert_element_type3A_581 : vector<16xf32>
      %sub3A_583 = arith.constant 1.000000e+00 : f32
      %sub3A_584 = vector.broadcast %sub3A_583 : f32 to vector<16xf32>
      %sub3A_585 = arith.subf %convert_element_type3A_581, %sub3A_584 : vector<16xf32>
      %mul3A_586 = arith.constant 1.000000e+03 : f32
      %mul3A_587 = vector.broadcast %mul3A_586 : f32 to vector<16xf32>
      %mul3A_588 = arith.mulf %mul3A_587, %sub3A_585 : vector<16xf32>
      %add3A_589 = arith.addf %mul3A_582, %mul3A_588 : vector<16xf32>
      %swap3A_590 = arith.index_cast %add3A_578 : i32 to index
      %swap3A_591 = tpu.vector_load %arg17[%swap3A_590] {strides = array<i32>} : memref<18432xf32, #tpu.memory_space<vmem>>, vector<16xf32>,
      tpu.vector_store %arg17[%swap3A_590], %add3A_589 {strides = array<i32>} : memref<18432xf32, #tpu.memory_space<vmem>>, vector<16xf32>,
      %add3A_592 = arith.constant 112 : i32
      %add3A_593 = vector.broadcast %add3A_592 : i32 to vector<16xi32>
      %add3A_594 = arith.addi %add3A_593, %iota3A : vector<16xi32>
      %ge3A_595 = arith.constant 72 : i32
      %ge3A_596 = vector.broadcast %ge3A_595 : i32 to vector<16xi32>
      %ge3A_597 = arith.cmpi sge, %add3A_594, %ge3A_596 : vector<16xi32>
      %convert_element_type3A_598 = arith.extui %ge3A_597 : vector<16xi1> to vector<16xi32>
      %mul3A_599 = arith.constant 2 : i32
      %mul3A_600 = arith.muli %mul3A_599, %scan3A_198 : i32
      %mul3A_601 = arith.constant 256 : i32
      %mul3A_602 = arith.muli %mul3A_601, %mul3A_600 : i32
      %mul3A_603 = arith.constant 256 : i32
      %mul3A_604 = vector.broadcast %mul3A_603 : i32 to vector<16xi32>
      %mul3A_605 = arith.muli %mul3A_604, %convert_element_type3A_598 : vector<16xi32>
      %add3A_606 = vector.broadcast %mul3A_602 : i32 to vector<16xi32>
      %add3A_607 = arith.addi %add3A_606, %mul3A_605 : vector<16xi32>
      %ge3A_608 = arith.constant 72 : i32
      %ge3A_609 = vector.broadcast %ge3A_608 : i32 to vector<16xi32>
      %ge3A_610 = arith.cmpi sge, %add3A_594, %ge3A_609 : vector<16xi32>
      %select_n3A_611 = arith.select %ge3A_610, %and3A_227, %and3A_210 : vector<16xi1>, vector<16xi32>
      %add3A_612 = arith.addi %add3A_607, %select_n3A_611 : vector<16xi32>
      %add3A_613 = arith.constant 1 : i32
      %add3A_614 = vector.broadcast %add3A_613 : i32 to vector<16xi32>
      %add3A_615 = arith.addi %add3A_612, %add3A_614 : vector<16xi32>
      %add3A_616 = arith.addi %add3A_615, %add3A_594 : vector<16xi32>
      %mul3A_617 = arith.constant 72 : i32
      %mul3A_618 = vector.broadcast %mul3A_617 : i32 to vector<16xi32>
      %mul3A_619 = arith.muli %mul3A_618, %convert_element_type3A_598 : vector<16xi32>
      %sub3A_620 = arith.subi %add3A_616, %mul3A_619 : vector<16xi32>
      %shift_right_arithmetic3A_621 = arith.constant 7 : i32
      %shift_right_arithmetic3A_622 = vector.broadcast %shift_right_arithmetic3A_621 : i32 to vector<16xi32>
      %shift_right_arithmetic3A_623 = arith.shrsi %sub3A_620, %shift_right_arithmetic3A_622 : vector<16xi32>
      %and3A_624 = arith.constant 127 : i32
      %and3A_625 = vector.broadcast %and3A_624 : i32 to vector<16xi32>
      %and3A_626 = arith.andi %sub3A_620, %and3A_625 : vector<16xi32>
      %gather3A_627 = tpu.vector_load_idx %arg11[%shift_right_arithmetic3A_623, %and3A_626] : memref<512x128xf32, #tpu.memory_space<vmem>>[vector<16xi32>, vector<16xi32>], vector<16xf32>,
      %mul3A_628 = arith.constant 144 : i32
      %mul3A_629 = arith.muli %mul3A_628, %scan3A_198 : i32
      %add3A_630 = arith.constant 112 : i32
      %add3A_631 = arith.addi %mul3A_629, %add3A_630 : i32
      %get3A_632 = arith.index_cast %add3A_631 : i32 to index
      %get3A_633 = tpu.vector_load %arg14[%get3A_632] {strides = array<i32>} : memref<18432xi32, #tpu.memory_space<vmem>>, vector<16xi32>,
      %convert_element_type3A_634 = arith.sitofp %get3A_633 : vector<16xi32> to vector<16xf32>
      %mul3A_635 = arith.mulf %gather3A_627, %convert_element_type3A_634 : vector<16xf32>
      %sub3A_636 = arith.constant 1.000000e+00 : f32
      %sub3A_637 = vector.broadcast %sub3A_636 : f32 to vector<16xf32>
      %sub3A_638 = arith.subf %convert_element_type3A_634, %sub3A_637 : vector<16xf32>
      %mul3A_639 = arith.constant 1.000000e+03 : f32
      %mul3A_640 = vector.broadcast %mul3A_639 : f32 to vector<16xf32>
      %mul3A_641 = arith.mulf %mul3A_640, %sub3A_638 : vector<16xf32>
      %add3A_642 = arith.addf %mul3A_635, %mul3A_641 : vector<16xf32>
      %swap3A_643 = arith.index_cast %add3A_631 : i32 to index
      %swap3A_644 = tpu.vector_load %arg17[%swap3A_643] {strides = array<i32>} : memref<18432xf32, #tpu.memory_space<vmem>>, vector<16xf32>,
      tpu.vector_store %arg17[%swap3A_643], %add3A_642 {strides = array<i32>} : memref<18432xf32, #tpu.memory_space<vmem>>, vector<16xf32>,
      %add3A_645 = arith.constant 128 : i32
      %add3A_646 = vector.broadcast %add3A_645 : i32 to vector<16xi32>
      %add3A_647 = arith.addi %add3A_646, %iota3A : vector<16xi32>
      %ge3A_648 = arith.constant 72 : i32
      %ge3A_649 = vector.broadcast %ge3A_648 : i32 to vector<16xi32>
      %ge3A_650 = arith.cmpi sge, %add3A_647, %ge3A_649 : vector<16xi32>
      %convert_element_type3A_651 = arith.extui %ge3A_650 : vector<16xi1> to vector<16xi32>
      %mul3A_652 = arith.constant 2 : i32
      %mul3A_653 = arith.muli %mul3A_652, %scan3A_198 : i32
      %mul3A_654 = arith.constant 256 : i32
      %mul3A_655 = arith.muli %mul3A_654, %mul3A_653 : i32
      %mul3A_656 = arith.constant 256 : i32
      %mul3A_657 = vector.broadcast %mul3A_656 : i32 to vector<16xi32>
      %mul3A_658 = arith.muli %mul3A_657, %convert_element_type3A_651 : vector<16xi32>
      %add3A_659 = vector.broadcast %mul3A_655 : i32 to vector<16xi32>
      %add3A_660 = arith.addi %add3A_659, %mul3A_658 : vector<16xi32>
      %ge3A_661 = arith.constant 72 : i32
      %ge3A_662 = vector.broadcast %ge3A_661 : i32 to vector<16xi32>
      %ge3A_663 = arith.cmpi sge, %add3A_647, %ge3A_662 : vector<16xi32>
      %select_n3A_664 = arith.select %ge3A_663, %and3A_227, %and3A_210 : vector<16xi1>, vector<16xi32>
      %add3A_665 = arith.addi %add3A_660, %select_n3A_664 : vector<16xi32>
      %add3A_666 = arith.constant 1 : i32
      %add3A_667 = vector.broadcast %add3A_666 : i32 to vector<16xi32>
      %add3A_668 = arith.addi %add3A_665, %add3A_667 : vector<16xi32>
      %add3A_669 = arith.addi %add3A_668, %add3A_647 : vector<16xi32>
      %mul3A_670 = arith.constant 72 : i32
      %mul3A_671 = vector.broadcast %mul3A_670 : i32 to vector<16xi32>
      %mul3A_672 = arith.muli %mul3A_671, %convert_element_type3A_651 : vector<16xi32>
      %sub3A_673 = arith.subi %add3A_669, %mul3A_672 : vector<16xi32>
      %shift_right_arithmetic3A_674 = arith.constant 7 : i32
      %shift_right_arithmetic3A_675 = vector.broadcast %shift_right_arithmetic3A_674 : i32 to vector<16xi32>
      %shift_right_arithmetic3A_676 = arith.shrsi %sub3A_673, %shift_right_arithmetic3A_675 : vector<16xi32>
      %and3A_677 = arith.constant 127 : i32
      %and3A_678 = vector.broadcast %and3A_677 : i32 to vector<16xi32>
      %and3A_679 = arith.andi %sub3A_673, %and3A_678 : vector<16xi32>
      %gather3A_680 = tpu.vector_load_idx %arg11[%shift_right_arithmetic3A_676, %and3A_679] : memref<512x128xf32, #tpu.memory_space<vmem>>[vector<16xi32>, vector<16xi32>], vector<16xf32>,
      %mul3A_681 = arith.constant 144 : i32
      %mul3A_682 = arith.muli %mul3A_681, %scan3A_198 : i32
      %add3A_683 = arith.constant 128 : i32
      %add3A_684 = arith.addi %mul3A_682, %add3A_683 : i32
      %get3A_685 = arith.index_cast %add3A_684 : i32 to index
      %get3A_686 = tpu.vector_load %arg14[%get3A_685] {strides = array<i32>} : memref<18432xi32, #tpu.memory_space<vmem>>, vector<16xi32>,
      %convert_element_type3A_687 = arith.sitofp %get3A_686 : vector<16xi32> to vector<16xf32>
      %mul3A_688 = arith.mulf %gather3A_680, %convert_element_type3A_687 : vector<16xf32>
      %sub3A_689 = arith.constant 1.000000e+00 : f32
      %sub3A_690 = vector.broadcast %sub3A_689 : f32 to vector<16xf32>
      %sub3A_691 = arith.subf %convert_element_type3A_687, %sub3A_690 : vector<16xf32>
      %mul3A_692 = arith.constant 1.000000e+03 : f32
      %mul3A_693 = vector.broadcast %mul3A_692 : f32 to vector<16xf32>
      %mul3A_694 = arith.mulf %mul3A_693, %sub3A_691 : vector<16xf32>
      %add3A_695 = arith.addf %mul3A_688, %mul3A_694 : vector<16xf32>
      %swap3A_696 = arith.index_cast %add3A_684 : i32 to index
      %swap3A_697 = tpu.vector_load %arg17[%swap3A_696] {strides = array<i32>} : memref<18432xf32, #tpu.memory_space<vmem>>, vector<16xf32>,
      tpu.vector_store %arg17[%swap3A_696], %add3A_695 {strides = array<i32>} : memref<18432xf32, #tpu.memory_space<vmem>>, vector<16xf32>,
    }
    %scan3A_187 = arith.constant 128 : i32
    %scan3A_188 = arith.constant 0 : i32
    %scan3A_189 = arith.constant 0 : i32
    %scan3A_190 = arith.constant 64 : i32
    %scan3A_191 = arith.addi %scan3A_189, %scan3A_190 : i32
    %scan3A_192 = arith.constant 1 : i32
    scf.for %scan3A_198 = %scan3A_189 to %scan3A_191 step %scan3A_192  : i32 {
      %mul3A_199 = arith.constant 0 : i32
      %mul3A_200 = vector.broadcast %mul3A_199 : i32 to vector<16xi32>
      %mul3A_201 = arith.muli %iota3A, %mul3A_200 : vector<16xi32>
      %mul3A_202 = arith.constant 4 : i32
      %mul3A_203 = arith.muli %mul3A_202, %scan3A_198 : i32
      %add3A_204 = vector.broadcast %mul3A_203 : i32 to vector<16xi32>
      %add3A_205 = arith.addi %mul3A_201, %add3A_204 : vector<16xi32>
      %add3A_206 = arith.constant 0 : i32
      %add3A_207 = vector.broadcast %add3A_206 : i32 to vector<16xi32>
      %add3A_208 = arith.addi %add3A_205, %add3A_207 : vector<16xi32>
      %gather3A = tpu.vector_load_idx %arg12[%add3A_208] : memref<256xi32, #tpu.memory_space<vmem>>[vector<16xi32>], vector<16xi32>,
      %mul3A_209 = arith.constant 110 : i32
      %mul3A_210 = vector.broadcast %mul3A_209 : i32 to vector<16xi32>
      %mul3A_211 = arith.muli %gather3A, %mul3A_210 : vector<16xi32>
      %and3A = arith.constant 127 : i32
      %and3A_212 = vector.broadcast %and3A : i32 to vector<16xi32>
      %and3A_213 = arith.andi %mul3A_211, %and3A_212 : vector<16xi32>
      %mul3A_214 = arith.constant 0 : i32
      %mul3A_215 = vector.broadcast %mul3A_214 : i32 to vector<16xi32>
      %mul3A_216 = arith.muli %iota3A, %mul3A_215 : vector<16xi32>
      %mul3A_217 = arith.constant 4 : i32
      %mul3A_218 = arith.muli %mul3A_217, %scan3A_198 : i32
      %add3A_219 = vector.broadcast %mul3A_218 : i32 to vector<16xi32>
      %add3A_220 = arith.addi %mul3A_216, %add3A_219 : vector<16xi32>
      %add3A_221 = arith.constant 1 : i32
      %add3A_222 = vector.broadcast %add3A_221 : i32 to vector<16xi32>
      %add3A_223 = arith.addi %add3A_220, %add3A_222 : vector<16xi32>
      %gather3A_224 = tpu.vector_load_idx %arg12[%add3A_223] : memref<256xi32, #tpu.memory_space<vmem>>[vector<16xi32>], vector<16xi32>,
      %mul3A_225 = arith.constant 110 : i32
      %mul3A_226 = vector.broadcast %mul3A_225 : i32 to vector<16xi32>
      %mul3A_227 = arith.muli %gather3A_224, %mul3A_226 : vector<16xi32>
      %and3A_228 = arith.constant 127 : i32
      %and3A_229 = vector.broadcast %and3A_228 : i32 to vector<16xi32>
      %and3A_230 = arith.andi %mul3A_227, %and3A_229 : vector<16xi32>
      %mul3A_231 = arith.constant 0 : i32
      %mul3A_232 = vector.broadcast %mul3A_231 : i32 to vector<16xi32>
      %mul3A_233 = arith.muli %iota3A, %mul3A_232 : vector<16xi32>
      %mul3A_234 = arith.constant 4 : i32
      %mul3A_235 = arith.muli %mul3A_234, %scan3A_198 : i32
      %add3A_236 = vector.broadcast %mul3A_235 : i32 to vector<16xi32>
      %add3A_237 = arith.addi %mul3A_233, %add3A_236 : vector<16xi32>
      %add3A_238 = arith.constant 2 : i32
      %add3A_239 = vector.broadcast %add3A_238 : i32 to vector<16xi32>
      %add3A_240 = arith.addi %add3A_237, %add3A_239 : vector<16xi32>
      %gather3A_241 = tpu.vector_load_idx %arg12[%add3A_240] : memref<256xi32, #tpu.memory_space<vmem>>[vector<16xi32>], vector<16xi32>,
      %mul3A_242 = arith.constant 110 : i32
      %mul3A_243 = vector.broadcast %mul3A_242 : i32 to vector<16xi32>
      %mul3A_244 = arith.muli %gather3A_241, %mul3A_243 : vector<16xi32>
      %and3A_245 = arith.constant 127 : i32
      %and3A_246 = vector.broadcast %and3A_245 : i32 to vector<16xi32>
      %and3A_247 = arith.andi %mul3A_244, %and3A_246 : vector<16xi32>
      %mul3A_248 = arith.constant 0 : i32
      %mul3A_249 = vector.broadcast %mul3A_248 : i32 to vector<16xi32>
      %mul3A_250 = arith.muli %iota3A, %mul3A_249 : vector<16xi32>
      %mul3A_251 = arith.constant 4 : i32
      %mul3A_252 = arith.muli %mul3A_251, %scan3A_198 : i32
      %add3A_253 = vector.broadcast %mul3A_252 : i32 to vector<16xi32>
      %add3A_254 = arith.addi %mul3A_250, %add3A_253 : vector<16xi32>
      %add3A_255 = arith.constant 3 : i32
      %add3A_256 = vector.broadcast %add3A_255 : i32 to vector<16xi32>
      %add3A_257 = arith.addi %add3A_254, %add3A_256 : vector<16xi32>
      %gather3A_258 = tpu.vector_load_idx %arg12[%add3A_257] : memref<256xi32, #tpu.memory_space<vmem>>[vector<16xi32>], vector<16xi32>,
      %mul3A_259 = arith.constant 110 : i32
      %mul3A_260 = vector.broadcast %mul3A_259 : i32 to vector<16xi32>
      %mul3A_261 = arith.muli %gather3A_258, %mul3A_260 : vector<16xi32>
      %and3A_262 = arith.constant 127 : i32
      %and3A_263 = vector.broadcast %and3A_262 : i32 to vector<16xi32>
      %and3A_264 = arith.andi %mul3A_261, %and3A_263 : vector<16xi32>
      %add3A_265 = arith.constant 0 : i32
      %add3A_266 = vector.broadcast %add3A_265 : i32 to vector<16xi32>
      %add3A_267 = arith.addi %add3A_266, %iota3A : vector<16xi32>
      %ge3A = arith.constant 36 : i32
      %ge3A_268 = vector.broadcast %ge3A : i32 to vector<16xi32>
      %ge3A_269 = arith.cmpi sge, %add3A_267, %ge3A_268 : vector<16xi32>
      %convert_element_type3A = arith.extui %ge3A_269 : vector<16xi1> to vector<16xi32>
      %ge3A_270 = arith.constant 72 : i32
      %ge3A_271 = vector.broadcast %ge3A_270 : i32 to vector<16xi32>
      %ge3A_272 = arith.cmpi sge, %add3A_267, %ge3A_271 : vector<16xi32>
      %convert_element_type3A_273 = arith.extui %ge3A_272 : vector<16xi1> to vector<16xi32>
      %add3A_274 = arith.addi %convert_element_type3A, %convert_element_type3A_273 : vector<16xi32>
      %ge3A_275 = arith.constant 108 : i32
      %ge3A_276 = vector.broadcast %ge3A_275 : i32 to vector<16xi32>
      %ge3A_277 = arith.cmpi sge, %add3A_267, %ge3A_276 : vector<16xi32>
      %convert_element_type3A_278 = arith.extui %ge3A_277 : vector<16xi1> to vector<16xi32>
      %add3A_279 = arith.addi %add3A_274, %convert_element_type3A_278 : vector<16xi32>
      %ge3A_280 = arith.constant 108 : i32
      %ge3A_281 = vector.broadcast %ge3A_280 : i32 to vector<16xi32>
      %ge3A_282 = arith.cmpi sge, %add3A_267, %ge3A_281 : vector<16xi32>
      %ge3A_283 = arith.constant 72 : i32
      %ge3A_284 = vector.broadcast %ge3A_283 : i32 to vector<16xi32>
      %ge3A_285 = arith.cmpi sge, %add3A_267, %ge3A_284 : vector<16xi32>
      %ge3A_286 = arith.constant 36 : i32
      %ge3A_287 = vector.broadcast %ge3A_286 : i32 to vector<16xi32>
      %ge3A_288 = arith.cmpi sge, %add3A_267, %ge3A_287 : vector<16xi32>
      %select_n3A = arith.select %ge3A_288, %and3A_230, %and3A_213 : vector<16xi1>, vector<16xi32>
      %select_n3A_289 = arith.select %ge3A_285, %and3A_247, %select_n3A : vector<16xi1>, vector<16xi32>
      %select_n3A_290 = arith.select %ge3A_282, %and3A_264, %select_n3A_289 : vector<16xi1>, vector<16xi32>
      %mul3A_291 = arith.constant 4 : i32
      %mul3A_292 = arith.muli %mul3A_291, %scan3A_198 : i32
      %mul3A_293 = arith.constant 256 : i32
      %mul3A_294 = arith.muli %mul3A_293, %mul3A_292 : i32
      %mul3A_295 = arith.constant 256 : i32
      %mul3A_296 = vector.broadcast %mul3A_295 : i32 to vector<16xi32>
      %mul3A_297 = arith.muli %mul3A_296, %add3A_279 : vector<16xi32>
      %add3A_298 = vector.broadcast %mul3A_294 : i32 to vector<16xi32>
      %add3A_299 = arith.addi %add3A_298, %mul3A_297 : vector<16xi32>
      %add3A_300 = arith.addi %add3A_299, %select_n3A_290 : vector<16xi32>
      %add3A_301 = arith.constant 73 : i32
      %add3A_302 = vector.broadcast %add3A_301 : i32 to vector<16xi32>
      %add3A_303 = arith.addi %add3A_300, %add3A_302 : vector<16xi32>
      %add3A_304 = arith.addi %add3A_303, %add3A_267 : vector<16xi32>
      %mul3A_305 = arith.constant 36 : i32
      %mul3A_306 = vector.broadcast %mul3A_305 : i32 to vector<16xi32>
      %mul3A_307 = arith.muli %mul3A_306, %add3A_279 : vector<16xi32>
      %sub3A = arith.subi %add3A_304, %mul3A_307 : vector<16xi32>
      %shift_right_arithmetic3A = arith.constant 7 : i32
      %shift_right_arithmetic3A_308 = vector.broadcast %shift_right_arithmetic3A : i32 to vector<16xi32>
      %shift_right_arithmetic3A_309 = arith.shrsi %sub3A, %shift_right_arithmetic3A_308 : vector<16xi32>
      %and3A_310 = arith.constant 127 : i32
      %and3A_311 = vector.broadcast %and3A_310 : i32 to vector<16xi32>
      %and3A_312 = arith.andi %sub3A, %and3A_311 : vector<16xi32>
      %gather3A_313 = tpu.vector_load_idx %arg11[%shift_right_arithmetic3A_309, %and3A_312] : memref<512x128xf32, #tpu.memory_space<vmem>>[vector<16xi32>, vector<16xi32>], vector<16xf32>,
      %mul3A_314 = arith.constant 144 : i32
      %mul3A_315 = arith.muli %mul3A_314, %scan3A_198 : i32
      %add3A_316 = arith.constant 0 : i32
      %add3A_317 = arith.addi %mul3A_315, %add3A_316 : i32
      %get3A = arith.index_cast %add3A_317 : i32 to index
      %get3A_318 = tpu.vector_load %arg15[%get3A] {strides = array<i32>} : memref<9216xi32, #tpu.memory_space<vmem>>, vector<16xi32>,
      %convert_element_type3A_319 = arith.sitofp %get3A_318 : vector<16xi32> to vector<16xf32>
      %mul3A_320 = arith.mulf %gather3A_313, %convert_element_type3A_319 : vector<16xf32>
      %sub3A_321 = arith.constant 1.000000e+00 : f32
      %sub3A_322 = vector.broadcast %sub3A_321 : f32 to vector<16xf32>
      %sub3A_323 = arith.subf %convert_element_type3A_319, %sub3A_322 : vector<16xf32>
      %mul3A_324 = arith.constant 1.000000e+03 : f32
      %mul3A_325 = vector.broadcast %mul3A_324 : f32 to vector<16xf32>
      %mul3A_326 = arith.mulf %mul3A_325, %sub3A_323 : vector<16xf32>
      %add3A_327 = arith.addf %mul3A_320, %mul3A_326 : vector<16xf32>
      %swap3A = arith.index_cast %add3A_317 : i32 to index
      %swap3A_328 = tpu.vector_load %arg18[%swap3A] {strides = array<i32>} : memref<9216xf32, #tpu.memory_space<vmem>>, vector<16xf32>,
      tpu.vector_store %arg18[%swap3A], %add3A_327 {strides = array<i32>} : memref<9216xf32, #tpu.memory_space<vmem>>, vector<16xf32>,
      %add3A_329 = arith.constant 16 : i32
      %add3A_330 = vector.broadcast %add3A_329 : i32 to vector<16xi32>
      %add3A_331 = arith.addi %add3A_330, %iota3A : vector<16xi32>
      %ge3A_332 = arith.constant 36 : i32
      %ge3A_333 = vector.broadcast %ge3A_332 : i32 to vector<16xi32>
      %ge3A_334 = arith.cmpi sge, %add3A_331, %ge3A_333 : vector<16xi32>
      %convert_element_type3A_335 = arith.extui %ge3A_334 : vector<16xi1> to vector<16xi32>
      %ge3A_336 = arith.constant 72 : i32
      %ge3A_337 = vector.broadcast %ge3A_336 : i32 to vector<16xi32>
      %ge3A_338 = arith.cmpi sge, %add3A_331, %ge3A_337 : vector<16xi32>
      %convert_element_type3A_339 = arith.extui %ge3A_338 : vector<16xi1> to vector<16xi32>
      %add3A_340 = arith.addi %convert_element_type3A_335, %convert_element_type3A_339 : vector<16xi32>
      %ge3A_341 = arith.constant 108 : i32
      %ge3A_342 = vector.broadcast %ge3A_341 : i32 to vector<16xi32>
      %ge3A_343 = arith.cmpi sge, %add3A_331, %ge3A_342 : vector<16xi32>
      %convert_element_type3A_344 = arith.extui %ge3A_343 : vector<16xi1> to vector<16xi32>
      %add3A_345 = arith.addi %add3A_340, %convert_element_type3A_344 : vector<16xi32>
      %ge3A_346 = arith.constant 108 : i32
      %ge3A_347 = vector.broadcast %ge3A_346 : i32 to vector<16xi32>
      %ge3A_348 = arith.cmpi sge, %add3A_331, %ge3A_347 : vector<16xi32>
      %ge3A_349 = arith.constant 72 : i32
      %ge3A_350 = vector.broadcast %ge3A_349 : i32 to vector<16xi32>
      %ge3A_351 = arith.cmpi sge, %add3A_331, %ge3A_350 : vector<16xi32>
      %ge3A_352 = arith.constant 36 : i32
      %ge3A_353 = vector.broadcast %ge3A_352 : i32 to vector<16xi32>
      %ge3A_354 = arith.cmpi sge, %add3A_331, %ge3A_353 : vector<16xi32>
      %select_n3A_355 = arith.select %ge3A_354, %and3A_230, %and3A_213 : vector<16xi1>, vector<16xi32>
      %select_n3A_356 = arith.select %ge3A_351, %and3A_247, %select_n3A_355 : vector<16xi1>, vector<16xi32>
      %select_n3A_357 = arith.select %ge3A_348, %and3A_264, %select_n3A_356 : vector<16xi1>, vector<16xi32>
      %mul3A_358 = arith.constant 4 : i32
      %mul3A_359 = arith.muli %mul3A_358, %scan3A_198 : i32
      %mul3A_360 = arith.constant 256 : i32
      %mul3A_361 = arith.muli %mul3A_360, %mul3A_359 : i32
      %mul3A_362 = arith.constant 256 : i32
      %mul3A_363 = vector.broadcast %mul3A_362 : i32 to vector<16xi32>
      %mul3A_364 = arith.muli %mul3A_363, %add3A_345 : vector<16xi32>
      %add3A_365 = vector.broadcast %mul3A_361 : i32 to vector<16xi32>
      %add3A_366 = arith.addi %add3A_365, %mul3A_364 : vector<16xi32>
      %add3A_367 = arith.addi %add3A_366, %select_n3A_357 : vector<16xi32>
      %add3A_368 = arith.constant 73 : i32
      %add3A_369 = vector.broadcast %add3A_368 : i32 to vector<16xi32>
      %add3A_370 = arith.addi %add3A_367, %add3A_369 : vector<16xi32>
      %add3A_371 = arith.addi %add3A_370, %add3A_331 : vector<16xi32>
      %mul3A_372 = arith.constant 36 : i32
      %mul3A_373 = vector.broadcast %mul3A_372 : i32 to vector<16xi32>
      %mul3A_374 = arith.muli %mul3A_373, %add3A_345 : vector<16xi32>
      %sub3A_375 = arith.subi %add3A_371, %mul3A_374 : vector<16xi32>
      %shift_right_arithmetic3A_376 = arith.constant 7 : i32
      %shift_right_arithmetic3A_377 = vector.broadcast %shift_right_arithmetic3A_376 : i32 to vector<16xi32>
      %shift_right_arithmetic3A_378 = arith.shrsi %sub3A_375, %shift_right_arithmetic3A_377 : vector<16xi32>
      %and3A_379 = arith.constant 127 : i32
      %and3A_380 = vector.broadcast %and3A_379 : i32 to vector<16xi32>
      %and3A_381 = arith.andi %sub3A_375, %and3A_380 : vector<16xi32>
      %gather3A_382 = tpu.vector_load_idx %arg11[%shift_right_arithmetic3A_378, %and3A_381] : memref<512x128xf32, #tpu.memory_space<vmem>>[vector<16xi32>, vector<16xi32>], vector<16xf32>,
      %mul3A_383 = arith.constant 144 : i32
      %mul3A_384 = arith.muli %mul3A_383, %scan3A_198 : i32
      %add3A_385 = arith.constant 16 : i32
      %add3A_386 = arith.addi %mul3A_384, %add3A_385 : i32
      %get3A_387 = arith.index_cast %add3A_386 : i32 to index
      %get3A_388 = tpu.vector_load %arg15[%get3A_387] {strides = array<i32>} : memref<9216xi32, #tpu.memory_space<vmem>>, vector<16xi32>,
      %convert_element_type3A_389 = arith.sitofp %get3A_388 : vector<16xi32> to vector<16xf32>
      %mul3A_390 = arith.mulf %gather3A_382, %convert_element_type3A_389 : vector<16xf32>
      %sub3A_391 = arith.constant 1.000000e+00 : f32
      %sub3A_392 = vector.broadcast %sub3A_391 : f32 to vector<16xf32>
      %sub3A_393 = arith.subf %convert_element_type3A_389, %sub3A_392 : vector<16xf32>
      %mul3A_394 = arith.constant 1.000000e+03 : f32
      %mul3A_395 = vector.broadcast %mul3A_394 : f32 to vector<16xf32>
      %mul3A_396 = arith.mulf %mul3A_395, %sub3A_393 : vector<16xf32>
      %add3A_397 = arith.addf %mul3A_390, %mul3A_396 : vector<16xf32>
      %swap3A_398 = arith.index_cast %add3A_386 : i32 to index
      %swap3A_399 = tpu.vector_load %arg18[%swap3A_398] {strides = array<i32>} : memref<9216xf32, #tpu.memory_space<vmem>>, vector<16xf32>,
      tpu.vector_store %arg18[%swap3A_398], %add3A_397 {strides = array<i32>} : memref<9216xf32, #tpu.memory_space<vmem>>, vector<16xf32>,
      %add3A_400 = arith.constant 32 : i32
      %add3A_401 = vector.broadcast %add3A_400 : i32 to vector<16xi32>
      %add3A_402 = arith.addi %add3A_401, %iota3A : vector<16xi32>
      %ge3A_403 = arith.constant 36 : i32
      %ge3A_404 = vector.broadcast %ge3A_403 : i32 to vector<16xi32>
      %ge3A_405 = arith.cmpi sge, %add3A_402, %ge3A_404 : vector<16xi32>
      %convert_element_type3A_406 = arith.extui %ge3A_405 : vector<16xi1> to vector<16xi32>
      %ge3A_407 = arith.constant 72 : i32
      %ge3A_408 = vector.broadcast %ge3A_407 : i32 to vector<16xi32>
      %ge3A_409 = arith.cmpi sge, %add3A_402, %ge3A_408 : vector<16xi32>
      %convert_element_type3A_410 = arith.extui %ge3A_409 : vector<16xi1> to vector<16xi32>
      %add3A_411 = arith.addi %convert_element_type3A_406, %convert_element_type3A_410 : vector<16xi32>
      %ge3A_412 = arith.constant 108 : i32
      %ge3A_413 = vector.broadcast %ge3A_412 : i32 to vector<16xi32>
      %ge3A_414 = arith.cmpi sge, %add3A_402, %ge3A_413 : vector<16xi32>
      %convert_element_type3A_415 = arith.extui %ge3A_414 : vector<16xi1> to vector<16xi32>
      %add3A_416 = arith.addi %add3A_411, %convert_element_type3A_415 : vector<16xi32>
      %ge3A_417 = arith.constant 108 : i32
      %ge3A_418 = vector.broadcast %ge3A_417 : i32 to vector<16xi32>
      %ge3A_419 = arith.cmpi sge, %add3A_402, %ge3A_418 : vector<16xi32>
      %ge3A_420 = arith.constant 72 : i32
      %ge3A_421 = vector.broadcast %ge3A_420 : i32 to vector<16xi32>
      %ge3A_422 = arith.cmpi sge, %add3A_402, %ge3A_421 : vector<16xi32>
      %ge3A_423 = arith.constant 36 : i32
      %ge3A_424 = vector.broadcast %ge3A_423 : i32 to vector<16xi32>
      %ge3A_425 = arith.cmpi sge, %add3A_402, %ge3A_424 : vector<16xi32>
      %select_n3A_426 = arith.select %ge3A_425, %and3A_230, %and3A_213 : vector<16xi1>, vector<16xi32>
      %select_n3A_427 = arith.select %ge3A_422, %and3A_247, %select_n3A_426 : vector<16xi1>, vector<16xi32>
      %select_n3A_428 = arith.select %ge3A_419, %and3A_264, %select_n3A_427 : vector<16xi1>, vector<16xi32>
      %mul3A_429 = arith.constant 4 : i32
      %mul3A_430 = arith.muli %mul3A_429, %scan3A_198 : i32
      %mul3A_431 = arith.constant 256 : i32
      %mul3A_432 = arith.muli %mul3A_431, %mul3A_430 : i32
      %mul3A_433 = arith.constant 256 : i32
      %mul3A_434 = vector.broadcast %mul3A_433 : i32 to vector<16xi32>
      %mul3A_435 = arith.muli %mul3A_434, %add3A_416 : vector<16xi32>
      %add3A_436 = vector.broadcast %mul3A_432 : i32 to vector<16xi32>
      %add3A_437 = arith.addi %add3A_436, %mul3A_435 : vector<16xi32>
      %add3A_438 = arith.addi %add3A_437, %select_n3A_428 : vector<16xi32>
      %add3A_439 = arith.constant 73 : i32
      %add3A_440 = vector.broadcast %add3A_439 : i32 to vector<16xi32>
      %add3A_441 = arith.addi %add3A_438, %add3A_440 : vector<16xi32>
      %add3A_442 = arith.addi %add3A_441, %add3A_402 : vector<16xi32>
      %mul3A_443 = arith.constant 36 : i32
      %mul3A_444 = vector.broadcast %mul3A_443 : i32 to vector<16xi32>
      %mul3A_445 = arith.muli %mul3A_444, %add3A_416 : vector<16xi32>
      %sub3A_446 = arith.subi %add3A_442, %mul3A_445 : vector<16xi32>
      %shift_right_arithmetic3A_447 = arith.constant 7 : i32
      %shift_right_arithmetic3A_448 = vector.broadcast %shift_right_arithmetic3A_447 : i32 to vector<16xi32>
      %shift_right_arithmetic3A_449 = arith.shrsi %sub3A_446, %shift_right_arithmetic3A_448 : vector<16xi32>
      %and3A_450 = arith.constant 127 : i32
      %and3A_451 = vector.broadcast %and3A_450 : i32 to vector<16xi32>
      %and3A_452 = arith.andi %sub3A_446, %and3A_451 : vector<16xi32>
      %gather3A_453 = tpu.vector_load_idx %arg11[%shift_right_arithmetic3A_449, %and3A_452] : memref<512x128xf32, #tpu.memory_space<vmem>>[vector<16xi32>, vector<16xi32>], vector<16xf32>,
      %mul3A_454 = arith.constant 144 : i32
      %mul3A_455 = arith.muli %mul3A_454, %scan3A_198 : i32
      %add3A_456 = arith.constant 32 : i32
      %add3A_457 = arith.addi %mul3A_455, %add3A_456 : i32
      %get3A_458 = arith.index_cast %add3A_457 : i32 to index
      %get3A_459 = tpu.vector_load %arg15[%get3A_458] {strides = array<i32>} : memref<9216xi32, #tpu.memory_space<vmem>>, vector<16xi32>,
      %convert_element_type3A_460 = arith.sitofp %get3A_459 : vector<16xi32> to vector<16xf32>
      %mul3A_461 = arith.mulf %gather3A_453, %convert_element_type3A_460 : vector<16xf32>
      %sub3A_462 = arith.constant 1.000000e+00 : f32
      %sub3A_463 = vector.broadcast %sub3A_462 : f32 to vector<16xf32>
      %sub3A_464 = arith.subf %convert_element_type3A_460, %sub3A_463 : vector<16xf32>
      %mul3A_465 = arith.constant 1.000000e+03 : f32
      %mul3A_466 = vector.broadcast %mul3A_465 : f32 to vector<16xf32>
      %mul3A_467 = arith.mulf %mul3A_466, %sub3A_464 : vector<16xf32>
      %add3A_468 = arith.addf %mul3A_461, %mul3A_467 : vector<16xf32>
      %swap3A_469 = arith.index_cast %add3A_457 : i32 to index
      %swap3A_470 = tpu.vector_load %arg18[%swap3A_469] {strides = array<i32>} : memref<9216xf32, #tpu.memory_space<vmem>>, vector<16xf32>,
      tpu.vector_store %arg18[%swap3A_469], %add3A_468 {strides = array<i32>} : memref<9216xf32, #tpu.memory_space<vmem>>, vector<16xf32>,
      %add3A_471 = arith.constant 48 : i32
      %add3A_472 = vector.broadcast %add3A_471 : i32 to vector<16xi32>
      %add3A_473 = arith.addi %add3A_472, %iota3A : vector<16xi32>
      %ge3A_474 = arith.constant 36 : i32
      %ge3A_475 = vector.broadcast %ge3A_474 : i32 to vector<16xi32>
      %ge3A_476 = arith.cmpi sge, %add3A_473, %ge3A_475 : vector<16xi32>
      %convert_element_type3A_477 = arith.extui %ge3A_476 : vector<16xi1> to vector<16xi32>
      %ge3A_478 = arith.constant 72 : i32
      %ge3A_479 = vector.broadcast %ge3A_478 : i32 to vector<16xi32>
      %ge3A_480 = arith.cmpi sge, %add3A_473, %ge3A_479 : vector<16xi32>
      %convert_element_type3A_481 = arith.extui %ge3A_480 : vector<16xi1> to vector<16xi32>
      %add3A_482 = arith.addi %convert_element_type3A_477, %convert_element_type3A_481 : vector<16xi32>
      %ge3A_483 = arith.constant 108 : i32
      %ge3A_484 = vector.broadcast %ge3A_483 : i32 to vector<16xi32>
      %ge3A_485 = arith.cmpi sge, %add3A_473, %ge3A_484 : vector<16xi32>
      %convert_element_type3A_486 = arith.extui %ge3A_485 : vector<16xi1> to vector<16xi32>
      %add3A_487 = arith.addi %add3A_482, %convert_element_type3A_486 : vector<16xi32>
      %ge3A_488 = arith.constant 108 : i32
      %ge3A_489 = vector.broadcast %ge3A_488 : i32 to vector<16xi32>
      %ge3A_490 = arith.cmpi sge, %add3A_473, %ge3A_489 : vector<16xi32>
      %ge3A_491 = arith.constant 72 : i32
      %ge3A_492 = vector.broadcast %ge3A_491 : i32 to vector<16xi32>
      %ge3A_493 = arith.cmpi sge, %add3A_473, %ge3A_492 : vector<16xi32>
      %ge3A_494 = arith.constant 36 : i32
      %ge3A_495 = vector.broadcast %ge3A_494 : i32 to vector<16xi32>
      %ge3A_496 = arith.cmpi sge, %add3A_473, %ge3A_495 : vector<16xi32>
      %select_n3A_497 = arith.select %ge3A_496, %and3A_230, %and3A_213 : vector<16xi1>, vector<16xi32>
      %select_n3A_498 = arith.select %ge3A_493, %and3A_247, %select_n3A_497 : vector<16xi1>, vector<16xi32>
      %select_n3A_499 = arith.select %ge3A_490, %and3A_264, %select_n3A_498 : vector<16xi1>, vector<16xi32>
      %mul3A_500 = arith.constant 4 : i32
      %mul3A_501 = arith.muli %mul3A_500, %scan3A_198 : i32
      %mul3A_502 = arith.constant 256 : i32
      %mul3A_503 = arith.muli %mul3A_502, %mul3A_501 : i32
      %mul3A_504 = arith.constant 256 : i32
      %mul3A_505 = vector.broadcast %mul3A_504 : i32 to vector<16xi32>
      %mul3A_506 = arith.muli %mul3A_505, %add3A_487 : vector<16xi32>
      %add3A_507 = vector.broadcast %mul3A_503 : i32 to vector<16xi32>
      %add3A_508 = arith.addi %add3A_507, %mul3A_506 : vector<16xi32>
      %add3A_509 = arith.addi %add3A_508, %select_n3A_499 : vector<16xi32>
      %add3A_510 = arith.constant 73 : i32
      %add3A_511 = vector.broadcast %add3A_510 : i32 to vector<16xi32>
      %add3A_512 = arith.addi %add3A_509, %add3A_511 : vector<16xi32>
      %add3A_513 = arith.addi %add3A_512, %add3A_473 : vector<16xi32>
      %mul3A_514 = arith.constant 36 : i32
      %mul3A_515 = vector.broadcast %mul3A_514 : i32 to vector<16xi32>
      %mul3A_516 = arith.muli %mul3A_515, %add3A_487 : vector<16xi32>
      %sub3A_517 = arith.subi %add3A_513, %mul3A_516 : vector<16xi32>
      %shift_right_arithmetic3A_518 = arith.constant 7 : i32
      %shift_right_arithmetic3A_519 = vector.broadcast %shift_right_arithmetic3A_518 : i32 to vector<16xi32>
      %shift_right_arithmetic3A_520 = arith.shrsi %sub3A_517, %shift_right_arithmetic3A_519 : vector<16xi32>
      %and3A_521 = arith.constant 127 : i32
      %and3A_522 = vector.broadcast %and3A_521 : i32 to vector<16xi32>
      %and3A_523 = arith.andi %sub3A_517, %and3A_522 : vector<16xi32>
      %gather3A_524 = tpu.vector_load_idx %arg11[%shift_right_arithmetic3A_520, %and3A_523] : memref<512x128xf32, #tpu.memory_space<vmem>>[vector<16xi32>, vector<16xi32>], vector<16xf32>,
      %mul3A_525 = arith.constant 144 : i32
      %mul3A_526 = arith.muli %mul3A_525, %scan3A_198 : i32
      %add3A_527 = arith.constant 48 : i32
      %add3A_528 = arith.addi %mul3A_526, %add3A_527 : i32
      %get3A_529 = arith.index_cast %add3A_528 : i32 to index
      %get3A_530 = tpu.vector_load %arg15[%get3A_529] {strides = array<i32>} : memref<9216xi32, #tpu.memory_space<vmem>>, vector<16xi32>,
      %convert_element_type3A_531 = arith.sitofp %get3A_530 : vector<16xi32> to vector<16xf32>
      %mul3A_532 = arith.mulf %gather3A_524, %convert_element_type3A_531 : vector<16xf32>
      %sub3A_533 = arith.constant 1.000000e+00 : f32
      %sub3A_534 = vector.broadcast %sub3A_533 : f32 to vector<16xf32>
      %sub3A_535 = arith.subf %convert_element_type3A_531, %sub3A_534 : vector<16xf32>
      %mul3A_536 = arith.constant 1.000000e+03 : f32
      %mul3A_537 = vector.broadcast %mul3A_536 : f32 to vector<16xf32>
      %mul3A_538 = arith.mulf %mul3A_537, %sub3A_535 : vector<16xf32>
      %add3A_539 = arith.addf %mul3A_532, %mul3A_538 : vector<16xf32>
      %swap3A_540 = arith.index_cast %add3A_528 : i32 to index
      %swap3A_541 = tpu.vector_load %arg18[%swap3A_540] {strides = array<i32>} : memref<9216xf32, #tpu.memory_space<vmem>>, vector<16xf32>,
      tpu.vector_store %arg18[%swap3A_540], %add3A_539 {strides = array<i32>} : memref<9216xf32, #tpu.memory_space<vmem>>, vector<16xf32>,
      %add3A_542 = arith.constant 64 : i32
      %add3A_543 = vector.broadcast %add3A_542 : i32 to vector<16xi32>
      %add3A_544 = arith.addi %add3A_543, %iota3A : vector<16xi32>
      %ge3A_545 = arith.constant 36 : i32
      %ge3A_546 = vector.broadcast %ge3A_545 : i32 to vector<16xi32>
      %ge3A_547 = arith.cmpi sge, %add3A_544, %ge3A_546 : vector<16xi32>
      %convert_element_type3A_548 = arith.extui %ge3A_547 : vector<16xi1> to vector<16xi32>
      %ge3A_549 = arith.constant 72 : i32
      %ge3A_550 = vector.broadcast %ge3A_549 : i32 to vector<16xi32>
      %ge3A_551 = arith.cmpi sge, %add3A_544, %ge3A_550 : vector<16xi32>
      %convert_element_type3A_552 = arith.extui %ge3A_551 : vector<16xi1> to vector<16xi32>
      %add3A_553 = arith.addi %convert_element_type3A_548, %convert_element_type3A_552 : vector<16xi32>
      %ge3A_554 = arith.constant 108 : i32
      %ge3A_555 = vector.broadcast %ge3A_554 : i32 to vector<16xi32>
      %ge3A_556 = arith.cmpi sge, %add3A_544, %ge3A_555 : vector<16xi32>
      %convert_element_type3A_557 = arith.extui %ge3A_556 : vector<16xi1> to vector<16xi32>
      %add3A_558 = arith.addi %add3A_553, %convert_element_type3A_557 : vector<16xi32>
      %ge3A_559 = arith.constant 108 : i32
      %ge3A_560 = vector.broadcast %ge3A_559 : i32 to vector<16xi32>
      %ge3A_561 = arith.cmpi sge, %add3A_544, %ge3A_560 : vector<16xi32>
      %ge3A_562 = arith.constant 72 : i32
      %ge3A_563 = vector.broadcast %ge3A_562 : i32 to vector<16xi32>
      %ge3A_564 = arith.cmpi sge, %add3A_544, %ge3A_563 : vector<16xi32>
      %ge3A_565 = arith.constant 36 : i32
      %ge3A_566 = vector.broadcast %ge3A_565 : i32 to vector<16xi32>
      %ge3A_567 = arith.cmpi sge, %add3A_544, %ge3A_566 : vector<16xi32>
      %select_n3A_568 = arith.select %ge3A_567, %and3A_230, %and3A_213 : vector<16xi1>, vector<16xi32>
      %select_n3A_569 = arith.select %ge3A_564, %and3A_247, %select_n3A_568 : vector<16xi1>, vector<16xi32>
      %select_n3A_570 = arith.select %ge3A_561, %and3A_264, %select_n3A_569 : vector<16xi1>, vector<16xi32>
      %mul3A_571 = arith.constant 4 : i32
      %mul3A_572 = arith.muli %mul3A_571, %scan3A_198 : i32
      %mul3A_573 = arith.constant 256 : i32
      %mul3A_574 = arith.muli %mul3A_573, %mul3A_572 : i32
      %mul3A_575 = arith.constant 256 : i32
      %mul3A_576 = vector.broadcast %mul3A_575 : i32 to vector<16xi32>
      %mul3A_577 = arith.muli %mul3A_576, %add3A_558 : vector<16xi32>
      %add3A_578 = vector.broadcast %mul3A_574 : i32 to vector<16xi32>
      %add3A_579 = arith.addi %add3A_578, %mul3A_577 : vector<16xi32>
      %add3A_580 = arith.addi %add3A_579, %select_n3A_570 : vector<16xi32>
      %add3A_581 = arith.constant 73 : i32
      %add3A_582 = vector.broadcast %add3A_581 : i32 to vector<16xi32>
      %add3A_583 = arith.addi %add3A_580, %add3A_582 : vector<16xi32>
      %add3A_584 = arith.addi %add3A_583, %add3A_544 : vector<16xi32>
      %mul3A_585 = arith.constant 36 : i32
      %mul3A_586 = vector.broadcast %mul3A_585 : i32 to vector<16xi32>
      %mul3A_587 = arith.muli %mul3A_586, %add3A_558 : vector<16xi32>
      %sub3A_588 = arith.subi %add3A_584, %mul3A_587 : vector<16xi32>
      %shift_right_arithmetic3A_589 = arith.constant 7 : i32
      %shift_right_arithmetic3A_590 = vector.broadcast %shift_right_arithmetic3A_589 : i32 to vector<16xi32>
      %shift_right_arithmetic3A_591 = arith.shrsi %sub3A_588, %shift_right_arithmetic3A_590 : vector<16xi32>
      %and3A_592 = arith.constant 127 : i32
      %and3A_593 = vector.broadcast %and3A_592 : i32 to vector<16xi32>
      %and3A_594 = arith.andi %sub3A_588, %and3A_593 : vector<16xi32>
      %gather3A_595 = tpu.vector_load_idx %arg11[%shift_right_arithmetic3A_591, %and3A_594] : memref<512x128xf32, #tpu.memory_space<vmem>>[vector<16xi32>, vector<16xi32>], vector<16xf32>,
      %mul3A_596 = arith.constant 144 : i32
      %mul3A_597 = arith.muli %mul3A_596, %scan3A_198 : i32
      %add3A_598 = arith.constant 64 : i32
      %add3A_599 = arith.addi %mul3A_597, %add3A_598 : i32
      %get3A_600 = arith.index_cast %add3A_599 : i32 to index
      %get3A_601 = tpu.vector_load %arg15[%get3A_600] {strides = array<i32>} : memref<9216xi32, #tpu.memory_space<vmem>>, vector<16xi32>,
      %convert_element_type3A_602 = arith.sitofp %get3A_601 : vector<16xi32> to vector<16xf32>
      %mul3A_603 = arith.mulf %gather3A_595, %convert_element_type3A_602 : vector<16xf32>
      %sub3A_604 = arith.constant 1.000000e+00 : f32
      %sub3A_605 = vector.broadcast %sub3A_604 : f32 to vector<16xf32>
      %sub3A_606 = arith.subf %convert_element_type3A_602, %sub3A_605 : vector<16xf32>
      %mul3A_607 = arith.constant 1.000000e+03 : f32
      %mul3A_608 = vector.broadcast %mul3A_607 : f32 to vector<16xf32>
      %mul3A_609 = arith.mulf %mul3A_608, %sub3A_606 : vector<16xf32>
      %add3A_610 = arith.addf %mul3A_603, %mul3A_609 : vector<16xf32>
      %swap3A_611 = arith.index_cast %add3A_599 : i32 to index
      %swap3A_612 = tpu.vector_load %arg18[%swap3A_611] {strides = array<i32>} : memref<9216xf32, #tpu.memory_space<vmem>>, vector<16xf32>,
      tpu.vector_store %arg18[%swap3A_611], %add3A_610 {strides = array<i32>} : memref<9216xf32, #tpu.memory_space<vmem>>, vector<16xf32>,
      %add3A_613 = arith.constant 80 : i32
      %add3A_614 = vector.broadcast %add3A_613 : i32 to vector<16xi32>
      %add3A_615 = arith.addi %add3A_614, %iota3A : vector<16xi32>
      %ge3A_616 = arith.constant 36 : i32
      %ge3A_617 = vector.broadcast %ge3A_616 : i32 to vector<16xi32>
      %ge3A_618 = arith.cmpi sge, %add3A_615, %ge3A_617 : vector<16xi32>
      %convert_element_type3A_619 = arith.extui %ge3A_618 : vector<16xi1> to vector<16xi32>
      %ge3A_620 = arith.constant 72 : i32
      %ge3A_621 = vector.broadcast %ge3A_620 : i32 to vector<16xi32>
      %ge3A_622 = arith.cmpi sge, %add3A_615, %ge3A_621 : vector<16xi32>
      %convert_element_type3A_623 = arith.extui %ge3A_622 : vector<16xi1> to vector<16xi32>
      %add3A_624 = arith.addi %convert_element_type3A_619, %convert_element_type3A_623 : vector<16xi32>
      %ge3A_625 = arith.constant 108 : i32
      %ge3A_626 = vector.broadcast %ge3A_625 : i32 to vector<16xi32>
      %ge3A_627 = arith.cmpi sge, %add3A_615, %ge3A_626 : vector<16xi32>
      %convert_element_type3A_628 = arith.extui %ge3A_627 : vector<16xi1> to vector<16xi32>
      %add3A_629 = arith.addi %add3A_624, %convert_element_type3A_628 : vector<16xi32>
      %ge3A_630 = arith.constant 108 : i32
      %ge3A_631 = vector.broadcast %ge3A_630 : i32 to vector<16xi32>
      %ge3A_632 = arith.cmpi sge, %add3A_615, %ge3A_631 : vector<16xi32>
      %ge3A_633 = arith.constant 72 : i32
      %ge3A_634 = vector.broadcast %ge3A_633 : i32 to vector<16xi32>
      %ge3A_635 = arith.cmpi sge, %add3A_615, %ge3A_634 : vector<16xi32>
      %ge3A_636 = arith.constant 36 : i32
      %ge3A_637 = vector.broadcast %ge3A_636 : i32 to vector<16xi32>
      %ge3A_638 = arith.cmpi sge, %add3A_615, %ge3A_637 : vector<16xi32>
      %select_n3A_639 = arith.select %ge3A_638, %and3A_230, %and3A_213 : vector<16xi1>, vector<16xi32>
      %select_n3A_640 = arith.select %ge3A_635, %and3A_247, %select_n3A_639 : vector<16xi1>, vector<16xi32>
      %select_n3A_641 = arith.select %ge3A_632, %and3A_264, %select_n3A_640 : vector<16xi1>, vector<16xi32>
      %mul3A_642 = arith.constant 4 : i32
      %mul3A_643 = arith.muli %mul3A_642, %scan3A_198 : i32
      %mul3A_644 = arith.constant 256 : i32
      %mul3A_645 = arith.muli %mul3A_644, %mul3A_643 : i32
      %mul3A_646 = arith.constant 256 : i32
      %mul3A_647 = vector.broadcast %mul3A_646 : i32 to vector<16xi32>
      %mul3A_648 = arith.muli %mul3A_647, %add3A_629 : vector<16xi32>
      %add3A_649 = vector.broadcast %mul3A_645 : i32 to vector<16xi32>
      %add3A_650 = arith.addi %add3A_649, %mul3A_648 : vector<16xi32>
      %add3A_651 = arith.addi %add3A_650, %select_n3A_641 : vector<16xi32>
      %add3A_652 = arith.constant 73 : i32
      %add3A_653 = vector.broadcast %add3A_652 : i32 to vector<16xi32>
      %add3A_654 = arith.addi %add3A_651, %add3A_653 : vector<16xi32>
      %add3A_655 = arith.addi %add3A_654, %add3A_615 : vector<16xi32>
      %mul3A_656 = arith.constant 36 : i32
      %mul3A_657 = vector.broadcast %mul3A_656 : i32 to vector<16xi32>
      %mul3A_658 = arith.muli %mul3A_657, %add3A_629 : vector<16xi32>
      %sub3A_659 = arith.subi %add3A_655, %mul3A_658 : vector<16xi32>
      %shift_right_arithmetic3A_660 = arith.constant 7 : i32
      %shift_right_arithmetic3A_661 = vector.broadcast %shift_right_arithmetic3A_660 : i32 to vector<16xi32>
      %shift_right_arithmetic3A_662 = arith.shrsi %sub3A_659, %shift_right_arithmetic3A_661 : vector<16xi32>
      %and3A_663 = arith.constant 127 : i32
      %and3A_664 = vector.broadcast %and3A_663 : i32 to vector<16xi32>
      %and3A_665 = arith.andi %sub3A_659, %and3A_664 : vector<16xi32>
      %gather3A_666 = tpu.vector_load_idx %arg11[%shift_right_arithmetic3A_662, %and3A_665] : memref<512x128xf32, #tpu.memory_space<vmem>>[vector<16xi32>, vector<16xi32>], vector<16xf32>,
      %mul3A_667 = arith.constant 144 : i32
      %mul3A_668 = arith.muli %mul3A_667, %scan3A_198 : i32
      %add3A_669 = arith.constant 80 : i32
      %add3A_670 = arith.addi %mul3A_668, %add3A_669 : i32
      %get3A_671 = arith.index_cast %add3A_670 : i32 to index
      %get3A_672 = tpu.vector_load %arg15[%get3A_671] {strides = array<i32>} : memref<9216xi32, #tpu.memory_space<vmem>>, vector<16xi32>,
      %convert_element_type3A_673 = arith.sitofp %get3A_672 : vector<16xi32> to vector<16xf32>
      %mul3A_674 = arith.mulf %gather3A_666, %convert_element_type3A_673 : vector<16xf32>
      %sub3A_675 = arith.constant 1.000000e+00 : f32
      %sub3A_676 = vector.broadcast %sub3A_675 : f32 to vector<16xf32>
      %sub3A_677 = arith.subf %convert_element_type3A_673, %sub3A_676 : vector<16xf32>
      %mul3A_678 = arith.constant 1.000000e+03 : f32
      %mul3A_679 = vector.broadcast %mul3A_678 : f32 to vector<16xf32>
      %mul3A_680 = arith.mulf %mul3A_679, %sub3A_677 : vector<16xf32>
      %add3A_681 = arith.addf %mul3A_674, %mul3A_680 : vector<16xf32>
      %swap3A_682 = arith.index_cast %add3A_670 : i32 to index
      %swap3A_683 = tpu.vector_load %arg18[%swap3A_682] {strides = array<i32>} : memref<9216xf32, #tpu.memory_space<vmem>>, vector<16xf32>,
      tpu.vector_store %arg18[%swap3A_682], %add3A_681 {strides = array<i32>} : memref<9216xf32, #tpu.memory_space<vmem>>, vector<16xf32>,
      %add3A_684 = arith.constant 96 : i32
      %add3A_685 = vector.broadcast %add3A_684 : i32 to vector<16xi32>
      %add3A_686 = arith.addi %add3A_685, %iota3A : vector<16xi32>
      %ge3A_687 = arith.constant 36 : i32
      %ge3A_688 = vector.broadcast %ge3A_687 : i32 to vector<16xi32>
      %ge3A_689 = arith.cmpi sge, %add3A_686, %ge3A_688 : vector<16xi32>
      %convert_element_type3A_690 = arith.extui %ge3A_689 : vector<16xi1> to vector<16xi32>
      %ge3A_691 = arith.constant 72 : i32
      %ge3A_692 = vector.broadcast %ge3A_691 : i32 to vector<16xi32>
      %ge3A_693 = arith.cmpi sge, %add3A_686, %ge3A_692 : vector<16xi32>
      %convert_element_type3A_694 = arith.extui %ge3A_693 : vector<16xi1> to vector<16xi32>
      %add3A_695 = arith.addi %convert_element_type3A_690, %convert_element_type3A_694 : vector<16xi32>
      %ge3A_696 = arith.constant 108 : i32
      %ge3A_697 = vector.broadcast %ge3A_696 : i32 to vector<16xi32>
      %ge3A_698 = arith.cmpi sge, %add3A_686, %ge3A_697 : vector<16xi32>
      %convert_element_type3A_699 = arith.extui %ge3A_698 : vector<16xi1> to vector<16xi32>
      %add3A_700 = arith.addi %add3A_695, %convert_element_type3A_699 : vector<16xi32>
      %ge3A_701 = arith.constant 108 : i32
      %ge3A_702 = vector.broadcast %ge3A_701 : i32 to vector<16xi32>
      %ge3A_703 = arith.cmpi sge, %add3A_686, %ge3A_702 : vector<16xi32>
      %ge3A_704 = arith.constant 72 : i32
      %ge3A_705 = vector.broadcast %ge3A_704 : i32 to vector<16xi32>
      %ge3A_706 = arith.cmpi sge, %add3A_686, %ge3A_705 : vector<16xi32>
      %ge3A_707 = arith.constant 36 : i32
      %ge3A_708 = vector.broadcast %ge3A_707 : i32 to vector<16xi32>
      %ge3A_709 = arith.cmpi sge, %add3A_686, %ge3A_708 : vector<16xi32>
      %select_n3A_710 = arith.select %ge3A_709, %and3A_230, %and3A_213 : vector<16xi1>, vector<16xi32>
      %select_n3A_711 = arith.select %ge3A_706, %and3A_247, %select_n3A_710 : vector<16xi1>, vector<16xi32>
      %select_n3A_712 = arith.select %ge3A_703, %and3A_264, %select_n3A_711 : vector<16xi1>, vector<16xi32>
      %mul3A_713 = arith.constant 4 : i32
      %mul3A_714 = arith.muli %mul3A_713, %scan3A_198 : i32
      %mul3A_715 = arith.constant 256 : i32
      %mul3A_716 = arith.muli %mul3A_715, %mul3A_714 : i32
      %mul3A_717 = arith.constant 256 : i32
      %mul3A_718 = vector.broadcast %mul3A_717 : i32 to vector<16xi32>
      %mul3A_719 = arith.muli %mul3A_718, %add3A_700 : vector<16xi32>
      %add3A_720 = vector.broadcast %mul3A_716 : i32 to vector<16xi32>
      %add3A_721 = arith.addi %add3A_720, %mul3A_719 : vector<16xi32>
      %add3A_722 = arith.addi %add3A_721, %select_n3A_712 : vector<16xi32>
      %add3A_723 = arith.constant 73 : i32
      %add3A_724 = vector.broadcast %add3A_723 : i32 to vector<16xi32>
      %add3A_725 = arith.addi %add3A_722, %add3A_724 : vector<16xi32>
      %add3A_726 = arith.addi %add3A_725, %add3A_686 : vector<16xi32>
      %mul3A_727 = arith.constant 36 : i32
      %mul3A_728 = vector.broadcast %mul3A_727 : i32 to vector<16xi32>
      %mul3A_729 = arith.muli %mul3A_728, %add3A_700 : vector<16xi32>
      %sub3A_730 = arith.subi %add3A_726, %mul3A_729 : vector<16xi32>
      %shift_right_arithmetic3A_731 = arith.constant 7 : i32
      %shift_right_arithmetic3A_732 = vector.broadcast %shift_right_arithmetic3A_731 : i32 to vector<16xi32>
      %shift_right_arithmetic3A_733 = arith.shrsi %sub3A_730, %shift_right_arithmetic3A_732 : vector<16xi32>
      %and3A_734 = arith.constant 127 : i32
      %and3A_735 = vector.broadcast %and3A_734 : i32 to vector<16xi32>
      %and3A_736 = arith.andi %sub3A_730, %and3A_735 : vector<16xi32>
      %gather3A_737 = tpu.vector_load_idx %arg11[%shift_right_arithmetic3A_733, %and3A_736] : memref<512x128xf32, #tpu.memory_space<vmem>>[vector<16xi32>, vector<16xi32>], vector<16xf32>,
      %mul3A_738 = arith.constant 144 : i32
      %mul3A_739 = arith.muli %mul3A_738, %scan3A_198 : i32
      %add3A_740 = arith.constant 96 : i32
      %add3A_741 = arith.addi %mul3A_739, %add3A_740 : i32
      %get3A_742 = arith.index_cast %add3A_741 : i32 to index
      %get3A_743 = tpu.vector_load %arg15[%get3A_742] {strides = array<i32>} : memref<9216xi32, #tpu.memory_space<vmem>>, vector<16xi32>,
      %convert_element_type3A_744 = arith.sitofp %get3A_743 : vector<16xi32> to vector<16xf32>
      %mul3A_745 = arith.mulf %gather3A_737, %convert_element_type3A_744 : vector<16xf32>
      %sub3A_746 = arith.constant 1.000000e+00 : f32
      %sub3A_747 = vector.broadcast %sub3A_746 : f32 to vector<16xf32>
      %sub3A_748 = arith.subf %convert_element_type3A_744, %sub3A_747 : vector<16xf32>
      %mul3A_749 = arith.constant 1.000000e+03 : f32
      %mul3A_750 = vector.broadcast %mul3A_749 : f32 to vector<16xf32>
      %mul3A_751 = arith.mulf %mul3A_750, %sub3A_748 : vector<16xf32>
      %add3A_752 = arith.addf %mul3A_745, %mul3A_751 : vector<16xf32>
      %swap3A_753 = arith.index_cast %add3A_741 : i32 to index
      %swap3A_754 = tpu.vector_load %arg18[%swap3A_753] {strides = array<i32>} : memref<9216xf32, #tpu.memory_space<vmem>>, vector<16xf32>,
      tpu.vector_store %arg18[%swap3A_753], %add3A_752 {strides = array<i32>} : memref<9216xf32, #tpu.memory_space<vmem>>, vector<16xf32>,
      %add3A_755 = arith.constant 112 : i32
      %add3A_756 = vector.broadcast %add3A_755 : i32 to vector<16xi32>
      %add3A_757 = arith.addi %add3A_756, %iota3A : vector<16xi32>
      %ge3A_758 = arith.constant 36 : i32
      %ge3A_759 = vector.broadcast %ge3A_758 : i32 to vector<16xi32>
      %ge3A_760 = arith.cmpi sge, %add3A_757, %ge3A_759 : vector<16xi32>
      %convert_element_type3A_761 = arith.extui %ge3A_760 : vector<16xi1> to vector<16xi32>
      %ge3A_762 = arith.constant 72 : i32
      %ge3A_763 = vector.broadcast %ge3A_762 : i32 to vector<16xi32>
      %ge3A_764 = arith.cmpi sge, %add3A_757, %ge3A_763 : vector<16xi32>
      %convert_element_type3A_765 = arith.extui %ge3A_764 : vector<16xi1> to vector<16xi32>
      %add3A_766 = arith.addi %convert_element_type3A_761, %convert_element_type3A_765 : vector<16xi32>
      %ge3A_767 = arith.constant 108 : i32
      %ge3A_768 = vector.broadcast %ge3A_767 : i32 to vector<16xi32>
      %ge3A_769 = arith.cmpi sge, %add3A_757, %ge3A_768 : vector<16xi32>
      %convert_element_type3A_770 = arith.extui %ge3A_769 : vector<16xi1> to vector<16xi32>
      %add3A_771 = arith.addi %add3A_766, %convert_element_type3A_770 : vector<16xi32>
      %ge3A_772 = arith.constant 108 : i32
      %ge3A_773 = vector.broadcast %ge3A_772 : i32 to vector<16xi32>
      %ge3A_774 = arith.cmpi sge, %add3A_757, %ge3A_773 : vector<16xi32>
      %ge3A_775 = arith.constant 72 : i32
      %ge3A_776 = vector.broadcast %ge3A_775 : i32 to vector<16xi32>
      %ge3A_777 = arith.cmpi sge, %add3A_757, %ge3A_776 : vector<16xi32>
      %ge3A_778 = arith.constant 36 : i32
      %ge3A_779 = vector.broadcast %ge3A_778 : i32 to vector<16xi32>
      %ge3A_780 = arith.cmpi sge, %add3A_757, %ge3A_779 : vector<16xi32>
      %select_n3A_781 = arith.select %ge3A_780, %and3A_230, %and3A_213 : vector<16xi1>, vector<16xi32>
      %select_n3A_782 = arith.select %ge3A_777, %and3A_247, %select_n3A_781 : vector<16xi1>, vector<16xi32>
      %select_n3A_783 = arith.select %ge3A_774, %and3A_264, %select_n3A_782 : vector<16xi1>, vector<16xi32>
      %mul3A_784 = arith.constant 4 : i32
      %mul3A_785 = arith.muli %mul3A_784, %scan3A_198 : i32
      %mul3A_786 = arith.constant 256 : i32
      %mul3A_787 = arith.muli %mul3A_786, %mul3A_785 : i32
      %mul3A_788 = arith.constant 256 : i32
      %mul3A_789 = vector.broadcast %mul3A_788 : i32 to vector<16xi32>
      %mul3A_790 = arith.muli %mul3A_789, %add3A_771 : vector<16xi32>
      %add3A_791 = vector.broadcast %mul3A_787 : i32 to vector<16xi32>
      %add3A_792 = arith.addi %add3A_791, %mul3A_790 : vector<16xi32>
      %add3A_793 = arith.addi %add3A_792, %select_n3A_783 : vector<16xi32>
      %add3A_794 = arith.constant 73 : i32
      %add3A_795 = vector.broadcast %add3A_794 : i32 to vector<16xi32>
      %add3A_796 = arith.addi %add3A_793, %add3A_795 : vector<16xi32>
      %add3A_797 = arith.addi %add3A_796, %add3A_757 : vector<16xi32>
      %mul3A_798 = arith.constant 36 : i32
      %mul3A_799 = vector.broadcast %mul3A_798 : i32 to vector<16xi32>
      %mul3A_800 = arith.muli %mul3A_799, %add3A_771 : vector<16xi32>
      %sub3A_801 = arith.subi %add3A_797, %mul3A_800 : vector<16xi32>
      %shift_right_arithmetic3A_802 = arith.constant 7 : i32
      %shift_right_arithmetic3A_803 = vector.broadcast %shift_right_arithmetic3A_802 : i32 to vector<16xi32>
      %shift_right_arithmetic3A_804 = arith.shrsi %sub3A_801, %shift_right_arithmetic3A_803 : vector<16xi32>
      %and3A_805 = arith.constant 127 : i32
      %and3A_806 = vector.broadcast %and3A_805 : i32 to vector<16xi32>
      %and3A_807 = arith.andi %sub3A_801, %and3A_806 : vector<16xi32>
      %gather3A_808 = tpu.vector_load_idx %arg11[%shift_right_arithmetic3A_804, %and3A_807] : memref<512x128xf32, #tpu.memory_space<vmem>>[vector<16xi32>, vector<16xi32>], vector<16xf32>,
      %mul3A_809 = arith.constant 144 : i32
      %mul3A_810 = arith.muli %mul3A_809, %scan3A_198 : i32
      %add3A_811 = arith.constant 112 : i32
      %add3A_812 = arith.addi %mul3A_810, %add3A_811 : i32
      %get3A_813 = arith.index_cast %add3A_812 : i32 to index
      %get3A_814 = tpu.vector_load %arg15[%get3A_813] {strides = array<i32>} : memref<9216xi32, #tpu.memory_space<vmem>>, vector<16xi32>,
      %convert_element_type3A_815 = arith.sitofp %get3A_814 : vector<16xi32> to vector<16xf32>
      %mul3A_816 = arith.mulf %gather3A_808, %convert_element_type3A_815 : vector<16xf32>
      %sub3A_817 = arith.constant 1.000000e+00 : f32
      %sub3A_818 = vector.broadcast %sub3A_817 : f32 to vector<16xf32>
      %sub3A_819 = arith.subf %convert_element_type3A_815, %sub3A_818 : vector<16xf32>
      %mul3A_820 = arith.constant 1.000000e+03 : f32
      %mul3A_821 = vector.broadcast %mul3A_820 : f32 to vector<16xf32>
      %mul3A_822 = arith.mulf %mul3A_821, %sub3A_819 : vector<16xf32>
      %add3A_823 = arith.addf %mul3A_816, %mul3A_822 : vector<16xf32>
      %swap3A_824 = arith.index_cast %add3A_812 : i32 to index
      %swap3A_825 = tpu.vector_load %arg18[%swap3A_824] {strides = array<i32>} : memref<9216xf32, #tpu.memory_space<vmem>>, vector<16xf32>,
      tpu.vector_store %arg18[%swap3A_824], %add3A_823 {strides = array<i32>} : memref<9216xf32, #tpu.memory_space<vmem>>, vector<16xf32>,
      %add3A_826 = arith.constant 128 : i32
      %add3A_827 = vector.broadcast %add3A_826 : i32 to vector<16xi32>
      %add3A_828 = arith.addi %add3A_827, %iota3A : vector<16xi32>
      %ge3A_829 = arith.constant 36 : i32
      %ge3A_830 = vector.broadcast %ge3A_829 : i32 to vector<16xi32>
      %ge3A_831 = arith.cmpi sge, %add3A_828, %ge3A_830 : vector<16xi32>
      %convert_element_type3A_832 = arith.extui %ge3A_831 : vector<16xi1> to vector<16xi32>
      %ge3A_833 = arith.constant 72 : i32
      %ge3A_834 = vector.broadcast %ge3A_833 : i32 to vector<16xi32>
      %ge3A_835 = arith.cmpi sge, %add3A_828, %ge3A_834 : vector<16xi32>
      %convert_element_type3A_836 = arith.extui %ge3A_835 : vector<16xi1> to vector<16xi32>
      %add3A_837 = arith.addi %convert_element_type3A_832, %convert_element_type3A_836 : vector<16xi32>
      %ge3A_838 = arith.constant 108 : i32
      %ge3A_839 = vector.broadcast %ge3A_838 : i32 to vector<16xi32>
      %ge3A_840 = arith.cmpi sge, %add3A_828, %ge3A_839 : vector<16xi32>
      %convert_element_type3A_841 = arith.extui %ge3A_840 : vector<16xi1> to vector<16xi32>
      %add3A_842 = arith.addi %add3A_837, %convert_element_type3A_841 : vector<16xi32>
      %ge3A_843 = arith.constant 108 : i32
      %ge3A_844 = vector.broadcast %ge3A_843 : i32 to vector<16xi32>
      %ge3A_845 = arith.cmpi sge, %add3A_828, %ge3A_844 : vector<16xi32>
      %ge3A_846 = arith.constant 72 : i32
      %ge3A_847 = vector.broadcast %ge3A_846 : i32 to vector<16xi32>
      %ge3A_848 = arith.cmpi sge, %add3A_828, %ge3A_847 : vector<16xi32>
      %ge3A_849 = arith.constant 36 : i32
      %ge3A_850 = vector.broadcast %ge3A_849 : i32 to vector<16xi32>
      %ge3A_851 = arith.cmpi sge, %add3A_828, %ge3A_850 : vector<16xi32>
      %select_n3A_852 = arith.select %ge3A_851, %and3A_230, %and3A_213 : vector<16xi1>, vector<16xi32>
      %select_n3A_853 = arith.select %ge3A_848, %and3A_247, %select_n3A_852 : vector<16xi1>, vector<16xi32>
      %select_n3A_854 = arith.select %ge3A_845, %and3A_264, %select_n3A_853 : vector<16xi1>, vector<16xi32>
      %mul3A_855 = arith.constant 4 : i32
      %mul3A_856 = arith.muli %mul3A_855, %scan3A_198 : i32
      %mul3A_857 = arith.constant 256 : i32
      %mul3A_858 = arith.muli %mul3A_857, %mul3A_856 : i32
      %mul3A_859 = arith.constant 256 : i32
      %mul3A_860 = vector.broadcast %mul3A_859 : i32 to vector<16xi32>
      %mul3A_861 = arith.muli %mul3A_860, %add3A_842 : vector<16xi32>
      %add3A_862 = vector.broadcast %mul3A_858 : i32 to vector<16xi32>
      %add3A_863 = arith.addi %add3A_862, %mul3A_861 : vector<16xi32>
      %add3A_864 = arith.addi %add3A_863, %select_n3A_854 : vector<16xi32>
      %add3A_865 = arith.constant 73 : i32
      %add3A_866 = vector.broadcast %add3A_865 : i32 to vector<16xi32>
      %add3A_867 = arith.addi %add3A_864, %add3A_866 : vector<16xi32>
      %add3A_868 = arith.addi %add3A_867, %add3A_828 : vector<16xi32>
      %mul3A_869 = arith.constant 36 : i32
      %mul3A_870 = vector.broadcast %mul3A_869 : i32 to vector<16xi32>
      %mul3A_871 = arith.muli %mul3A_870, %add3A_842 : vector<16xi32>
      %sub3A_872 = arith.subi %add3A_868, %mul3A_871 : vector<16xi32>
      %shift_right_arithmetic3A_873 = arith.constant 7 : i32
      %shift_right_arithmetic3A_874 = vector.broadcast %shift_right_arithmetic3A_873 : i32 to vector<16xi32>
      %shift_right_arithmetic3A_875 = arith.shrsi %sub3A_872, %shift_right_arithmetic3A_874 : vector<16xi32>
      %and3A_876 = arith.constant 127 : i32
      %and3A_877 = vector.broadcast %and3A_876 : i32 to vector<16xi32>
      %and3A_878 = arith.andi %sub3A_872, %and3A_877 : vector<16xi32>
      %gather3A_879 = tpu.vector_load_idx %arg11[%shift_right_arithmetic3A_875, %and3A_878] : memref<512x128xf32, #tpu.memory_space<vmem>>[vector<16xi32>, vector<16xi32>], vector<16xf32>,
      %mul3A_880 = arith.constant 144 : i32
      %mul3A_881 = arith.muli %mul3A_880, %scan3A_198 : i32
      %add3A_882 = arith.constant 128 : i32
      %add3A_883 = arith.addi %mul3A_881, %add3A_882 : i32
      %get3A_884 = arith.index_cast %add3A_883 : i32 to index
      %get3A_885 = tpu.vector_load %arg15[%get3A_884] {strides = array<i32>} : memref<9216xi32, #tpu.memory_space<vmem>>, vector<16xi32>,
      %convert_element_type3A_886 = arith.sitofp %get3A_885 : vector<16xi32> to vector<16xf32>
      %mul3A_887 = arith.mulf %gather3A_879, %convert_element_type3A_886 : vector<16xf32>
      %sub3A_888 = arith.constant 1.000000e+00 : f32
      %sub3A_889 = vector.broadcast %sub3A_888 : f32 to vector<16xf32>
      %sub3A_890 = arith.subf %convert_element_type3A_886, %sub3A_889 : vector<16xf32>
      %mul3A_891 = arith.constant 1.000000e+03 : f32
      %mul3A_892 = vector.broadcast %mul3A_891 : f32 to vector<16xf32>
      %mul3A_893 = arith.mulf %mul3A_892, %sub3A_890 : vector<16xf32>
      %add3A_894 = arith.addf %mul3A_887, %mul3A_893 : vector<16xf32>
      %swap3A_895 = arith.index_cast %add3A_883 : i32 to index
      %swap3A_896 = tpu.vector_load %arg18[%swap3A_895] {strides = array<i32>} : memref<9216xf32, #tpu.memory_space<vmem>>, vector<16xf32>,
      tpu.vector_store %arg18[%swap3A_895], %add3A_894 {strides = array<i32>} : memref<9216xf32, #tpu.memory_space<vmem>>, vector<16xf32>,
    }
    %scan3A_193 = arith.constant 64 : i32
    "tpu.region"() ({
      %run_scoped3A = tpu.sem_alloc : memref<!tpu.dma_semaphore, #tpu.memory_space<semaphore_mem>>
      %dma_start3A_198 = tpu.memref_slice %arg7[%add3A_101] : memref<16384xf32, #tpu.memory_space<hbm>> -> memref<256xf32, #tpu.memory_space<hbm>>
      %dma_start3A_199 = tpu.memref_slice %arg7[%add3A_101] : memref<16384xf32, #tpu.memory_space<hbm>> -> memref<256xf32, #tpu.memory_space<hbm>>
      tpu.enqueue_dma source(%arg19 : memref<256xf32, #tpu.memory_space<vmem>>) target(%dma_start3A_199 : memref<256xf32, #tpu.memory_space<hbm>>) target_semaphore(%run_scoped3A : memref<!tpu.dma_semaphore, #tpu.memory_space<semaphore_mem>>)
      %dma_wait3A_200 = tpu.memref_slice %arg7[%add3A_101] : memref<16384xf32, #tpu.memory_space<hbm>> -> memref<256xf32, #tpu.memory_space<hbm>>
      %dma_wait3A_201 = tpu.memref_slice %arg7[%add3A_101] : memref<16384xf32, #tpu.memory_space<hbm>> -> memref<256xf32, #tpu.memory_space<hbm>>
      tpu.wait_dma2 semaphore(%run_scoped3A : memref<!tpu.dma_semaphore, #tpu.memory_space<semaphore_mem>>) src(%arg19 : memref<256xf32, #tpu.memory_space<vmem>>) dst(%dma_wait3A_201 : memref<256xf32, #tpu.memory_space<hbm>>)
      tpu.yield
    }) : () -> ()
    %mul3A_194 = arith.constant 72 : i32
    %mul3A_195 = arith.muli %add3A_101, %mul3A_194 : i32
    "tpu.region"() ({
      %run_scoped3A = tpu.sem_alloc : memref<!tpu.dma_semaphore, #tpu.memory_space<semaphore_mem>>
      %dma_start3A_198 = tpu.memref_slice %arg8[%mul3A_195] : memref<1179648xf32, #tpu.memory_space<hbm>> -> memref<18432xf32, #tpu.memory_space<hbm>>
      %dma_start3A_199 = tpu.memref_slice %arg8[%mul3A_195] : memref<1179648xf32, #tpu.memory_space<hbm>> -> memref<18432xf32, #tpu.memory_space<hbm>>
      tpu.enqueue_dma source(%arg17 : memref<18432xf32, #tpu.memory_space<vmem>>) target(%dma_start3A_199 : memref<18432xf32, #tpu.memory_space<hbm>>) target_semaphore(%run_scoped3A : memref<!tpu.dma_semaphore, #tpu.memory_space<semaphore_mem>>)
      %dma_wait3A_200 = tpu.memref_slice %arg8[%mul3A_195] : memref<1179648xf32, #tpu.memory_space<hbm>> -> memref<18432xf32, #tpu.memory_space<hbm>>
      %dma_wait3A_201 = tpu.memref_slice %arg8[%mul3A_195] : memref<1179648xf32, #tpu.memory_space<hbm>> -> memref<18432xf32, #tpu.memory_space<hbm>>
      tpu.wait_dma2 semaphore(%run_scoped3A : memref<!tpu.dma_semaphore, #tpu.memory_space<semaphore_mem>>) src(%arg17 : memref<18432xf32, #tpu.memory_space<vmem>>) dst(%dma_wait3A_201 : memref<18432xf32, #tpu.memory_space<hbm>>)
      tpu.yield
    }) : () -> ()
    %mul3A_196 = arith.constant 36 : i32
    %mul3A_197 = arith.muli %add3A_101, %mul3A_196 : i32
    "tpu.region"() ({
      %run_scoped3A = tpu.sem_alloc : memref<!tpu.dma_semaphore, #tpu.memory_space<semaphore_mem>>
      %dma_start3A_198 = tpu.memref_slice %arg9[%mul3A_197] : memref<589824xf32, #tpu.memory_space<hbm>> -> memref<9216xf32, #tpu.memory_space<hbm>>
      %dma_start3A_199 = tpu.memref_slice %arg9[%mul3A_197] : memref<589824xf32, #tpu.memory_space<hbm>> -> memref<9216xf32, #tpu.memory_space<hbm>>
      tpu.enqueue_dma source(%arg18 : memref<9216xf32, #tpu.memory_space<vmem>>) target(%dma_start3A_199 : memref<9216xf32, #tpu.memory_space<hbm>>) target_semaphore(%run_scoped3A : memref<!tpu.dma_semaphore, #tpu.memory_space<semaphore_mem>>)
      %dma_wait3A_200 = tpu.memref_slice %arg9[%mul3A_197] : memref<589824xf32, #tpu.memory_space<hbm>> -> memref<9216xf32, #tpu.memory_space<hbm>>
      %dma_wait3A_201 = tpu.memref_slice %arg9[%mul3A_197] : memref<589824xf32, #tpu.memory_space<hbm>> -> memref<9216xf32, #tpu.memory_space<hbm>>
      tpu.wait_dma2 semaphore(%run_scoped3A : memref<!tpu.dma_semaphore, #tpu.memory_space<semaphore_mem>>) src(%arg18 : memref<9216xf32, #tpu.memory_space<vmem>>) dst(%dma_wait3A_201 : memref<9216xf32, #tpu.memory_space<hbm>>)
      tpu.yield
    }) : () -> ()
    "tpu.region"() ({
      %run_scoped3A = tpu.sem_alloc : memref<!tpu.dma_semaphore, #tpu.memory_space<semaphore_mem>>
      %dma_start3A_198 = tpu.memref_slice %arg10[%add3A_101] : memref<16384xf32, #tpu.memory_space<hbm>> -> memref<256xf32, #tpu.memory_space<hbm>>
      %dma_start3A_199 = tpu.memref_slice %arg10[%add3A_101] : memref<16384xf32, #tpu.memory_space<hbm>> -> memref<256xf32, #tpu.memory_space<hbm>>
      tpu.enqueue_dma source(%arg20 : memref<256xf32, #tpu.memory_space<vmem>>) target(%dma_start3A_199 : memref<256xf32, #tpu.memory_space<hbm>>) target_semaphore(%run_scoped3A : memref<!tpu.dma_semaphore, #tpu.memory_space<semaphore_mem>>)
      %dma_wait3A_200 = tpu.memref_slice %arg10[%add3A_101] : memref<16384xf32, #tpu.memory_space<hbm>> -> memref<256xf32, #tpu.memory_space<hbm>>
      %dma_wait3A_201 = tpu.memref_slice %arg10[%add3A_101] : memref<16384xf32, #tpu.memory_space<hbm>> -> memref<256xf32, #tpu.memory_space<hbm>>
      tpu.wait_dma2 semaphore(%run_scoped3A : memref<!tpu.dma_semaphore, #tpu.memory_space<semaphore_mem>>) src(%arg20 : memref<256xf32, #tpu.memory_space<vmem>>) dst(%dma_wait3A_201 : memref<256xf32, #tpu.memory_space<hbm>>)
      tpu.yield
    }) : () -> ()
    return
  }
}

</mosaic_0001>

<sc_bundles>
// kernel: kernel.3.cloned.1.call-start
scs
__scs_entry_jumppad:
0x0: {  	(pc) =	sbr.rel $0x88, $3  }
0x1: {  	(tag) =	ssettag $0x0;
	lr =	simm.s32 $0x1  }
0x2: {  	[smem:$0x3F9C] =	sst lr;
	_ =	strace $0xD0000000  }
0x3: {  	_ = 	snop  }
0x4: {  	_ = 	snop  }
0x5: {  	_ = 	snop  }
0x6: {  	_ = 	snop  }
0x7: {  	_ = 	snop  }
__scs_overlays_trampoline_lowered:
0x8: {  	[smem:$0x3FAB] =	sst s0  }
0x9: {  	[smem:$0x3FAC] =	sst s1  }
0xa: {  	[smem:$0x3FAD] =	sst s2  }
0xb: {  	[smem:$0x3FAE] =	sst s3  }
0xc: {  	[smem:$0x3FAF] =	sst s4  }
0xd: {  	[smem:$0x3FB0] =	sst s5  }
0xe: {  	[smem:$0x3FB1] =	sst s6  }
0xf: {  	[smem:$0x3FB2] =	sst s7  }
0x10: {  	[smem:$0x3FB3] =	sst s8  }
0x11: {  	[smem:$0x3FB4] =	sst s9;
	s0 =	simm.s32 @!p0 $0x0  }
0x12: {  	s1 =	sld [smem:$0x3F9A];
	s0 =	simm.s32 @p0 $0x1  }
0x13: {  	[smem:$0x3FB5] =	sst s0;
	s0 =	simm.s32 @!p1 $0x0  }
0x14: {  	s2 =	sld [smem:$0x3F99];
	s0 =	simm.s32 @p1 $0x1  }
0x15: {  	[smem:$0x3FB6] =	sst s0;
	s0 =	simm.s32 @!p2 $0x0  }
0x16: {  	s3 =	sld [smem:$0x3FDB];
	s0 =	simm.s32 @p2 $0x1  }
0x17: {  	s4 =	simm.s32 $0x1BF5;
	[smem:$0x3FB8] =	sst s0  }
0x18: {  	s0 =	sld [smem:$0x3F9B];
	_ =	swait.ge [sflag:s4], $0x0  }
0x19: {  	s7 =	sld [smem:$0x3F9C]  }
0x1a: {  	s8 =	sadd.s32 $0xFFFFE003, lr  }
0x1b: {  	s9 =	sadd.s32 $0xFFFFFEF7, lr;
	s5 =	simm.s32 $0xFFFFFFFF;
	p2 =	slt.u32 s8, $0xFFFFF086  }
0x1c: {  	p1 =	slt.u32 s9, $0xF7A;
	s5 =	simm.s32 @!p2 $0x0  }
0x1d: {  	s5 =	simm.s32 @p1 $0x1;
	p0 =	seq.s32 s7, s2  }
0x1e: {  	s7 =	smul.u32 @!p0 $0xF7A, s2;
	p2 =	seq.s32 @!p0 s5, $0x0  }
0x1f: {  	s9 =	smul.u32 $0xF7A, s1;
	s8 =	simm.s32 @!p0 $0x1BF5;
	p2 =	por !p2, p0  }
0x20: {  	[sflag:s8] =	ssyncset.s32 @!p0 $0xFFFFF086;
	s6 =	sadd.s32 @!p0 s3, s7;
	s7 =	simm.s32 @!p0 $0x108  }
0x21: {  	s3 =	sadd.s32 s3, s9;
	s6 =	sadd.s32 @!p0 $0x88, s6;
	s7 =	simm.s32 @p2 $0x1082  }
0x22: {  	[simem:s7], [sflag:s8] =	dma.local @!p0 [hbm:s6], $0xF7A  }
0x23: {  	s9 =	sor.u32 $0xD0000000, s2;
	s6 =	simm.s32 $0x108;
	_ =	swait.ge @!p0 [sflag:s8], $0x0  }
0x24: {  	s3 =	sadd.s32 $0x88, s3;
	s6 =	simm.s32 @!p1 $0x1082;
	[sflag:s4] =	ssyncset.s32 $0xFFFFF086  }
0x25: {  	[simem:s6], [sflag:s4] =	dma.local [hbm:s3], $0xF7A  }
0x26: {  	[smem:$0x3F9C] =	sst s1;
	(tag) =	ssettag s2;
	_ =	strace s9  }
0x27: {  	s1 =	sld [smem:$0x3FAC]  }
0x28: {  	s2 =	sld [smem:$0x3FAD]  }
0x29: {  	s4 =	sld [smem:$0x3FAF]  }
0x2a: {  	p0 =	seq.s32 s5, $0x0;
	s5 =	sld [smem:$0x3FB0]  }
0x2b: {  	s6 =	sld [smem:$0x3FB1]  }
0x2c: {  	s7 =	sld [smem:$0x3FB2]  }
0x2d: {  	s3 =	simm.s32 $0x108;
	s8 =	sld [smem:$0x3FB3]  }
0x2e: {  	s3 =	simm.s32 @!p0 $0x1082;
	s9 =	sld [smem:$0x3FB4]  }
0x2f: {  	lr =	sadd.s32 s0, s3;
	s0 =	sld [smem:$0x3FAB]  }
0x30: {  	s3 =	sld [smem:$0x3FAE]  }
0x31: {  	[smem:$0x3FB7] =	sst s10  }
0x32: {  	s10 =	sld [smem:$0x3FB5];
	_ =	sdelay $0x3  }
0x33: {  	p0 =	seq.s32 s10, $0x1;
	s10 =	sld [smem:$0x3FB7];
	_ =	sdelay $0x3  }
0x34: {  	[smem:$0x3FB7] =	sst s10  }
0x35: {  	s10 =	sld [smem:$0x3FB6];
	_ =	sdelay $0x3  }
0x36: {  	p1 =	seq.s32 s10, $0x1;
	s10 =	sld [smem:$0x3FB7];
	_ =	sdelay $0x3  }
0x37: {  	[smem:$0x3FB7] =	sst s10  }
0x38: {  	s10 =	sld [smem:$0x3FB8]  }
0x39: {  	_ = 	snop;
	(pc) =	sbr.ind lr, $3  }
0x3a: {  	_ = 	snop  }
0x3b: {  	_ = 	snop  }
0x3c: {  	p2 =	seq.s32 s10, $0x1;
	s10 =	sld [smem:$0x3FB7]  }
0x3d: {  	_ =	shalt  }
0x3e: {  	_ =	shalt  }
0x3f: {  	_ =	shalt  }
0x40: {  	_ =	shalt  }
0x41: {  	_ =	shalt  }
0x42: {  	_ =	shalt  }
0x43: {  	_ =	shalt  }
0x44: {  	_ =	shalt  }
0x45: {  	_ =	shalt  }
0x46: {  	_ =	shalt  }
0x47: {  	_ =	shalt  }
0x48: {  	_ =	shalt  }
0x49: {  	_ =	shalt  }
0x4a: {  	_ =	shalt  }
0x4b: {  	_ =	shalt  }
0x4c: {  	_ =	shalt  }
0x4d: {  	_ =	shalt  }
0x4e: {  	_ =	shalt  }
0x4f: {  	_ =	shalt  }
0x50: {  	_ =	shalt  }
0x51: {  	_ =	shalt  }
0x52: {  	_ =	shalt  }
0x53: {  	_ =	shalt  }
0x54: {  	_ =	shalt  }
0x55: {  	_ =	shalt  }
0x56: {  	_ =	shalt  }
0x57: {  	_ =	shalt  }
0x58: {  	_ =	shalt  }
0x59: {  	_ =	shalt  }
0x5a: {  	_ =	shalt  }
0x5b: {  	_ =	shalt  }
0x5c: {  	_ =	shalt  }
0x5d: {  	_ =	shalt  }
0x5e: {  	_ =	shalt  }
0x5f: {  	_ =	shalt  }
0x60: {  	_ =	shalt  }
0x61: {  	_ =	shalt  }
0x62: {  	_ =	shalt  }
0x63: {  	_ =	shalt  }
0x64: {  	_ =	shalt  }
0x65: {  	_ =	shalt  }
0x66: {  	_ =	shalt  }
0x67: {  	_ =	shalt  }
0x68: {  	_ =	shalt  }
0x69: {  	_ =	shalt  }
0x6a: {  	_ =	shalt  }
0x6b: {  	_ =	shalt  }
0x6c: {  	_ =	shalt  }
0x6d: {  	_ =	shalt  }
0x6e: {  	_ =	shalt  }
0x6f: {  	_ =	shalt  }
0x70: {  	_ =	shalt  }
0x71: {  	_ =	shalt  }
0x72: {  	_ =	shalt  }
0x73: {  	_ =	shalt  }
0x74: {  	_ =	shalt  }
0x75: {  	_ =	shalt  }
0x76: {  	_ =	shalt  }
0x77: {  	_ =	shalt  }
0x78: {  	_ =	shalt  }
0x79: {  	_ =	shalt  }
0x7a: {  	_ =	shalt  }
0x7b: {  	_ =	shalt  }
0x7c: {  	_ =	shalt  }
0x7d: {  	_ =	shalt  }
0x7e: {  	_ =	shalt  }
0x7f: {  	_ =	shalt  }
0x80: {  	_ =	shalt  }
0x81: {  	_ =	shalt  }
0x82: {  	_ =	shalt  }
0x83: {  	_ =	shalt  }
0x84: {  	_ =	shalt  }
0x85: {  	_ =	shalt  }
0x86: {  	_ =	shalt  }
0x87: {  	_ =	shalt  }
.Lfunc_end0:
.L_simem_size_0:
called_computation_lowered:
.L_overlay_start_0:
0x88: {  	s2 =	sld [smem:$0x3FD9]  }
0x89: {  	s3 =	sld [smem:$0x3FFE];
	_ =	sdelay $0x1  }
0x8a: {  	s1 =	srdreg.scid  }
0x8b: {  	s0 =	sand.u32 $0x1, s1  }
0x8c: {  	s14 =	sshll.u32 s0, $0xA;
	s2 =	sadd.s32 s3, s2  }
0x8d: {  	s2 =	sadd.s32 s2, s14  }
0x8e: {  	[smem:$0x3FC3] =	sst s2  }
0x8f: {  	_ = 	snop  }
0x90: {  	s2 =	sld [smem:$0x3FC9]  }
0x91: {  	s15 =	sld [smem:$0x3FD0]  }
0x92: {  	s4 =	sld [smem:$0x3FC8]  }
0x93: {  	s5 =	sld [smem:$0x3FC6]  }
0x94: {  	s7 =	simm.s32 $0xA;
	s8 =	simm.s32 $0x10;
	s6 =	sld [smem:$0x3FC5]  }
0x95: {  	[smem:s8], [sflag:s7] =	dma.local [hbm:s15], $0x1  }
0x96: {  	_ =	swait.eq [sflag:s7], $0x1  }
0x97: {  	s16 =	sld [smem:$0x10]  }
0x98: {  	s17 =	sld [smem:$0x11];
	[sflag:s7] =	ssyncset.done $0x0  }
0x99: {  	s9 =	sld [smem:$0x12];
	[sflag:s7] =	ssyncadd.s32 $0xFFFFFFFF  }
0x9a: {  	s18 =	sld [smem:$0x13];
	(tm) =	ssettm $0x1  }
0x9b: {  	s10 =	sld [smem:$0x3FFB];
	_ =	sdelay $0x3  }
0x9c: {  	_ =	strace s10  }
0x9d: {  	s10 =	sld [smem:$0x3FFC];
	_ =	sdelay $0x3  }
0x9e: {  	_ =	strace s10  }
0x9f: {  	s10 =	sld [smem:$0x3FFD];
	_ =	sdelay $0x3  }
0xa0: {  	_ =	strace s10  }
0xa1: {  	_ =	strace $0x8FFFFFFF  }
0xa2: {  	s19 =	sld [smem:$0x3FDB];
	_ =	sdelay $0x1  }
0xa3: {  	s11 =	simm.s32 $_scs_section_size  }
0xa4: {  	s12 =	simm.s32 $_size__tile_overlayer_lowered;
	s13 =	simm.s32 $_tile_overlayer_lowered  }
0xa5: {  	s22 =	simm.s32 $0x1BFF;
	s21 =	sshll.u32 s13, $0x1;
	s10 =	sadd.s32 s11, s19  }
0xa6: {  	s20 =	sshll.u32 s12, $0x1;
	s14 =	simm.s32 $0x0;
	s12 =	sadd.s32 s21, s10  }
0xa7: {  	[timem:s14], [sflag:s22] =	dma.local [hbm:s12], s20  }
0xa8: {  	_ =	swait.ge [sflag:s22], s20  }
0xa9: {  	s11 =	ssub.s32 $0x0, s20;
	[sflag:s22] =	ssyncset.done $0x0  }
0xaa: {  	[sflag:s22] =	ssyncadd.s32 s11;
	_ =	sdelay $0x1  }
0xab: {  	s23 =	simm.s32 $0x1B8B  }
0xac: {  	_ =	swait.ge [sflag:s23], $0x1  }
0xad: {  	[sflag:s23] =	ssyncset.done $0x0  }
0xae: {  	s25 =	simm.s32 $0x1B8E;
	s24 =	sld [smem:$0x3FFE];
	[sflag:s23] =	ssyncadd.s32 $0xFFFFFFFF  }
0xaf: {  	s26 =	simm.s32 $execute0_lowered;
	[smem:$0x3FD2] =	sst s25  }
0xb0: {  	s12 =	sshll.u32 s26, $0x1;
	_ =	strace $0x80000046;
	[dreg:$0x1] =	wrdreg $0xFFFFFFFF  }
0xb1: {  	s28 =	simm.s32 $_size_execute0_lowered;
	s10 =	sadd.s32 s10, s12;
	[dreg:$0x0] =	wrdreg $0x0  }
0xb2: {  	s12 =	sshll.u32 s28, $0x1;
	[dreg:$0x2] =	wrdreg s10  }
0xb3: {  	[dreg:$0x3] =	wrdreg s12  }
0xb4: {  	[dreg:$0x4] =	wrdreg $0xC0  }
0xb5: {  	_ =	task [dreg:s14], $0x5FFFF  }
0xb6: {  	[dreg:$0x1] =	wrdreg $0xFFFFFFFF  }
0xb7: {  	[dreg:$0x0] =	wrdreg $0x60  }
0xb8: {  	[dreg:$0x2] =	wrdreg s6  }
0xb9: {  	[dreg:$0x3] =	wrdreg s2  }
0xba: {  	[dreg:$0x4] =	wrdreg s4  }
0xbb: {  	[dreg:$0x5] =	wrdreg s17  }
0xbc: {  	[dreg:$0x6] =	wrdreg s5  }
0xbd: {  	[dreg:$0x7] =	wrdreg s16  }
0xbe: {  	[dreg:$0x8] =	wrdreg s24  }
0xbf: {  	[dreg:$0x9] =	wrdreg s9  }
0xc0: {  	[dreg:$0xa] =	wrdreg s18  }
0xc1: {  	[dreg:$0xb] =	wrdreg $0x9  }
0xc2: {  	_ =	task.clear_ibuf [dreg:s14], $0xCFFFF;
	_ =	strace $0x90000046  }
0xc3: {  	s29 =	simm.s32 $0x9;
	_ =	strace $0x80000048  }
0xc4: {  	_ =	swait.ge [sflag:s29], $0x1  }
0xc5: {  	[sflag:s29] =	ssyncadd.s32 $0xFFFFFFFF  }
0xc6: {  	_ =	strace $0x90000048  }
0xc7: {  	_ =	sfence  }
0xc8: {  	s30 =	sld [smem:$0x0];
	_ =	sdelay $0x2  }
0xc9: {  	s31 =	sshll.u32 s1, $0xD;
	s1 =	sshrl.u32 s1, $0x2  }
0xca: {  	s3 =	sand.u32 $0x4000, s31;
	s1 =	sadd.s32 s1, s30  }
0xcb: {  	s0 =	sor.u32 s3, s0;
	s1 =	sshll.u32 s1, $0x11  }
0xcc: {  	s0 =	sor.u32 s1, s0  }
0xcd: {  	s0 =	sadd.s32 $0x8F2B, s0  }
0xce: {  	[sflag:s0] =	ssyncadd.remote.s32 $0x1  }
0xcf: {  	_ =	sfence.sel $0xFFFF  }
0xd0: {  	[dreg:$0x0] =	wrdreg $0xFFFFFFFF;
	(pc) =	sbr.abs _section_cstart, $3  }
0xd1: {  	[dreg:$0x1] =	wrdreg $0xFFFFFFFF  }
0xd2: {  	_ =	task.clear_ibuf [dreg:s14], $0x2FFFF;
	_ =	strace $0x9FFFFFFF  }
0xd3: {  	(tm) =	ssettm $0x7FFFFFFF  }
tec
execute0_lowered:
.L_overlay_start_1:
0x0: {  	(tag) =	ssettag $0x1  }
0x1: {  	v0 =	vimm.s32 $0x44434241  }
0x2: {  	v1 =	vimm.s32 $0x48474645;
	vm1 =	vcmask $0xF00;
	v2 =	vimm.s32 $0x6C6B6A69;
	s0 =	rddreg [dreg:$0x0]  }
0x3: {  	vm0 =	vcmask $0x1F10;
	s1 =	rddreg [dreg:$0x1];
	vm3 =	vcmask $0x300;
	v0 =	vunpack.c.0.s8.s32 v0  }
0x4: {  	s3 =	rddreg [dreg:$0x2];
	v3 =	vimm.s32 $0x34C;
	v1 =	vunpack.c.0.s8.s32 v1;
	v2 =	vunpack.c.0.s8.s32 v2  }
0x5: {  	vm2 =	vcmask $0x1714;
	s5 =	rddreg [dreg:$0x3];
	v3 =	vsel vm3, $0x261, v3;
	v0 =	vnsel vm1, $0x108, v0  }
0x6: {  	s4 =	rddreg [dreg:$0x4];
	v0 =	vsel vm0, v1, v0;
	vm0 =	vcmask $0x2320;
	v1 =	vnsel vm1, $0x154, v2  }
0x7: {  	s6 =	rddreg [dreg:$0x5];
	vm1 =	vcmask $0x1310;
	v2 =	vimm.s32 $0x250;
	v0 =	vsel vm0, $0x101, v0  }
0x8: {  	s9 =	rddreg [dreg:$0x6];
	v1 =	vsel vm1, $0x149, v1;
	v2 =	vsel vm3, $0x165, v2;
	vm3 =	vcmask $0x704  }
0x9: {  	s7 =	rddreg [dreg:$0x7];
	v2 =	vsel vm3, $0x166, v2;
	v3 =	vsel vm3, $0x262, v3;
	vm3 =	vcmask $0xB08  }
0xa: {  	s8 =	rddreg [dreg:$0x8];
	v2 =	vsel vm3, $0x167, v2;
	v3 =	vsel vm3, $0x263, v3;
	vm3 =	vcmask $0xF0C  }
0xb: {  	s2 =	simm.s32 $0x0;
	s10 =	srdreg.scid;
	s12 =	stileid.u32;
	v1 =	vsel vm2, $0x14A, v1;
	v2 =	vsel vm3, $0x168, v2;
	v3 =	vsel vm3, $0x264, v3  }
0xc: {  	s28 =	simm.s32 $0x10200;
	s29 =	simm.s32 $0x8000;
	s30 =	simm.s32 $0x10280;
	vm3 =	vcmask $0x1B18;
	v2 =	vsel vm1, $0x169, v2;
	v3 =	vsel vm1, $0x265, v3  }
0xd: {  	s31 =	simm.s32 $0xC000;
	s10 =	sand.u32 $0x1, s10;
	s12 =	sshll.u32 s12, $0x1;
	vm1 =	vcmask $0x2724;
	v1 =	vsel vm3, $0x14B, v1;
	v2 =	vsel vm2, $0x16A, v2  }
0xe: {  	[smem:$0x7FF] =	sst s2;
	s11 =	ssub.s32 $0x2, s10;
	s10 =	sor.u32 s10, s12;
	v3 =	vsel vm2, $0x266, v3;
	vm2 =	vcmask $0x1F1C;
	v4 =	vsel vm1, $0x102, v0  }
0xf: {  	s9 =	sadd.s32 $0x800, s9;
	_ =	strace $0x80000047;
	s12 =	sshll.u32 s10, $0x6;
	v0 =	vlaneseq.u32;
	v2 =	vsel vm3, $0x16B, v2;
	v3 =	vsel vm3, $0x267, v3  }
0x10: {  	s13 =	sshrl.u32 s11, $0x1;
	s26 =	smul.u32 $0x1200, s10;
	s15 =	sadd.s32 s1, s12;
	v1 =	vsel vm2, $0x14C, v1;
	vm3 =	vcmask $0x3330;
	v9 =	vadd.s32 $0x38, v0  }
0x11: {  	s14 =	sshll.u32 s10, $0x9;
	s16 =	sadd.s32 s3, s12;
	[dreg:$0xa] =	wrdreg s15;
	v10 =	vadd.s32 $0x49, v0;
	v11 =	vadd.s32 $0x59, v0;
	v17 =	vadd.s32 $0x4D, v0  }
0x12: {  	s10 =	smul.u32 $0x900, s10;
	s19 =	sadd.s32 s6, s12;
	[dreg:$0xb] =	wrdreg s16;
	v2 =	vsel vm2, $0x16C, v2;
	v3 =	vsel vm2, $0x268, v3;
	vm2 =	vcmask $0x2B28  }
0x13: {  	s11 =	ssub.s32 s11, s13;
	s22 =	sadd.s32 s8, s12;
	[dreg:$0xe] =	wrdreg s19;
	v18 =	vadd.s32 $0x5D, v0;
	v5 =	vsel vm0, $0x14D, v1;
	v4 =	vsel vm2, $0x103, v4  }
0x14: {  	s14 =	sor.u32 $0x100, s14;
	s17 =	sadd.s32 s5, s26;
	[dreg:$0x11] =	wrdreg s22;
	v2 =	vsel vm0, $0x249, v2;
	v3 =	vsel vm0, $0x269, v3;
	vm0 =	vcmask $0x2F2C  }
0x15: {  	s18 =	sadd.s32 s4, s10;
	s20 =	smul.u32 $0x9, s14;
	[dreg:$0xc] =	wrdreg s17;
	v1 =	vand.u32 $0x1, v0;
	v5 =	vsel vm1, $0x14E, v5;
	v4 =	vsel vm0, $0x104, v4  }
0x16: {  	s13 =	sadd.s32 s9, s26;
	s21 =	sshrl.u32 s14, $0x3;
	[dreg:$0xd] =	wrdreg s18;
	v6 =	vsel vm1, $0x24A, v2;
	v3 =	vsel vm1, $0x26A, v3;
	v2 =	vor.u32 $0x10, v0  }
0x17: {  	s14 =	smul.u32 $0x24, s14;
	s10 =	sadd.s32 s7, s10;
	[dreg:$0xf] =	wrdreg s13;
	v5 =	vsel vm2, $0x14F, v5;
	vm1 =	vcmask $0x3734;
	v7 =	vsel vm3, $0x105, v4  }
0x18: {  	s22 =	simm.s32 $0x2;
	[dreg:$0x10] =	wrdreg s10;
	s1 =	sadd.s32 s1, s21;
	v6 =	vsel vm2, $0x24B, v6;
	v8 =	vsel vm2, $0x26B, v3;
	v3 =	vor.u32 $0x20, v0  }
0x19: {  	s23 =	sadd.s32 s3, s21;
	s16 =	sadd.s32 s6, s21;
	s19 =	sadd.s32 s8, s21;
	v4 =	vor.u32 $0x30, v0;
	v5 =	vsel vm0, $0x150, v5;
	vm2 =	vcmask $0x3B38  }
0x1a: {  	s21 =	simm.s32 $0x10000;
	s3 =	simm.s32 $0x14B00;
	[dreg:$0x12] =	wrdreg s1;
	v7 =	vsel vm1, $0x106, v7;
	v6 =	vsel vm0, $0x24C, v6;
	v8 =	vsel vm0, $0x26C, v8  }
0x1b: {  	s6 =	simm.s32 $0x17000;
	s8 =	simm.s32 $0x1DD00;
	[dreg:$0x13] =	wrdreg s23;
	v12 =	vsel vm3, $0x151, v5;
	vm0 =	vmmov $0xff;
	v13 =	vsel vm3, $0x24D, v6  }
0x1c: {  	s24 =	sadd.s32 s5, s20;
	s25 =	sshrl.u32 s14, $0x3;
	s17 =	sadd.s32 s9, s20;
	v14 =	vsel vm3, $0x349, v8;
	v5 =	vsel vm2, $0x107, v7;
	v6 =	vadd.s32 $0x8, v0  }
0x1d: {  	s20 =	smax.u32 s11, $0x1;
	s23 =	simm.s32 $0x80;
	s1 =	simm.s32 $0x10300;
	v7 =	vadd.s32 $0x18, v0;
	v8 =	vadd.s32 $0x28, v0;
	v12 =	vsel vm1, $0x152, v12  }
0x1e: {  	s5 =	simm.s32 $0x1DC00;
	s9 =	simm.s32 $0x0;
	[dreg:$0x14] =	wrdreg s24;
	v15 =	vsel vm1, $0x24E, v13;
	v16 =	vsel vm1, $0x34A, v14;
	vm1 =	vmmov $0xf  }
0x1f: {  	s26 =	sadd.s32 s4, s25;
	s18 =	sadd.s32 s7, s25;
	s24 =	simm.s32 $0x10100;
	v12 =	vsel vm2, $0x153, v12;
	v13 =	vadd.s32 $0x155, v0;
	v14 =	vsel vm2, $0x24F, v15  }
0x20: {  	s4 =	simm.s32 $0x1;
	s7 =	simm.s32 $0x1B800;
	[dreg:$0x15] =	wrdreg s26;
	v15 =	vadd.s32 $0x251, v0;
	v16 =	vsel vm2, $0x34B, v16;
	vm2 =	vmmov $0xfff  }
.LBB2_1:
0x21: {  	v19 =	vor.u32 s2, v0  }
0x22: {  	s10 =	rddreg [dreg:$0xa];
	v19 =	vshrl.u32 v19, $0x1  }
0x23: {  	[tilespmem:s21], [sflag:$0x2] =	stream.linear.gather [hbm4b:s10+s2], $0x100, $0x38;
	[tilespmem:$0x1DE00] =	vst v63  }
0x24: {  	_ =	swait.ge [sflag:s22], $0x100  }
0x25: {  	[sflag:s22] =	ssyncset.done $0x0  }
0x26: {  	[sflag:s22] =	ssyncadd.s32 $0xFFFFFF00  }
0x27: {  	v19 =	vld.idx.msk [tilespmem:v19+s21+$0x0], $0xffff;
	_ =	sdelay $0x4  }
0x28: {  	s25 =	simm.s32 $0x10;
	v19 =	vmul.u32 $0x6E, v19  }
0x29: {  	v20 =	vor.u32 s25, v0  }
0x2a: {  	v20 =	vshrl.u32 v20, $0x1;
	v19 =	vshra.s32 v19, $0x7  }
0x2b: {  	v19 =	vadd.s32 v1, v19  }
0x2c: {  	vm3 =	vlt.s32 v19, $0x29F62  }
0x2d: {  	v19 =	vnsel vm3, $0x29F62, v19  }
0x2e: {  	[tilespmem:s24+$0x0] =	vst v19  }
0x2f: {  	v19 =	vld.idx.msk [tilespmem:v20+s21+$0x0], $0xffff;
	_ =	sdelay $0x4  }
0x30: {  	s26 =	simm.s32 $0x20;
	v19 =	vmul.u32 $0x6E, v19  }
0x31: {  	s11 =	simm.s32 $0x30;
	s10 =	simm.s32 $0x10100;
	v20 =	vor.u32 s26, v0  }
.LBB2_2:
0x32: {  	p0 =	sne.s32 s11, $0x1F0;
	v20 =	vshrl.u32 v20, $0x1;
	v19 =	vshra.s32 v19, $0x7  }
0x33: {  	v19 =	vadd.s32 v1, v19  }
0x34: {  	vm3 =	vlt.s32 v19, $0x29F62  }
0x35: {  	s10 =	sadd.s32 $0x10, s10;
	v19 =	vnsel vm3, $0x29F62, v19  }
0x36: {  	[tilespmem:s10+$0x0] =	vst v19  }
0x37: {  	v19 =	vld.idx.msk [tilespmem:v20+s21+$0x0], $0xffff;
	_ =	sdelay $0x2  }
.Ltmp0:
0x38: {  	(pc) =	sbr.rel @p0 .LBB2_2-.Ltmp0, $3  }
0x39: {  	_ =	sdelay $0x1  }
0x3a: {  	v19 =	vmul.u32 $0x6E, v19  }
0x3b: {  	v20 =	vor.u32 s11, v0;
	s11 =	sadd.s32 $0x10, s11  }
0x3c: {  	v20 =	vshrl.u32 v20, $0x1;
	v19 =	vshra.s32 v19, $0x7  }
0x3d: {  	v19 =	vadd.s32 v1, v19  }
0x3e: {  	vm3 =	vlt.s32 v19, $0x29F62  }
0x3f: {  	s10 =	sadd.s32 $0x10, s10;
	v19 =	vnsel vm3, $0x29F62, v19  }
0x40: {  	[tilespmem:s10+$0x0] =	vst v19  }
0x41: {  	v19 =	vld.idx.msk [tilespmem:v20+s21+$0x0], $0xffff;
	_ =	sdelay $0x4  }
0x42: {  	v19 =	vmul.u32 $0x6E, v19;
	_ =	sdelay $0x1  }
0x43: {  	v19 =	vshra.s32 v19, $0x7  }
0x44: {  	v19 =	vadd.s32 v1, v19  }
0x45: {  	vm3 =	vlt.s32 v19, $0x29F62  }
0x46: {  	s10 =	sadd.s32 $0x10, s10;
	v19 =	vnsel vm3, $0x29F62, v19  }
0x47: {  	s11 =	simm.s32 $0x0;
	[tilespmem:s10+$0x0] =	vst v19  }
0x48: {  	[tilespmem:s11], [sflag:$0x1] =	stream.indirect.gather [hbm4b:s0+s23], $0x80, s24, s23, $0xb8;
	[tilespmem:$0x1DE00] =	vst v63  }
0x49: {  	s14 =	simm.s32 $0x10180;
	s12 =	simm.s32 $0x4000  }
0x4a: {  	[tilespmem:s12], [sflag:$0x1] =	stream.indirect.gather [hbm4b:s0+s23], $0x80, s14, s23, $0xb8;
	[tilespmem:$0x1DE00] =	vst v63  }
0x4b: {  	_ = 	snop  }
0x4c: {  	[tilespmem:s29], [sflag:$0x1] =	stream.indirect.gather [hbm4b:s0+s23], $0x80, s28, s23, $0xb8;
	[tilespmem:$0x1DE00] =	vst v63  }
0x4d: {  	_ = 	snop  }
0x4e: {  	[tilespmem:s31], [sflag:$0x1] =	stream.indirect.gather [hbm4b:s0+s23], $0x80, s30, s23, $0xb8;
	[tilespmem:$0x1DE00] =	vst v63  }
0x4f: {  	s15 =	rddreg [dreg:$0xb];
	s10 =	simm.s32 $0x16F00  }
0x50: {  	[tilespmem:s10], [sflag:$0x2] =	stream.linear.gather [hbm4b:s15+s11], $0x100, $0x38;
	[tilespmem:$0x1DE00] =	vst v63  }
0x51: {  	_ =	swait.ge [sflag:s22], $0x100  }
0x52: {  	[sflag:s22] =	ssyncset.done $0x0  }
0x53: {  	s25 =	rddreg [dreg:$0xc];
	[sflag:s22] =	ssyncadd.s32 $0xFFFFFF00  }
0x54: {  	[tilespmem:s1], [sflag:$0x2] =	stream.linear.gather [hbm4b:s25+s11], $0x4800, $0x38;
	[tilespmem:$0x1DE00] =	vst v63  }
0x55: {  	_ =	swait.ge [sflag:s22], $0x4800  }
0x56: {  	[sflag:s22] =	ssyncset.done $0x0  }
0x57: {  	s26 =	rddreg [dreg:$0xd];
	[sflag:s22] =	ssyncadd.s32 $0xFFFFB800  }
0x58: {  	[tilespmem:s3], [sflag:$0x2] =	stream.linear.gather [hbm4b:s26+s11], $0x2400, $0x38;
	[tilespmem:$0x1DE00] =	vst v63  }
0x59: {  	_ =	swait.ge [sflag:s22], $0x2400  }
0x5a: {  	[sflag:s22] =	ssyncset.done $0x0  }
0x5b: {  	[sflag:s22] =	ssyncadd.s32 $0xFFFFDC00  }
0x5c: {  	_ =	swait.ge [sflag:s4], $0x4000  }
0x5d: {  	[sflag:s4] =	ssyncset.done $0x0  }
0x5e: {  	[sflag:s4] =	ssyncadd.s32 $0xFFFFC000  }
0x5f: {  	_ =	swait.ge [sflag:s4], $0x4000  }
0x60: {  	[sflag:s4] =	ssyncset.done $0x0  }
0x61: {  	[sflag:s4] =	ssyncadd.s32 $0xFFFFC000  }
0x62: {  	_ =	swait.ge [sflag:s4], $0x4000  }
0x63: {  	[sflag:s4] =	ssyncset.done $0x0  }
0x64: {  	[sflag:s4] =	ssyncadd.s32 $0xFFFFC000  }
0x65: {  	_ =	swait.ge [sflag:s4], $0x4000  }
0x66: {  	s13 =	simm.s32 $0x1DD00;
	[sflag:s4] =	ssyncset.done $0x0  }
0x67: {  	s12 =	simm.s32 $0x1DC00;
	s14 =	simm.s32 $0x0;
	[sflag:s4] =	ssyncadd.s32 $0xFFFFC000  }
.LBB2_4:
0x68: {  	v19 =	vor.u32 s14, v0;
	_ =	sdelay $0x4  }
0x69: {  	v20 =	vld.idx.msk [tilespmem:v19+s21+$0x0], $0xffff;
	_ =	sdelay $0x4  }
0x6a: {  	v20 =	vmul.u32 $0x6E, v20;
	_ =	sdelay $0x1  }
0x6b: {  	v19 =	vshll.u32 v19, $0x8;
	v20 =	vand.u32 $0x7E, v20  }
0x6c: {  	v19 =	vor.u32 v19, v20  }
0x6d: {  	v20 =	vld [tilespmem:s10+$0x0];
	_ =	sdelay $0x3  }
0x6e: {  	v21 =	vld.idx.msk [tilespmem:v19+s11+$0x0], $0xffff  }
0x6f: {  	v20 =	vcvt.s32.f32 v20;
	_ =	sdelay $0x1  }
0x70: {  	v22 =	vadd.f32 $-1.000000000e+00, v20;
	_ =	sdelay $0x1  }
0x71: {  	v19 =	vadd.s32 $0x6D, v19;
	v63 =	vmul.f32 $1.000000000e+03, v22;
	v20 =	vmul.f32 v20, v21;
	_ =	sdelay $0x1  }
0x72: {  	v20 =	vadd.f32 v63, v20;
	_ =	sdelay $0x1  }
0x73: {  	[tilespmem:s12+$0x0] =	vst v20  }
0x74: {  	p0 =	sne.s32 s14, $0xF0;
	v19 =	vld.idx.msk [tilespmem:v19+s11+$0x0], $0xffff  }
.Ltmp1:
0x75: {  	_ = 	snop;
	(pc) =	sbr.rel @p0 .LBB2_4-.Ltmp1, $3  }
0x76: {  	_ =	sdelay $0x1  }
0x77: {  	s14 =	sadd.s32 $0x10, s14  }
0x78: {  	s10 =	sadd.s32 $0x10, s10;
	s12 =	sadd.s32 $0x10, s12;
	[tilespmem:s13+$0x0] =	vst v19;
	s13 =	sadd.s32 $0x10, s13  }
0x79: {  	s12 =	simm.s32 $0x10340  }
0x7a: {  	s13 =	simm.s32 $0x17040;
	s14 =	simm.s32 $0x0;
	s25 =	simm.s32 $0x0  }
.LBB2_6:
0x7b: {  	v19 =	vmov s25;
	_ =	sdelay $0x4  }
0x7c: {  	v20 =	vld.idx.msk [tilespmem:v19+s21+$0x0], $0xffff;
	_ =	sdelay $0x4  }
0x7d: {  	v20 =	vmul.u32 $0x6E, v20;
	_ =	sdelay $0x1  }
0x7e: {  	v20 =	vand.u32 $0x7E, v20  }
0x7f: {  	v21 =	vor.u32 s11, v20  }
0x80: {  	v21 =	vor.u32 $0x1, v21  }
0x81: {  	v22 =	vadd.s32 v0, v21  }
0x82: {  	v23 =	vld [tilespmem:s12+$0xFFFFFFC0];
	_ =	sdelay $0x2  }
0x83: {  	s10 =	simm.s32 $0x0  }
0x84: {  	v22 =	vld.idx.msk [tilespmem:v22+s10+$0x0], $0xffff  }
0x85: {  	v23 =	vcvt.s32.f32 v23;
	_ =	sdelay $0x1  }
0x86: {  	v24 =	vadd.f32 $-1.000000000e+00, v23  }
0x87: {  	v19 =	vor.u32 $0x1, v19  }
0x88: {  	v41 =	vmul.f32 $1.000000000e+03, v24;
	v22 =	vmul.f32 v23, v22;
	_ =	sdelay $0x1  }
0x89: {  	v22 =	vadd.f32 v41, v22;
	_ =	sdelay $0x1  }
0x8a: {  	v19 =	vld.idx.msk [tilespmem:v19+s21+$0x0], $0xffff;
	v42 =	vadd.s32 v2, v21;
	[tilespmem:s13+$0xFFFFFFC0] =	vst v22  }
0x8b: {  	v43 =	vld [tilespmem:s12+$0xFFFFFFD0];
	_ =	sdelay $0x3  }
0x8c: {  	v22 =	vld.idx.msk [tilespmem:v42+s10+$0x0], $0xffff  }
0x8d: {  	v23 =	vcvt.s32.f32 v43;
	_ =	sdelay $0x1  }
0x8e: {  	v44 =	vadd.f32 $-1.000000000e+00, v23;
	_ =	sdelay $0x1  }
0x8f: {  	v22 =	vmul.f32 v23, v22;
	v45 =	vmul.f32 $1.000000000e+03, v44;
	_ =	sdelay $0x1  }
0x90: {  	v22 =	vadd.f32 v45, v22;
	_ =	sdelay $0x1  }
0x91: {  	v46 =	vadd.s32 v3, v21;
	[tilespmem:s13+$0xFFFFFFD0] =	vst v22  }
0x92: {  	v47 =	vld [tilespmem:s12+$0xFFFFFFE0];
	_ =	sdelay $0x3  }
0x93: {  	v22 =	vld.idx.msk [tilespmem:v46+s10+$0x0], $0xffff  }
0x94: {  	v23 =	vcvt.s32.f32 v47;
	_ =	sdelay $0x1  }
0x95: {  	v48 =	vadd.f32 $-1.000000000e+00, v23;
	_ =	sdelay $0x1  }
0x96: {  	v22 =	vmul.f32 v23, v22;
	v49 =	vmul.f32 $1.000000000e+03, v48;
	_ =	sdelay $0x1  }
0x97: {  	v22 =	vadd.f32 v49, v22;
	_ =	sdelay $0x1  }
0x98: {  	v21 =	vadd.s32 v4, v21;
	[tilespmem:s13+$0xFFFFFFE0] =	vst v22  }
0x99: {  	v22 =	vld [tilespmem:s12+$0xFFFFFFF0];
	_ =	sdelay $0x3  }
0x9a: {  	v21 =	vld.idx.msk [tilespmem:v21+s10+$0x0], $0xffff  }
0x9b: {  	v22 =	vcvt.s32.f32 v22;
	_ =	sdelay $0x1  }
0x9c: {  	v50 =	vadd.f32 $-1.000000000e+00, v22  }
0x9d: {  	v19 =	vmul.u32 $0x6E, v19  }
0x9e: {  	v21 =	vmul.f32 v22, v21;
	v51 =	vmul.f32 $1.000000000e+03, v50  }
0x9f: {  	v19 =	vand.u32 $0x7E, v19  }
0xa0: {  	v20 =	vsel vm0, v20, v19;
	v21 =	vadd.f32 v51, v21  }
0xa1: {  	v20 =	vadd.s32 s11, v20  }
0xa2: {  	v20 =	vadd.s32 v5, v20;
	[tilespmem:s13+$0xFFFFFFF0] =	vst v21  }
0xa3: {  	v21 =	vld [tilespmem:s12+$0x0];
	_ =	sdelay $0x3  }
0xa4: {  	v20 =	vld.idx.msk [tilespmem:v20+s10+$0x0], $0xffff  }
0xa5: {  	v21 =	vcvt.s32.f32 v21;
	_ =	sdelay $0x1  }
0xa6: {  	v52 =	vadd.f32 $-1.000000000e+00, v21;
	_ =	sdelay $0x1  }
0xa7: {  	v20 =	vmul.f32 v21, v20;
	v53 =	vmul.f32 $1.000000000e+03, v52;
	_ =	sdelay $0x1  }
0xa8: {  	v19 =	vor.u32 s11, v19;
	v20 =	vadd.f32 v53, v20  }
0xa9: {  	v19 =	vor.u32 $0x101, v19  }
0xaa: {  	[tilespmem:s13+$0x0] =	vst v20;
	v20 =	vadd.s32 v6, v19  }
0xab: {  	v54 =	vld [tilespmem:s12+$0x10];
	_ =	sdelay $0x3  }
0xac: {  	v20 =	vld.idx.msk [tilespmem:v20+s10+$0x0], $0xffff  }
0xad: {  	v21 =	vcvt.s32.f32 v54;
	_ =	sdelay $0x1  }
0xae: {  	v55 =	vadd.f32 $-1.000000000e+00, v21;
	_ =	sdelay $0x1  }
0xaf: {  	v20 =	vmul.f32 v21, v20;
	v56 =	vmul.f32 $1.000000000e+03, v55;
	_ =	sdelay $0x1  }
0xb0: {  	v20 =	vadd.f32 v56, v20;
	_ =	sdelay $0x1  }
0xb1: {  	[tilespmem:s13+$0x10] =	vst v20;
	v20 =	vadd.s32 v7, v19  }
0xb2: {  	v57 =	vld [tilespmem:s12+$0x20];
	_ =	sdelay $0x3  }
0xb3: {  	v20 =	vld.idx.msk [tilespmem:v20+s10+$0x0], $0xffff  }
0xb4: {  	v21 =	vcvt.s32.f32 v57;
	_ =	sdelay $0x1  }
0xb5: {  	v58 =	vadd.f32 $-1.000000000e+00, v21;
	_ =	sdelay $0x1  }
0xb6: {  	v20 =	vmul.f32 v21, v20;
	v59 =	vmul.f32 $1.000000000e+03, v58;
	_ =	sdelay $0x1  }
0xb7: {  	v20 =	vadd.f32 v59, v20;
	_ =	sdelay $0x1  }
0xb8: {  	[tilespmem:s13+$0x20] =	vst v20;
	v20 =	vadd.s32 v8, v19  }
0xb9: {  	v60 =	vld [tilespmem:s12+$0x30];
	_ =	sdelay $0x3  }
0xba: {  	v20 =	vld.idx.msk [tilespmem:v20+s10+$0x0], $0xffff  }
0xbb: {  	v21 =	vcvt.s32.f32 v60;
	_ =	sdelay $0x1  }
0xbc: {  	v61 =	vadd.f32 $-1.000000000e+00, v21;
	_ =	sdelay $0x1  }
0xbd: {  	v20 =	vmul.f32 v21, v20;
	v62 =	vmul.f32 $1.000000000e+03, v61;
	_ =	sdelay $0x1  }
0xbe: {  	v20 =	vadd.f32 v62, v20;
	_ =	sdelay $0x1  }
0xbf: {  	s15 =	sand.u32 $0x7FF0, s14;
	v19 =	vadd.s32 v9, v19;
	[tilespmem:s13+$0x30] =	vst v20  }
0xc0: {  	v20 =	vld [tilespmem:s15+$0x10380];
	_ =	sdelay $0x3  }
0xc1: {  	v19 =	vld.idx.msk [tilespmem:v19+s10+$0x0], $0xffff  }
0xc2: {  	v20 =	vcvt.s32.f32 v20;
	_ =	sdelay $0x1  }
0xc3: {  	v63 =	vadd.f32 $-1.000000000e+00, v20  }
0xc4: {  	p0 =	sne.s32 s25, $0xFE  }
.Ltmp2:
0xc5: {  	v19 =	vmul.f32 v20, v19;
	v20 =	vmul.f32 $1.000000000e+03, v63;
	(pc) =	sbr.rel @p0 .LBB2_6-.Ltmp2, $4  }
0xc6: {  	_ = 	snop  }
0xc7: {  	v19 =	vadd.f32 v20, v19  }
0xc8: {  	s14 =	sadd.s32 $0x90, s14;
	s25 =	sadd.s32 $0x2, s25  }
0xc9: {  	s11 =	sadd.s32 $0x200, s11;
	s12 =	sadd.s32 $0x90, s12;
	s13 =	sadd.s32 $0x90, s13;
	[tilespmem:s15+$0x17080] =	vst v19  }
0xca: {  	v19 =	vmov s10;
	_ =	sdelay $0x4  }
0xcb: {  	v20 =	vld.idx.msk [tilespmem:v19+s21+$0x0], $0xffff;
	_ =	sdelay $0x4  }
0xcc: {  	v20 =	vmul.u32 $0x6E, v20;
	_ =	sdelay $0x1  }
0xcd: {  	v20 =	vand.u32 $0x7E, v20  }
0xce: {  	v21 =	vor.u32 s10, v20  }
0xcf: {  	s11 =	simm.s32 $0x14B40;
	v22 =	vadd.s32 v10, v21  }
0xd0: {  	v23 =	vld [tilespmem:s11+$0xFFFFFFC0];
	_ =	sdelay $0x3  }
0xd1: {  	v22 =	vld.idx.msk [tilespmem:v22+s2+$0x0], $0xffff  }
0xd2: {  	v23 =	vcvt.s32.f32 v23  }
0xd3: {  	v24 =	vor.u32 $0x3, v19  }
0xd4: {  	v25 =	vor.u32 $0x2, v19;
	v26 =	vadd.f32 $-1.000000000e+00, v23  }
0xd5: {  	v19 =	vor.u32 $0x1, v19  }
0xd6: {  	v22 =	vmul.f32 v23, v22;
	v23 =	vmul.f32 $1.000000000e+03, v26;
	_ =	sdelay $0x1  }
0xd7: {  	v24 =	vld.idx.msk [tilespmem:v24+s21+$0x0], $0xffff;
	v22 =	vadd.f32 v23, v22  }
0xd8: {  	s12 =	simm.s32 $0x1B840;
	v25 =	vld.idx.msk [tilespmem:v25+s21+$0x0], $0xffff  }
0xd9: {  	v19 =	vld.idx.msk [tilespmem:v19+s21+$0x0], $0xffff;
	v21 =	vadd.s32 v11, v21;
	[tilespmem:s12+$0xFFFFFFC0] =	vst v22  }
0xda: {  	v22 =	vld [tilespmem:s11+$0xFFFFFFD0];
	_ =	sdelay $0x3  }
0xdb: {  	v21 =	vld.idx.msk [tilespmem:v21+s2+$0x0], $0xffff  }
0xdc: {  	v22 =	vcvt.s32.f32 v22;
	_ =	sdelay $0x1  }
0xdd: {  	v23 =	vadd.f32 $-1.000000000e+00, v22  }
0xde: {  	v19 =	vmul.u32 $0x6E, v19  }
0xdf: {  	v21 =	vmul.f32 v22, v21;
	v22 =	vmul.f32 $1.000000000e+03, v23  }
0xe0: {  	v19 =	vand.u32 $0x7E, v19  }
0xe1: {  	v20 =	vsel vm1, v20, v19;
	v21 =	vadd.f32 v22, v21  }
0xe2: {  	v20 =	vadd.s32 s10, v20  }
0xe3: {  	v20 =	vadd.s32 v12, v20;
	[tilespmem:s12+$0xFFFFFFD0] =	vst v21  }
0xe4: {  	v21 =	vld [tilespmem:s11+$0xFFFFFFE0];
	_ =	sdelay $0x3  }
0xe5: {  	v20 =	vld.idx.msk [tilespmem:v20+s2+$0x0], $0xffff  }
0xe6: {  	v21 =	vcvt.s32.f32 v21;
	_ =	sdelay $0x1  }
0xe7: {  	v22 =	vadd.f32 $-1.000000000e+00, v21;
	_ =	sdelay $0x1  }
0xe8: {  	v20 =	vmul.f32 v21, v20;
	v21 =	vmul.f32 $1.000000000e+03, v22;
	_ =	sdelay $0x1  }
0xe9: {  	v20 =	vadd.f32 v21, v20  }
0xea: {  	v21 =	vadd.s32 s10, v19  }
0xeb: {  	v21 =	vadd.s32 v13, v21;
	[tilespmem:s12+$0xFFFFFFE0] =	vst v20  }
0xec: {  	v20 =	vld [tilespmem:s11+$0xFFFFFFF0];
	_ =	sdelay $0x3  }
0xed: {  	v21 =	vld.idx.msk [tilespmem:v21+s2+$0x0], $0xffff  }
0xee: {  	v20 =	vcvt.s32.f32 v20;
	_ =	sdelay $0x1  }
0xef: {  	v22 =	vadd.f32 $-1.000000000e+00, v20  }
0xf0: {  	v23 =	vmul.u32 $0x6E, v25  }
0xf1: {  	v20 =	vmul.f32 v20, v21;
	v21 =	vmul.f32 $1.000000000e+03, v22  }
0xf2: {  	v22 =	vand.u32 $0x7E, v23  }
0xf3: {  	v19 =	vsel vm0, v19, v22;
	v20 =	vadd.f32 v21, v20  }
0xf4: {  	v19 =	vadd.s32 s10, v19  }
0xf5: {  	v19 =	vadd.s32 v14, v19;
	[tilespmem:s12+$0xFFFFFFF0] =	vst v20  }
0xf6: {  	v20 =	vld [tilespmem:s11+$0x0];
	_ =	sdelay $0x3  }
0xf7: {  	v19 =	vld.idx.msk [tilespmem:v19+s2+$0x0], $0xffff  }
0xf8: {  	v20 =	vcvt.s32.f32 v20;
	_ =	sdelay $0x1  }
0xf9: {  	v21 =	vadd.f32 $-1.000000000e+00, v20;
	_ =	sdelay $0x1  }
0xfa: {  	v19 =	vmul.f32 v20, v19;
	v20 =	vmul.f32 $1.000000000e+03, v21;
	_ =	sdelay $0x1  }
0xfb: {  	v19 =	vadd.f32 v20, v19  }
0xfc: {  	v20 =	vadd.s32 s10, v22  }
0xfd: {  	v20 =	vadd.s32 v15, v20;
	[tilespmem:s12+$0x0] =	vst v19  }
0xfe: {  	v19 =	vld [tilespmem:s11+$0x10];
	_ =	sdelay $0x3  }
0xff: {  	v20 =	vld.idx.msk [tilespmem:v20+s2+$0x0], $0xffff  }
0x100: {  	v19 =	vcvt.s32.f32 v19;
	_ =	sdelay $0x1  }
0x101: {  	v21 =	vadd.f32 $-1.000000000e+00, v19  }
0x102: {  	v23 =	vmul.u32 $0x6E, v24  }
0x103: {  	v19 =	vmul.f32 v19, v20;
	v20 =	vmul.f32 $1.000000000e+03, v21  }
0x104: {  	v21 =	vand.u32 $0x7E, v23  }
0x105: {  	v22 =	vsel vm2, v22, v21;
	v19 =	vadd.f32 v20, v19  }
0x106: {  	v20 =	vadd.s32 s10, v22  }
0x107: {  	v20 =	vadd.s32 v16, v20;
	[tilespmem:s12+$0x10] =	vst v19  }
0x108: {  	v19 =	vld [tilespmem:s11+$0x20];
	_ =	sdelay $0x3  }
0x109: {  	v20 =	vld.idx.msk [tilespmem:v20+s2+$0x0], $0xffff  }
0x10a: {  	v19 =	vcvt.s32.f32 v19;
	_ =	sdelay $0x1  }
0x10b: {  	v22 =	vadd.f32 $-1.000000000e+00, v19;
	_ =	sdelay $0x1  }
0x10c: {  	v19 =	vmul.f32 v19, v20;
	v20 =	vmul.f32 $1.000000000e+03, v22;
	_ =	sdelay $0x1  }
0x10d: {  	v21 =	vor.u32 s10, v21;
	v19 =	vadd.f32 v20, v19  }
0x10e: {  	v20 =	vor.u32 $0x300, v21  }
0x10f: {  	v21 =	vadd.s32 v17, v20;
	[tilespmem:s12+$0x20] =	vst v19  }
0x110: {  	v19 =	vld [tilespmem:s11+$0x30];
	_ =	sdelay $0x3  }
0x111: {  	v21 =	vld.idx.msk [tilespmem:v21+s2+$0x0], $0xffff  }
0x112: {  	v19 =	vcvt.s32.f32 v19;
	_ =	sdelay $0x1  }
0x113: {  	v22 =	vadd.f32 $-1.000000000e+00, v19;
	_ =	sdelay $0x1  }
0x114: {  	v19 =	vmul.f32 v19, v21;
	v21 =	vmul.f32 $1.000000000e+03, v22;
	_ =	sdelay $0x1  }
0x115: {  	v19 =	vadd.f32 v21, v19;
	_ =	sdelay $0x1  }
0x116: {  	s26 =	sand.u32 $0x3FF0, s10;
	v20 =	vadd.s32 v18, v20;
	[tilespmem:s12+$0x30] =	vst v19  }
0x117: {  	v19 =	vld [tilespmem:s26+$0x14B80];
	_ =	sdelay $0x3  }
0x118: {  	v20 =	vld.idx.msk [tilespmem:v20+s2+$0x0], $0xffff  }
0x119: {  	v19 =	vcvt.s32.f32 v19;
	_ =	sdelay $0x1  }
0x11a: {  	v21 =	vadd.f32 $-1.000000000e+00, v19  }
0x11b: {  	s25 =	simm.s32 $0x4  }
0x11c: {  	v22 =	vmov s25;
	v23 =	vmul.f32 v19, v20;
	v63 =	vmul.f32 $1.000000000e+03, v21  }
0x11d: {  	s14 =	simm.s32 $0x8;
	v19 =	vor.u32 $0x1, v22  }
0x11e: {  	s13 =	simm.s32 $0x0;
	s11 =	simm.s32 $0x1B8D0;
	s12 =	simm.s32 $0x14BD0;
	v20 =	vor.u32 $0x2, v22;
	v21 =	vor.u32 $0x3, v22;
	v23 =	vadd.f32 v63, v23  }
.LBB2_8:
0x11f: {  	s10 =	sadd.s32 $0x90, s10  }
0x120: {  	[tilespmem:s26+$0x1B880] =	vst v23;
	s13 =	sadd.s32 $0x400, s13;
	s25 =	smov.u32 s14;
	s15 =	sadd.s32 $0x4, s14  }
0x121: {  	p0 =	sne.s32 s14, $0xFC;
	v22 =	vld.idx.msk [tilespmem:v22+s21+$0x0], $0xffff;
	_ =	sdelay $0x5  }
0x122: {  	v22 =	vmul.u32 $0x6E, v22;
	_ =	sdelay $0x1  }
0x123: {  	v22 =	vand.u32 $0x7E, v22  }
0x124: {  	v23 =	vor.u32 s13, v22  }
0x125: {  	v24 =	vadd.s32 v10, v23;
	_ =	sdelay $0x1  }
0x126: {  	v25 =	vld [tilespmem:s12+$0xFFFFFFC0];
	_ =	sdelay $0x2  }
0x127: {  	v24 =	vld.idx.msk [tilespmem:v24+s2+$0x0], $0xffff;
	_ =	sdelay $0x1  }
0x128: {  	v25 =	vcvt.s32.f32 v25;
	_ =	sdelay $0x1  }
0x129: {  	v26 =	vadd.f32 $-1.000000000e+00, v25;
	_ =	sdelay $0x1  }
0x12a: {  	v24 =	vmul.f32 v25, v24;
	v25 =	vmul.f32 $1.000000000e+03, v26  }
0x12b: {  	v21 =	vld.idx.msk [tilespmem:v21+s21+$0x0], $0xffff  }
0x12c: {  	v20 =	vld.idx.msk [tilespmem:v20+s21+$0x0], $0xffff;
	v24 =	vadd.f32 v25, v24  }
0x12d: {  	v23 =	vadd.s32 v11, v23;
	v19 =	vld.idx.msk [tilespmem:v19+s21+$0x0], $0xffff  }
0x12e: {  	[tilespmem:s11+$0xFFFFFFC0] =	vst v24  }
0x12f: {  	v24 =	vld [tilespmem:s12+$0xFFFFFFD0];
	_ =	sdelay $0x1  }
0x130: {  	v21 =	vmul.u32 $0x6E, v21  }
0x131: {  	v20 =	vmul.u32 $0x6E, v20;
	v23 =	vld.idx.msk [tilespmem:v23+s2+$0x0], $0xffff  }
0x132: {  	v19 =	vmul.u32 $0x6E, v19  }
0x133: {  	v24 =	vcvt.s32.f32 v24  }
0x134: {  	v25 =	vand.u32 $0x7E, v19;
	v19 =	vand.u32 $0x7E, v20;
	v20 =	vand.u32 $0x7E, v21  }
0x135: {  	v22 =	vsel vm1, v22, v25;
	v26 =	vsel vm0, v25, v19;
	v21 =	vadd.f32 $-1.000000000e+00, v24  }
0x136: {  	v27 =	vadd.s32 s13, v19;
	v22 =	vadd.s32 s13, v22;
	v26 =	vadd.s32 s13, v26  }
0x137: {  	v19 =	vsel vm2, v19, v20;
	v23 =	vmul.f32 v24, v23;
	v21 =	vmul.f32 $1.000000000e+03, v21  }
0x138: {  	v24 =	vadd.s32 s13, v19;
	v19 =	vor.u32 s13, v20  }
0x139: {  	v19 =	vor.u32 $0x300, v19;
	v20 =	vadd.f32 v21, v23  }
0x13a: {  	v21 =	vadd.s32 v12, v22  }
0x13b: {  	[tilespmem:s11+$0xFFFFFFD0] =	vst v20  }
0x13c: {  	v20 =	vld [tilespmem:s12+$0xFFFFFFE0];
	_ =	sdelay $0x2  }
0x13d: {  	v21 =	vld.idx.msk [tilespmem:v21+s2+$0x0], $0xffff;
	_ =	sdelay $0x1  }
0x13e: {  	v20 =	vcvt.s32.f32 v20;
	_ =	sdelay $0x1  }
0x13f: {  	v22 =	vadd.f32 $-1.000000000e+00, v20;
	_ =	sdelay $0x1  }
0x140: {  	v20 =	vmul.f32 v20, v21;
	v21 =	vmul.f32 $1.000000000e+03, v22;
	_ =	sdelay $0x1  }
0x141: {  	v20 =	vadd.f32 v21, v20;
	v21 =	vadd.s32 s13, v25  }
0x142: {  	v21 =	vadd.s32 v13, v21  }
0x143: {  	[tilespmem:s11+$0xFFFFFFE0] =	vst v20  }
0x144: {  	v20 =	vld [tilespmem:s12+$0xFFFFFFF0];
	_ =	sdelay $0x2  }
0x145: {  	v21 =	vld.idx.msk [tilespmem:v21+s2+$0x0], $0xffff;
	_ =	sdelay $0x1  }
0x146: {  	v20 =	vcvt.s32.f32 v20;
	_ =	sdelay $0x1  }
0x147: {  	v22 =	vadd.f32 $-1.000000000e+00, v20;
	_ =	sdelay $0x1  }
0x148: {  	v20 =	vmul.f32 v20, v21;
	v21 =	vmul.f32 $1.000000000e+03, v22;
	_ =	sdelay $0x1  }
0x149: {  	v20 =	vadd.f32 v21, v20  }
0x14a: {  	v21 =	vadd.s32 v14, v26  }
0x14b: {  	[tilespmem:s11+$0xFFFFFFF0] =	vst v20  }
0x14c: {  	v20 =	vld [tilespmem:s12+$0x0];
	_ =	sdelay $0x2  }
0x14d: {  	v21 =	vld.idx.msk [tilespmem:v21+s2+$0x0], $0xffff;
	_ =	sdelay $0x1  }
0x14e: {  	v20 =	vcvt.s32.f32 v20;
	_ =	sdelay $0x1  }
0x14f: {  	v22 =	vadd.f32 $-1.000000000e+00, v20;
	_ =	sdelay $0x1  }
0x150: {  	v20 =	vmul.f32 v20, v21;
	v21 =	vmul.f32 $1.000000000e+03, v22;
	_ =	sdelay $0x1  }
0x151: {  	v20 =	vadd.f32 v21, v20  }
0x152: {  	v21 =	vadd.s32 v15, v27  }
0x153: {  	[tilespmem:s11+$0x0] =	vst v20  }
0x154: {  	v20 =	vld [tilespmem:s12+$0x10];
	_ =	sdelay $0x2  }
0x155: {  	v21 =	vld.idx.msk [tilespmem:v21+s2+$0x0], $0xffff;
	_ =	sdelay $0x1  }
0x156: {  	v20 =	vcvt.s32.f32 v20;
	_ =	sdelay $0x1  }
0x157: {  	v22 =	vadd.f32 $-1.000000000e+00, v20;
	_ =	sdelay $0x1  }
0x158: {  	v20 =	vmul.f32 v20, v21;
	v21 =	vmul.f32 $1.000000000e+03, v22  }
0x159: {  	v22 =	vadd.s32 v16, v24  }
0x15a: {  	v20 =	vadd.f32 v21, v20;
	_ =	sdelay $0x1  }
0x15b: {  	[tilespmem:s11+$0x10] =	vst v20  }
0x15c: {  	v20 =	vld [tilespmem:s12+$0x20]  }
0x15d: {  	v21 =	vld.idx.msk [tilespmem:v22+s2+$0x0], $0xffff;
	_ =	sdelay $0x3  }
0x15e: {  	v20 =	vcvt.s32.f32 v20;
	_ =	sdelay $0x1  }
0x15f: {  	v22 =	vadd.f32 $-1.000000000e+00, v20;
	_ =	sdelay $0x1  }
0x160: {  	v20 =	vmul.f32 v20, v21;
	v21 =	vmul.f32 $1.000000000e+03, v22  }
0x161: {  	v22 =	vadd.s32 v17, v19  }
0x162: {  	v20 =	vadd.f32 v21, v20;
	_ =	sdelay $0x1  }
0x163: {  	[tilespmem:s11+$0x20] =	vst v20  }
0x164: {  	v20 =	vld [tilespmem:s12+$0x30]  }
0x165: {  	v21 =	vld.idx.msk [tilespmem:v22+s2+$0x0], $0xffff;
	_ =	sdelay $0x3  }
0x166: {  	v20 =	vcvt.s32.f32 v20;
	_ =	sdelay $0x1  }
0x167: {  	v22 =	vadd.f32 $-1.000000000e+00, v20;
	_ =	sdelay $0x1  }
0x168: {  	v20 =	vmul.f32 v20, v21;
	v21 =	vmul.f32 $1.000000000e+03, v22  }
0x169: {  	v19 =	vadd.s32 v18, v19  }
0x16a: {  	v20 =	vadd.f32 v21, v20;
	_ =	sdelay $0x1  }
0x16b: {  	s26 =	sand.u32 $0x3FF0, s10;
	[tilespmem:s11+$0x30] =	vst v20  }
0x16c: {  	v20 =	vld [tilespmem:s26+$0x14B80]  }
0x16d: {  	v19 =	vld.idx.msk [tilespmem:v19+s2+$0x0], $0xffff;
	_ =	sdelay $0x3  }
0x16e: {  	v20 =	vcvt.s32.f32 v20;
	_ =	sdelay $0x1  }
0x16f: {  	v21 =	vadd.f32 $-1.000000000e+00, v20  }
.Ltmp3:
0x170: {  	(pc) =	sbr.rel @p0 .LBB2_8-.Ltmp3, $4  }
0x171: {  	v22 =	vmov s25;
	v23 =	vmul.f32 v20, v19;
	v24 =	vmul.f32 $1.000000000e+03, v21  }
0x172: {  	v19 =	vor.u32 $0x1, v22;
	v20 =	vor.u32 $0x2, v22;
	v21 =	vor.u32 $0x3, v22  }
0x173: {  	v23 =	vadd.f32 v24, v23  }
0x174: {  	s14 =	smov.u32 s15;
	s12 =	sadd.s32 $0x90, s12;
	s11 =	sadd.s32 $0x90, s11  }
0x175: {  	_ =	sdelay $0x2  }
0x176: {  	[tilespmem:s26+$0x1B880] =	vst v23  }
0x177: {  	v22 =	vld.idx.msk [tilespmem:v22+s21+$0x0], $0xffff;
	_ =	sdelay $0x4  }
0x178: {  	v22 =	vmul.u32 $0x6E, v22;
	_ =	sdelay $0x1  }
0x179: {  	s13 =	sadd.s32 $0x400, s13;
	v22 =	vand.u32 $0x7E, v22  }
0x17a: {  	v23 =	vor.u32 s13, v22  }
0x17b: {  	v24 =	vadd.s32 v10, v23  }
0x17c: {  	v25 =	vld [tilespmem:s12+$0xFFFFFFC0];
	_ =	sdelay $0x3  }
0x17d: {  	v24 =	vld.idx.msk [tilespmem:v24+s2+$0x0], $0xffff  }
0x17e: {  	v25 =	vcvt.s32.f32 v25;
	_ =	sdelay $0x1  }
0x17f: {  	v26 =	vadd.f32 $-1.000000000e+00, v25;
	_ =	sdelay $0x1  }
0x180: {  	v59 =	vmul.f32 $1.000000000e+03, v26;
	v24 =	vmul.f32 v25, v24;
	_ =	sdelay $0x1  }
0x181: {  	v21 =	vld.idx.msk [tilespmem:v21+s21+$0x0], $0xffff;
	v24 =	vadd.f32 v59, v24  }
0x182: {  	v20 =	vld.idx.msk [tilespmem:v20+s21+$0x0], $0xffff  }
0x183: {  	v19 =	vld.idx.msk [tilespmem:v19+s21+$0x0], $0xffff;
	v23 =	vadd.s32 v11, v23;
	[tilespmem:s11+$0xFFFFFFC0] =	vst v24  }
0x184: {  	v24 =	vld [tilespmem:s12+$0xFFFFFFD0];
	_ =	sdelay $0x3  }
0x185: {  	v23 =	vld.idx.msk [tilespmem:v23+s2+$0x0], $0xffff  }
0x186: {  	v24 =	vcvt.s32.f32 v24;
	_ =	sdelay $0x1  }
0x187: {  	v60 =	vadd.f32 $-1.000000000e+00, v24  }
0x188: {  	v19 =	vmul.u32 $0x6E, v19  }
0x189: {  	v23 =	vmul.f32 v24, v23;
	v61 =	vmul.f32 $1.000000000e+03, v60  }
0x18a: {  	v19 =	vand.u32 $0x7E, v19  }
0x18b: {  	v22 =	vsel vm1, v22, v19;
	v23 =	vadd.f32 v61, v23  }
0x18c: {  	v22 =	vadd.s32 s13, v22  }
0x18d: {  	v22 =	vadd.s32 v12, v22;
	[tilespmem:s11+$0xFFFFFFD0] =	vst v23  }
0x18e: {  	v23 =	vld [tilespmem:s12+$0xFFFFFFE0];
	_ =	sdelay $0x3  }
0x18f: {  	v22 =	vld.idx.msk [tilespmem:v22+s2+$0x0], $0xffff  }
0x190: {  	v23 =	vcvt.s32.f32 v23;
	_ =	sdelay $0x1  }
0x191: {  	v62 =	vadd.f32 $-1.000000000e+00, v23;
	_ =	sdelay $0x1  }
0x192: {  	v22 =	vmul.f32 v23, v22;
	v23 =	vmul.f32 $1.000000000e+03, v62;
	_ =	sdelay $0x1  }
0x193: {  	v22 =	vadd.f32 v23, v22  }
0x194: {  	v23 =	vadd.s32 s13, v19  }
0x195: {  	v23 =	vadd.s32 v13, v23;
	[tilespmem:s11+$0xFFFFFFE0] =	vst v22  }
0x196: {  	v22 =	vld [tilespmem:s12+$0xFFFFFFF0];
	_ =	sdelay $0x3  }
0x197: {  	v23 =	vld.idx.msk [tilespmem:v23+s2+$0x0], $0xffff  }
0x198: {  	v22 =	vcvt.s32.f32 v22;
	_ =	sdelay $0x1  }
0x199: {  	v63 =	vadd.f32 $-1.000000000e+00, v22  }
0x19a: {  	v20 =	vmul.u32 $0x6E, v20  }
0x19b: {  	v22 =	vmul.f32 v22, v23;
	v23 =	vmul.f32 $1.000000000e+03, v63  }
0x19c: {  	v20 =	vand.u32 $0x7E, v20  }
0x19d: {  	v19 =	vsel vm0, v19, v20;
	v22 =	vadd.f32 v23, v22  }
0x19e: {  	v19 =	vadd.s32 s13, v19  }
0x19f: {  	v19 =	vadd.s32 v14, v19;
	[tilespmem:s11+$0xFFFFFFF0] =	vst v22  }
0x1a0: {  	v22 =	vld [tilespmem:s12+$0x0];
	_ =	sdelay $0x3  }
0x1a1: {  	v19 =	vld.idx.msk [tilespmem:v19+s2+$0x0], $0xffff  }
0x1a2: {  	v22 =	vcvt.s32.f32 v22;
	_ =	sdelay $0x1  }
0x1a3: {  	v23 =	vadd.f32 $-1.000000000e+00, v22;
	_ =	sdelay $0x1  }
0x1a4: {  	v19 =	vmul.f32 v22, v19;
	v22 =	vmul.f32 $1.000000000e+03, v23;
	_ =	sdelay $0x1  }
0x1a5: {  	v19 =	vadd.f32 v22, v19  }
0x1a6: {  	v22 =	vadd.s32 s13, v20  }
0x1a7: {  	v22 =	vadd.s32 v15, v22;
	[tilespmem:s11+$0x0] =	vst v19  }
0x1a8: {  	v19 =	vld [tilespmem:s12+$0x10];
	_ =	sdelay $0x3  }
0x1a9: {  	v22 =	vld.idx.msk [tilespmem:v22+s2+$0x0], $0xffff  }
0x1aa: {  	v19 =	vcvt.s32.f32 v19;
	_ =	sdelay $0x1  }
0x1ab: {  	v23 =	vadd.f32 $-1.000000000e+00, v19  }
0x1ac: {  	v21 =	vmul.u32 $0x6E, v21  }
0x1ad: {  	v19 =	vmul.f32 v19, v22;
	v22 =	vmul.f32 $1.000000000e+03, v23  }
0x1ae: {  	v21 =	vand.u32 $0x7E, v21  }
0x1af: {  	v20 =	vsel vm2, v20, v21;
	v19 =	vadd.f32 v22, v19  }
0x1b0: {  	v20 =	vadd.s32 s13, v20  }
0x1b1: {  	v20 =	vadd.s32 v16, v20;
	[tilespmem:s11+$0x10] =	vst v19  }
0x1b2: {  	v19 =	vld [tilespmem:s12+$0x20];
	_ =	sdelay $0x3  }
0x1b3: {  	v20 =	vld.idx.msk [tilespmem:v20+s2+$0x0], $0xffff  }
0x1b4: {  	v19 =	vcvt.s32.f32 v19;
	_ =	sdelay $0x1  }
0x1b5: {  	v22 =	vadd.f32 $-1.000000000e+00, v19;
	_ =	sdelay $0x1  }
0x1b6: {  	v19 =	vmul.f32 v19, v20;
	v20 =	vmul.f32 $1.000000000e+03, v22;
	_ =	sdelay $0x1  }
0x1b7: {  	v21 =	vor.u32 s13, v21;
	v19 =	vadd.f32 v20, v19  }
0x1b8: {  	v20 =	vor.u32 $0x300, v21  }
0x1b9: {  	v21 =	vadd.s32 v17, v20;
	[tilespmem:s11+$0x20] =	vst v19  }
0x1ba: {  	v19 =	vld [tilespmem:s12+$0x30];
	_ =	sdelay $0x3  }
0x1bb: {  	v21 =	vld.idx.msk [tilespmem:v21+s2+$0x0], $0xffff  }
0x1bc: {  	v19 =	vcvt.s32.f32 v19;
	_ =	sdelay $0x1  }
0x1bd: {  	v22 =	vadd.f32 $-1.000000000e+00, v19;
	_ =	sdelay $0x1  }
0x1be: {  	v19 =	vmul.f32 v19, v21;
	v21 =	vmul.f32 $1.000000000e+03, v22;
	_ =	sdelay $0x1  }
0x1bf: {  	v19 =	vadd.f32 v21, v19  }
0x1c0: {  	s10 =	sadd.s32 $0x90, s10  }
0x1c1: {  	s10 =	sand.u32 $0x3FF0, s10;
	v20 =	vadd.s32 v18, v20;
	[tilespmem:s11+$0x30] =	vst v19  }
0x1c2: {  	v19 =	vld [tilespmem:s10+$0x14B80];
	_ =	sdelay $0x3  }
0x1c3: {  	v20 =	vld.idx.msk [tilespmem:v20+s2+$0x0], $0xffff  }
0x1c4: {  	v19 =	vcvt.s32.f32 v19;
	_ =	sdelay $0x1  }
0x1c5: {  	v21 =	vadd.f32 $-1.000000000e+00, v19;
	_ =	sdelay $0x1  }
0x1c6: {  	v19 =	vmul.f32 v19, v20;
	v20 =	vmul.f32 $1.000000000e+03, v21;
	_ =	sdelay $0x1  }
0x1c7: {  	v19 =	vadd.f32 v20, v19;
	_ =	sdelay $0x1  }
0x1c8: {  	s25 =	simm.s32 $0x0;
	s26 =	rddreg [dreg:$0xe];
	[tilespmem:s10+$0x1B880] =	vst v19  }
0x1c9: {  	[hbm4b:s26+s25] =	stream.linear.scatter [tilespmem:s5], [sflag:$0x2], $0x100, $0x38;
	[tilespmem:$0x1DE00] =	vst v63  }
0x1ca: {  	_ =	swait.ge [sflag:s22], $0x100  }
0x1cb: {  	[sflag:s22] =	ssyncset.done $0x0  }
0x1cc: {  	s12 =	rddreg [dreg:$0xf];
	[sflag:s22] =	ssyncadd.s32 $0xFFFFFF00  }
0x1cd: {  	[hbm4b:s12+s25] =	stream.linear.scatter [tilespmem:s6], [sflag:$0x2], $0x4800, $0x38;
	[tilespmem:$0x1DE00] =	vst v63  }
0x1ce: {  	_ =	swait.ge [sflag:s22], $0x4800  }
0x1cf: {  	[sflag:s22] =	ssyncset.done $0x0  }
0x1d0: {  	s13 =	rddreg [dreg:$0x10];
	[sflag:s22] =	ssyncadd.s32 $0xFFFFB800  }
0x1d1: {  	[hbm4b:s13+s25] =	stream.linear.scatter [tilespmem:s7], [sflag:$0x2], $0x2400, $0x38;
	[tilespmem:$0x1DE00] =	vst v63  }
0x1d2: {  	_ =	swait.ge [sflag:s22], $0x2400  }
0x1d3: {  	[sflag:s22] =	ssyncset.done $0x0  }
0x1d4: {  	s14 =	rddreg [dreg:$0x11];
	[sflag:s22] =	ssyncadd.s32 $0xFFFFDC00  }
0x1d5: {  	[hbm4b:s14+s25] =	stream.linear.scatter [tilespmem:s8], [sflag:$0x2], $0x100, $0x38;
	[tilespmem:$0x1DE00] =	vst v63  }
0x1d6: {  	_ =	swait.ge [sflag:s22], $0x100  }
0x1d7: {  	v19 =	vor.u32 s25, v0;
	[sflag:s22] =	ssyncset.done $0x0  }
0x1d8: {  	v19 =	vshrl.u32 v19, $0x1;
	s15 =	rddreg [dreg:$0x12];
	[sflag:s22] =	ssyncadd.s32 $0xFFFFFF00  }
0x1d9: {  	[tilespmem:s21], [sflag:$0x2] =	stream.linear.gather [hbm4b:s15+s25], $0x100, $0x38;
	[tilespmem:$0x1DE00] =	vst v63  }
0x1da: {  	_ =	swait.ge [sflag:s22], $0x100  }
0x1db: {  	[sflag:s22] =	ssyncset.done $0x0  }
0x1dc: {  	[sflag:s22] =	ssyncadd.s32 $0xFFFFFF00  }
0x1dd: {  	v19 =	vld.idx.msk [tilespmem:v19+s21+$0x0], $0xffff;
	_ =	sdelay $0x4  }
0x1de: {  	s25 =	simm.s32 $0x10;
	v19 =	vmul.u32 $0x6E, v19  }
0x1df: {  	v20 =	vor.u32 s25, v0  }
0x1e0: {  	v20 =	vshrl.u32 v20, $0x1;
	v19 =	vshra.s32 v19, $0x7  }
0x1e1: {  	v19 =	vadd.s32 v1, v19  }
0x1e2: {  	vm3 =	vlt.s32 v19, $0x29F62  }
0x1e3: {  	s10 =	simm.s32 $0x10100;
	v19 =	vnsel vm3, $0x29F62, v19  }
0x1e4: {  	[tilespmem:s10+$0x0] =	vst v19  }
0x1e5: {  	v19 =	vld.idx.msk [tilespmem:v20+s21+$0x0], $0xffff;
	_ =	sdelay $0x4  }
0x1e6: {  	s26 =	simm.s32 $0x20;
	v19 =	vmul.u32 $0x6E, v19  }
0x1e7: {  	s11 =	simm.s32 $0x30;
	v20 =	vor.u32 s26, v0  }
.LBB2_10:
0x1e8: {  	p0 =	sne.s32 s11, $0x1F0;
	v20 =	vshrl.u32 v20, $0x1;
	v19 =	vshra.s32 v19, $0x7  }
0x1e9: {  	v19 =	vadd.s32 v1, v19  }
0x1ea: {  	vm3 =	vlt.s32 v19, $0x29F62  }
0x1eb: {  	s10 =	sadd.s32 $0x10, s10;
	v19 =	vnsel vm3, $0x29F62, v19  }
0x1ec: {  	[tilespmem:s10+$0x0] =	vst v19  }
0x1ed: {  	v19 =	vld.idx.msk [tilespmem:v20+s21+$0x0], $0xffff;
	_ =	sdelay $0x2  }
.Ltmp4:
0x1ee: {  	(pc) =	sbr.rel @p0 .LBB2_10-.Ltmp4, $3  }
0x1ef: {  	_ =	sdelay $0x1  }
0x1f0: {  	v19 =	vmul.u32 $0x6E, v19  }
0x1f1: {  	v20 =	vor.u32 s11, v0;
	s11 =	sadd.s32 $0x10, s11  }
0x1f2: {  	v20 =	vshrl.u32 v20, $0x1;
	v19 =	vshra.s32 v19, $0x7  }
0x1f3: {  	v19 =	vadd.s32 v1, v19  }
0x1f4: {  	vm3 =	vlt.s32 v19, $0x29F62  }
0x1f5: {  	s10 =	sadd.s32 $0x10, s10;
	v19 =	vnsel vm3, $0x29F62, v19  }
0x1f6: {  	[tilespmem:s10+$0x0] =	vst v19  }
0x1f7: {  	v19 =	vld.idx.msk [tilespmem:v20+s21+$0x0], $0xffff;
	_ =	sdelay $0x4  }
0x1f8: {  	v19 =	vmul.u32 $0x6E, v19;
	_ =	sdelay $0x1  }
0x1f9: {  	v19 =	vshra.s32 v19, $0x7  }
0x1fa: {  	v19 =	vadd.s32 v1, v19  }
0x1fb: {  	vm3 =	vlt.s32 v19, $0x29F62  }
0x1fc: {  	s10 =	sadd.s32 $0x10, s10;
	v19 =	vnsel vm3, $0x29F62, v19  }
0x1fd: {  	s11 =	simm.s32 $0x0;
	[tilespmem:s10+$0x0] =	vst v19  }
0x1fe: {  	[tilespmem:s11], [sflag:$0x1] =	stream.indirect.gather [hbm4b:s0+s23], $0x80, s24, s23, $0xb8;
	[tilespmem:$0x1DE00] =	vst v63  }
0x1ff: {  	s14 =	simm.s32 $0x10180;
	s12 =	simm.s32 $0x4000  }
0x200: {  	[tilespmem:s12], [sflag:$0x1] =	stream.indirect.gather [hbm4b:s0+s23], $0x80, s14, s23, $0xb8;
	[tilespmem:$0x1DE00] =	vst v63  }
0x201: {  	_ = 	snop  }
0x202: {  	[tilespmem:s29], [sflag:$0x1] =	stream.indirect.gather [hbm4b:s0+s23], $0x80, s28, s23, $0xb8;
	[tilespmem:$0x1DE00] =	vst v63  }
0x203: {  	_ = 	snop  }
0x204: {  	[tilespmem:s31], [sflag:$0x1] =	stream.indirect.gather [hbm4b:s0+s23], $0x80, s30, s23, $0xb8;
	[tilespmem:$0x1DE00] =	vst v63  }
0x205: {  	s15 =	rddreg [dreg:$0x13];
	s10 =	simm.s32 $0x16F00  }
0x206: {  	[tilespmem:s10], [sflag:$0x2] =	stream.linear.gather [hbm4b:s15+s11], $0x100, $0x38;
	[tilespmem:$0x1DE00] =	vst v63  }
0x207: {  	_ =	swait.ge [sflag:s22], $0x100  }
0x208: {  	[sflag:s22] =	ssyncset.done $0x0  }
0x209: {  	s25 =	rddreg [dreg:$0x14];
	[sflag:s22] =	ssyncadd.s32 $0xFFFFFF00  }
0x20a: {  	[tilespmem:s1], [sflag:$0x2] =	stream.linear.gather [hbm4b:s25+s11], $0x4800, $0x38;
	[tilespmem:$0x1DE00] =	vst v63  }
0x20b: {  	_ =	swait.ge [sflag:s22], $0x4800  }
0x20c: {  	[sflag:s22] =	ssyncset.done $0x0  }
0x20d: {  	s26 =	rddreg [dreg:$0x15];
	[sflag:s22] =	ssyncadd.s32 $0xFFFFB800  }
0x20e: {  	[tilespmem:s3], [sflag:$0x2] =	stream.linear.gather [hbm4b:s26+s11], $0x2400, $0x38;
	[tilespmem:$0x1DE00] =	vst v63  }
0x20f: {  	_ =	swait.ge [sflag:s22], $0x2400  }
0x210: {  	[sflag:s22] =	ssyncset.done $0x0  }
0x211: {  	[sflag:s22] =	ssyncadd.s32 $0xFFFFDC00  }
0x212: {  	_ =	swait.ge [sflag:s4], $0x4000  }
0x213: {  	[sflag:s4] =	ssyncset.done $0x0  }
0x214: {  	[sflag:s4] =	ssyncadd.s32 $0xFFFFC000  }
0x215: {  	_ =	swait.ge [sflag:s4], $0x4000  }
0x216: {  	[sflag:s4] =	ssyncset.done $0x0  }
0x217: {  	[sflag:s4] =	ssyncadd.s32 $0xFFFFC000  }
0x218: {  	_ =	swait.ge [sflag:s4], $0x4000  }
0x219: {  	[sflag:s4] =	ssyncset.done $0x0  }
0x21a: {  	[sflag:s4] =	ssyncadd.s32 $0xFFFFC000  }
0x21b: {  	_ =	swait.ge [sflag:s4], $0x4000  }
0x21c: {  	s13 =	simm.s32 $0x1DD00;
	[sflag:s4] =	ssyncset.done $0x0  }
0x21d: {  	s12 =	simm.s32 $0x1DC00;
	s14 =	simm.s32 $0x0;
	[sflag:s4] =	ssyncadd.s32 $0xFFFFC000  }
.LBB2_12:
0x21e: {  	v19 =	vor.u32 s14, v0;
	_ =	sdelay $0x4  }
0x21f: {  	v20 =	vld.idx.msk [tilespmem:v19+s21+$0x0], $0xffff;
	_ =	sdelay $0x4  }
0x220: {  	v20 =	vmul.u32 $0x6E, v20;
	_ =	sdelay $0x1  }
0x221: {  	v19 =	vshll.u32 v19, $0x8;
	v20 =	vand.u32 $0x7E, v20  }
0x222: {  	v19 =	vor.u32 v19, v20  }
0x223: {  	v20 =	vld [tilespmem:s10+$0x0];
	_ =	sdelay $0x3  }
0x224: {  	v21 =	vld.idx.msk [tilespmem:v19+s11+$0x0], $0xffff  }
0x225: {  	v20 =	vcvt.s32.f32 v20;
	_ =	sdelay $0x1  }
0x226: {  	v22 =	vadd.f32 $-1.000000000e+00, v20;
	_ =	sdelay $0x1  }
0x227: {  	v19 =	vadd.s32 $0x6D, v19;
	v63 =	vmul.f32 $1.000000000e+03, v22;
	v20 =	vmul.f32 v20, v21;
	_ =	sdelay $0x1  }
0x228: {  	v20 =	vadd.f32 v63, v20;
	_ =	sdelay $0x1  }
0x229: {  	[tilespmem:s12+$0x0] =	vst v20  }
0x22a: {  	p0 =	sne.s32 s14, $0xF0;
	v19 =	vld.idx.msk [tilespmem:v19+s11+$0x0], $0xffff  }
.Ltmp5:
0x22b: {  	_ = 	snop;
	(pc) =	sbr.rel @p0 .LBB2_12-.Ltmp5, $3  }
0x22c: {  	_ =	sdelay $0x1  }
0x22d: {  	s14 =	sadd.s32 $0x10, s14  }
0x22e: {  	s10 =	sadd.s32 $0x10, s10;
	s12 =	sadd.s32 $0x10, s12;
	[tilespmem:s13+$0x0] =	vst v19;
	s13 =	sadd.s32 $0x10, s13  }
0x22f: {  	s12 =	simm.s32 $0x10340  }
0x230: {  	s13 =	simm.s32 $0x17040;
	s14 =	simm.s32 $0x0;
	s25 =	simm.s32 $0x0  }
.LBB2_14:
0x231: {  	v19 =	vmov s25;
	_ =	sdelay $0x4  }
0x232: {  	v20 =	vld.idx.msk [tilespmem:v19+s21+$0x0], $0xffff;
	_ =	sdelay $0x4  }
0x233: {  	v20 =	vmul.u32 $0x6E, v20;
	_ =	sdelay $0x1  }
0x234: {  	v20 =	vand.u32 $0x7E, v20  }
0x235: {  	v21 =	vor.u32 s11, v20  }
0x236: {  	v21 =	vor.u32 $0x1, v21  }
0x237: {  	v22 =	vadd.s32 v0, v21  }
0x238: {  	v23 =	vld [tilespmem:s12+$0xFFFFFFC0];
	_ =	sdelay $0x2  }
0x239: {  	s10 =	simm.s32 $0x0  }
0x23a: {  	v22 =	vld.idx.msk [tilespmem:v22+s10+$0x0], $0xffff  }
0x23b: {  	v23 =	vcvt.s32.f32 v23;
	_ =	sdelay $0x1  }
0x23c: {  	v24 =	vadd.f32 $-1.000000000e+00, v23  }
0x23d: {  	v19 =	vor.u32 $0x1, v19  }
0x23e: {  	v41 =	vmul.f32 $1.000000000e+03, v24;
	v22 =	vmul.f32 v23, v22;
	_ =	sdelay $0x1  }
0x23f: {  	v22 =	vadd.f32 v41, v22;
	_ =	sdelay $0x1  }
0x240: {  	v19 =	vld.idx.msk [tilespmem:v19+s21+$0x0], $0xffff;
	v42 =	vadd.s32 v2, v21;
	[tilespmem:s13+$0xFFFFFFC0] =	vst v22  }
0x241: {  	v43 =	vld [tilespmem:s12+$0xFFFFFFD0];
	_ =	sdelay $0x3  }
0x242: {  	v22 =	vld.idx.msk [tilespmem:v42+s10+$0x0], $0xffff  }
0x243: {  	v23 =	vcvt.s32.f32 v43;
	_ =	sdelay $0x1  }
0x244: {  	v44 =	vadd.f32 $-1.000000000e+00, v23;
	_ =	sdelay $0x1  }
0x245: {  	v22 =	vmul.f32 v23, v22;
	v45 =	vmul.f32 $1.000000000e+03, v44;
	_ =	sdelay $0x1  }
0x246: {  	v22 =	vadd.f32 v45, v22;
	_ =	sdelay $0x1  }
0x247: {  	v46 =	vadd.s32 v3, v21;
	[tilespmem:s13+$0xFFFFFFD0] =	vst v22  }
0x248: {  	v47 =	vld [tilespmem:s12+$0xFFFFFFE0];
	_ =	sdelay $0x3  }
0x249: {  	v22 =	vld.idx.msk [tilespmem:v46+s10+$0x0], $0xffff  }
0x24a: {  	v23 =	vcvt.s32.f32 v47;
	_ =	sdelay $0x1  }
0x24b: {  	v48 =	vadd.f32 $-1.000000000e+00, v23;
	_ =	sdelay $0x1  }
0x24c: {  	v22 =	vmul.f32 v23, v22;
	v49 =	vmul.f32 $1.000000000e+03, v48;
	_ =	sdelay $0x1  }
0x24d: {  	v22 =	vadd.f32 v49, v22;
	_ =	sdelay $0x1  }
0x24e: {  	v21 =	vadd.s32 v4, v21;
	[tilespmem:s13+$0xFFFFFFE0] =	vst v22  }
0x24f: {  	v22 =	vld [tilespmem:s12+$0xFFFFFFF0];
	_ =	sdelay $0x3  }
0x250: {  	v21 =	vld.idx.msk [tilespmem:v21+s10+$0x0], $0xffff  }
0x251: {  	v22 =	vcvt.s32.f32 v22;
	_ =	sdelay $0x1  }
0x252: {  	v50 =	vadd.f32 $-1.000000000e+00, v22  }
0x253: {  	v19 =	vmul.u32 $0x6E, v19  }
0x254: {  	v21 =	vmul.f32 v22, v21;
	v51 =	vmul.f32 $1.000000000e+03, v50  }
0x255: {  	v19 =	vand.u32 $0x7E, v19  }
0x256: {  	v20 =	vsel vm0, v20, v19;
	v21 =	vadd.f32 v51, v21  }
0x257: {  	v20 =	vadd.s32 s11, v20  }
0x258: {  	v20 =	vadd.s32 v5, v20;
	[tilespmem:s13+$0xFFFFFFF0] =	vst v21  }
0x259: {  	v21 =	vld [tilespmem:s12+$0x0];
	_ =	sdelay $0x3  }
0x25a: {  	v20 =	vld.idx.msk [tilespmem:v20+s10+$0x0], $0xffff  }
0x25b: {  	v21 =	vcvt.s32.f32 v21;
	_ =	sdelay $0x1  }
0x25c: {  	v52 =	vadd.f32 $-1.000000000e+00, v21;
	_ =	sdelay $0x1  }
0x25d: {  	v20 =	vmul.f32 v21, v20;
	v53 =	vmul.f32 $1.000000000e+03, v52;
	_ =	sdelay $0x1  }
0x25e: {  	v19 =	vor.u32 s11, v19;
	v20 =	vadd.f32 v53, v20  }
0x25f: {  	v19 =	vor.u32 $0x101, v19  }
0x260: {  	[tilespmem:s13+$0x0] =	vst v20;
	v20 =	vadd.s32 v6, v19  }
0x261: {  	v54 =	vld [tilespmem:s12+$0x10];
	_ =	sdelay $0x3  }
0x262: {  	v20 =	vld.idx.msk [tilespmem:v20+s10+$0x0], $0xffff  }
0x263: {  	v21 =	vcvt.s32.f32 v54;
	_ =	sdelay $0x1  }
0x264: {  	v55 =	vadd.f32 $-1.000000000e+00, v21;
	_ =	sdelay $0x1  }
0x265: {  	v20 =	vmul.f32 v21, v20;
	v56 =	vmul.f32 $1.000000000e+03, v55;
	_ =	sdelay $0x1  }
0x266: {  	v20 =	vadd.f32 v56, v20;
	_ =	sdelay $0x1  }
0x267: {  	[tilespmem:s13+$0x10] =	vst v20;
	v20 =	vadd.s32 v7, v19  }
0x268: {  	v57 =	vld [tilespmem:s12+$0x20];
	_ =	sdelay $0x3  }
0x269: {  	v20 =	vld.idx.msk [tilespmem:v20+s10+$0x0], $0xffff  }
0x26a: {  	v21 =	vcvt.s32.f32 v57;
	_ =	sdelay $0x1  }
0x26b: {  	v58 =	vadd.f32 $-1.000000000e+00, v21;
	_ =	sdelay $0x1  }
0x26c: {  	v20 =	vmul.f32 v21, v20;
	v59 =	vmul.f32 $1.000000000e+03, v58;
	_ =	sdelay $0x1  }
0x26d: {  	v20 =	vadd.f32 v59, v20;
	_ =	sdelay $0x1  }
0x26e: {  	[tilespmem:s13+$0x20] =	vst v20;
	v20 =	vadd.s32 v8, v19  }
0x26f: {  	v60 =	vld [tilespmem:s12+$0x30];
	_ =	sdelay $0x3  }
0x270: {  	v20 =	vld.idx.msk [tilespmem:v20+s10+$0x0], $0xffff  }
0x271: {  	v21 =	vcvt.s32.f32 v60;
	_ =	sdelay $0x1  }
0x272: {  	v61 =	vadd.f32 $-1.000000000e+00, v21;
	_ =	sdelay $0x1  }
0x273: {  	v20 =	vmul.f32 v21, v20;
	v62 =	vmul.f32 $1.000000000e+03, v61;
	_ =	sdelay $0x1  }
0x274: {  	v20 =	vadd.f32 v62, v20;
	_ =	sdelay $0x1  }
0x275: {  	s15 =	sand.u32 $0x7FF0, s14;
	v19 =	vadd.s32 v9, v19;
	[tilespmem:s13+$0x30] =	vst v20  }
0x276: {  	v20 =	vld [tilespmem:s15+$0x10380];
	_ =	sdelay $0x3  }
0x277: {  	v19 =	vld.idx.msk [tilespmem:v19+s10+$0x0], $0xffff  }
0x278: {  	v20 =	vcvt.s32.f32 v20;
	_ =	sdelay $0x1  }
0x279: {  	v63 =	vadd.f32 $-1.000000000e+00, v20  }
0x27a: {  	p0 =	sne.s32 s25, $0xFE  }
.Ltmp6:
0x27b: {  	v19 =	vmul.f32 v20, v19;
	v20 =	vmul.f32 $1.000000000e+03, v63;
	(pc) =	sbr.rel @p0 .LBB2_14-.Ltmp6, $4  }
0x27c: {  	_ = 	snop  }
0x27d: {  	v19 =	vadd.f32 v20, v19  }
0x27e: {  	s14 =	sadd.s32 $0x90, s14;
	s25 =	sadd.s32 $0x2, s25  }
0x27f: {  	s11 =	sadd.s32 $0x200, s11;
	s12 =	sadd.s32 $0x90, s12;
	s13 =	sadd.s32 $0x90, s13;
	[tilespmem:s15+$0x17080] =	vst v19  }
0x280: {  	v19 =	vmov s10;
	_ =	sdelay $0x4  }
0x281: {  	v20 =	vld.idx.msk [tilespmem:v19+s21+$0x0], $0xffff;
	_ =	sdelay $0x4  }
0x282: {  	v20 =	vmul.u32 $0x6E, v20;
	_ =	sdelay $0x1  }
0x283: {  	v20 =	vand.u32 $0x7E, v20  }
0x284: {  	v21 =	vor.u32 s10, v20  }
0x285: {  	s11 =	simm.s32 $0x14B40;
	v22 =	vadd.s32 v10, v21  }
0x286: {  	v23 =	vld [tilespmem:s11+$0xFFFFFFC0];
	_ =	sdelay $0x3  }
0x287: {  	v22 =	vld.idx.msk [tilespmem:v22+s2+$0x0], $0xffff  }
0x288: {  	v23 =	vcvt.s32.f32 v23  }
0x289: {  	v24 =	vor.u32 $0x3, v19  }
0x28a: {  	v25 =	vor.u32 $0x2, v19;
	v26 =	vadd.f32 $-1.000000000e+00, v23  }
0x28b: {  	v19 =	vor.u32 $0x1, v19  }
0x28c: {  	v22 =	vmul.f32 v23, v22;
	v23 =	vmul.f32 $1.000000000e+03, v26;
	_ =	sdelay $0x1  }
0x28d: {  	v24 =	vld.idx.msk [tilespmem:v24+s21+$0x0], $0xffff;
	v22 =	vadd.f32 v23, v22  }
0x28e: {  	s12 =	simm.s32 $0x1B840;
	v25 =	vld.idx.msk [tilespmem:v25+s21+$0x0], $0xffff  }
0x28f: {  	v19 =	vld.idx.msk [tilespmem:v19+s21+$0x0], $0xffff;
	v21 =	vadd.s32 v11, v21;
	[tilespmem:s12+$0xFFFFFFC0] =	vst v22  }
0x290: {  	v22 =	vld [tilespmem:s11+$0xFFFFFFD0];
	_ =	sdelay $0x3  }
0x291: {  	v21 =	vld.idx.msk [tilespmem:v21+s2+$0x0], $0xffff  }
0x292: {  	v22 =	vcvt.s32.f32 v22;
	_ =	sdelay $0x1  }
0x293: {  	v23 =	vadd.f32 $-1.000000000e+00, v22  }
0x294: {  	v19 =	vmul.u32 $0x6E, v19  }
0x295: {  	v21 =	vmul.f32 v22, v21;
	v22 =	vmul.f32 $1.000000000e+03, v23  }
0x296: {  	v19 =	vand.u32 $0x7E, v19  }
0x297: {  	v20 =	vsel vm1, v20, v19;
	v21 =	vadd.f32 v22, v21  }
0x298: {  	v20 =	vadd.s32 s10, v20  }
0x299: {  	v20 =	vadd.s32 v12, v20;
	[tilespmem:s12+$0xFFFFFFD0] =	vst v21  }
0x29a: {  	v21 =	vld [tilespmem:s11+$0xFFFFFFE0];
	_ =	sdelay $0x3  }
0x29b: {  	v20 =	vld.idx.msk [tilespmem:v20+s2+$0x0], $0xffff  }
0x29c: {  	v21 =	vcvt.s32.f32 v21;
	_ =	sdelay $0x1  }
0x29d: {  	v22 =	vadd.f32 $-1.000000000e+00, v21;
	_ =	sdelay $0x1  }
0x29e: {  	v20 =	vmul.f32 v21, v20;
	v21 =	vmul.f32 $1.000000000e+03, v22;
	_ =	sdelay $0x1  }
0x29f: {  	v20 =	vadd.f32 v21, v20  }
0x2a0: {  	v21 =	vadd.s32 s10, v19  }
0x2a1: {  	v21 =	vadd.s32 v13, v21;
	[tilespmem:s12+$0xFFFFFFE0] =	vst v20  }
0x2a2: {  	v20 =	vld [tilespmem:s11+$0xFFFFFFF0];
	_ =	sdelay $0x3  }
0x2a3: {  	v21 =	vld.idx.msk [tilespmem:v21+s2+$0x0], $0xffff  }
0x2a4: {  	v20 =	vcvt.s32.f32 v20;
	_ =	sdelay $0x1  }
0x2a5: {  	v22 =	vadd.f32 $-1.000000000e+00, v20  }
0x2a6: {  	v23 =	vmul.u32 $0x6E, v25  }
0x2a7: {  	v20 =	vmul.f32 v20, v21;
	v21 =	vmul.f32 $1.000000000e+03, v22  }
0x2a8: {  	v22 =	vand.u32 $0x7E, v23  }
0x2a9: {  	v19 =	vsel vm0, v19, v22;
	v20 =	vadd.f32 v21, v20  }
0x2aa: {  	v19 =	vadd.s32 s10, v19  }
0x2ab: {  	v19 =	vadd.s32 v14, v19;
	[tilespmem:s12+$0xFFFFFFF0] =	vst v20  }
0x2ac: {  	v20 =	vld [tilespmem:s11+$0x0];
	_ =	sdelay $0x3  }
0x2ad: {  	v19 =	vld.idx.msk [tilespmem:v19+s2+$0x0], $0xffff  }
0x2ae: {  	v20 =	vcvt.s32.f32 v20;
	_ =	sdelay $0x1  }
0x2af: {  	v21 =	vadd.f32 $-1.000000000e+00, v20;
	_ =	sdelay $0x1  }
0x2b0: {  	v19 =	vmul.f32 v20, v19;
	v20 =	vmul.f32 $1.000000000e+03, v21;
	_ =	sdelay $0x1  }
0x2b1: {  	v19 =	vadd.f32 v20, v19  }
0x2b2: {  	v20 =	vadd.s32 s10, v22  }
0x2b3: {  	v20 =	vadd.s32 v15, v20;
	[tilespmem:s12+$0x0] =	vst v19  }
0x2b4: {  	v19 =	vld [tilespmem:s11+$0x10];
	_ =	sdelay $0x3  }
0x2b5: {  	v20 =	vld.idx.msk [tilespmem:v20+s2+$0x0], $0xffff  }
0x2b6: {  	v19 =	vcvt.s32.f32 v19;
	_ =	sdelay $0x1  }
0x2b7: {  	v21 =	vadd.f32 $-1.000000000e+00, v19  }
0x2b8: {  	v23 =	vmul.u32 $0x6E, v24  }
0x2b9: {  	v19 =	vmul.f32 v19, v20;
	v20 =	vmul.f32 $1.000000000e+03, v21  }
0x2ba: {  	v21 =	vand.u32 $0x7E, v23  }
0x2bb: {  	v22 =	vsel vm2, v22, v21;
	v19 =	vadd.f32 v20, v19  }
0x2bc: {  	v20 =	vadd.s32 s10, v22  }
0x2bd: {  	v20 =	vadd.s32 v16, v20;
	[tilespmem:s12+$0x10] =	vst v19  }
0x2be: {  	v19 =	vld [tilespmem:s11+$0x20];
	_ =	sdelay $0x3  }
0x2bf: {  	v20 =	vld.idx.msk [tilespmem:v20+s2+$0x0], $0xffff  }
0x2c0: {  	v19 =	vcvt.s32.f32 v19;
	_ =	sdelay $0x1  }
0x2c1: {  	v22 =	vadd.f32 $-1.000000000e+00, v19;
	_ =	sdelay $0x1  }
0x2c2: {  	v19 =	vmul.f32 v19, v20;
	v20 =	vmul.f32 $1.000000000e+03, v22;
	_ =	sdelay $0x1  }
0x2c3: {  	v21 =	vor.u32 s10, v21;
	v19 =	vadd.f32 v20, v19  }
0x2c4: {  	v20 =	vor.u32 $0x300, v21  }
0x2c5: {  	v21 =	vadd.s32 v17, v20;
	[tilespmem:s12+$0x20] =	vst v19  }
0x2c6: {  	v19 =	vld [tilespmem:s11+$0x30];
	_ =	sdelay $0x3  }
0x2c7: {  	v21 =	vld.idx.msk [tilespmem:v21+s2+$0x0], $0xffff  }
0x2c8: {  	v19 =	vcvt.s32.f32 v19;
	_ =	sdelay $0x1  }
0x2c9: {  	v22 =	vadd.f32 $-1.000000000e+00, v19;
	_ =	sdelay $0x1  }
0x2ca: {  	v19 =	vmul.f32 v19, v21;
	v21 =	vmul.f32 $1.000000000e+03, v22;
	_ =	sdelay $0x1  }
0x2cb: {  	v19 =	vadd.f32 v21, v19;
	_ =	sdelay $0x1  }
0x2cc: {  	s26 =	sand.u32 $0x3FF0, s10;
	v20 =	vadd.s32 v18, v20;
	[tilespmem:s12+$0x30] =	vst v19  }
0x2cd: {  	v19 =	vld [tilespmem:s26+$0x14B80];
	_ =	sdelay $0x3  }
0x2ce: {  	v20 =	vld.idx.msk [tilespmem:v20+s2+$0x0], $0xffff  }
0x2cf: {  	v19 =	vcvt.s32.f32 v19;
	_ =	sdelay $0x1  }
0x2d0: {  	v21 =	vadd.f32 $-1.000000000e+00, v19  }
0x2d1: {  	s25 =	simm.s32 $0x4  }
0x2d2: {  	v22 =	vmov s25;
	v23 =	vmul.f32 v19, v20;
	v63 =	vmul.f32 $1.000000000e+03, v21  }
0x2d3: {  	s15 =	simm.s32 $0x8;
	v19 =	vor.u32 $0x1, v22  }
0x2d4: {  	s13 =	simm.s32 $0x0;
	s11 =	simm.s32 $0x1B8D0;
	s12 =	simm.s32 $0x14BD0;
	v20 =	vor.u32 $0x2, v22;
	v21 =	vor.u32 $0x3, v22;
	v23 =	vadd.f32 v63, v23  }
.LBB2_16:
0x2d5: {  	s10 =	sadd.s32 $0x90, s10  }
0x2d6: {  	[tilespmem:s26+$0x1B880] =	vst v23;
	s13 =	sadd.s32 $0x400, s13;
	s25 =	smov.u32 s15;
	s14 =	sadd.s32 $0x4, s15  }
0x2d7: {  	p0 =	sne.s32 s15, $0xFC;
	v22 =	vld.idx.msk [tilespmem:v22+s21+$0x0], $0xffff;
	_ =	sdelay $0x5  }
0x2d8: {  	v22 =	vmul.u32 $0x6E, v22;
	_ =	sdelay $0x1  }
0x2d9: {  	v22 =	vand.u32 $0x7E, v22  }
0x2da: {  	v23 =	vor.u32 s13, v22  }
0x2db: {  	v24 =	vadd.s32 v10, v23;
	_ =	sdelay $0x1  }
0x2dc: {  	v25 =	vld [tilespmem:s12+$0xFFFFFFC0];
	_ =	sdelay $0x2  }
0x2dd: {  	v24 =	vld.idx.msk [tilespmem:v24+s2+$0x0], $0xffff;
	_ =	sdelay $0x1  }
0x2de: {  	v25 =	vcvt.s32.f32 v25;
	_ =	sdelay $0x1  }
0x2df: {  	v26 =	vadd.f32 $-1.000000000e+00, v25;
	_ =	sdelay $0x1  }
0x2e0: {  	v24 =	vmul.f32 v25, v24;
	v25 =	vmul.f32 $1.000000000e+03, v26  }
0x2e1: {  	v21 =	vld.idx.msk [tilespmem:v21+s21+$0x0], $0xffff  }
0x2e2: {  	v20 =	vld.idx.msk [tilespmem:v20+s21+$0x0], $0xffff;
	v24 =	vadd.f32 v25, v24  }
0x2e3: {  	v23 =	vadd.s32 v11, v23;
	v19 =	vld.idx.msk [tilespmem:v19+s21+$0x0], $0xffff  }
0x2e4: {  	[tilespmem:s11+$0xFFFFFFC0] =	vst v24  }
0x2e5: {  	v24 =	vld [tilespmem:s12+$0xFFFFFFD0];
	_ =	sdelay $0x1  }
0x2e6: {  	v21 =	vmul.u32 $0x6E, v21  }
0x2e7: {  	v20 =	vmul.u32 $0x6E, v20;
	v23 =	vld.idx.msk [tilespmem:v23+s2+$0x0], $0xffff  }
0x2e8: {  	v19 =	vmul.u32 $0x6E, v19  }
0x2e9: {  	v24 =	vcvt.s32.f32 v24  }
0x2ea: {  	v25 =	vand.u32 $0x7E, v19;
	v19 =	vand.u32 $0x7E, v20;
	v20 =	vand.u32 $0x7E, v21  }
0x2eb: {  	v22 =	vsel vm1, v22, v25;
	v26 =	vsel vm0, v25, v19;
	v21 =	vadd.f32 $-1.000000000e+00, v24  }
0x2ec: {  	v27 =	vadd.s32 s13, v19;
	v22 =	vadd.s32 s13, v22;
	v26 =	vadd.s32 s13, v26  }
0x2ed: {  	v19 =	vsel vm2, v19, v20;
	v23 =	vmul.f32 v24, v23;
	v21 =	vmul.f32 $1.000000000e+03, v21  }
0x2ee: {  	v24 =	vadd.s32 s13, v19;
	v19 =	vor.u32 s13, v20  }
0x2ef: {  	v19 =	vor.u32 $0x300, v19;
	v20 =	vadd.f32 v21, v23  }
0x2f0: {  	v21 =	vadd.s32 v12, v22  }
0x2f1: {  	[tilespmem:s11+$0xFFFFFFD0] =	vst v20  }
0x2f2: {  	v20 =	vld [tilespmem:s12+$0xFFFFFFE0];
	_ =	sdelay $0x2  }
0x2f3: {  	v21 =	vld.idx.msk [tilespmem:v21+s2+$0x0], $0xffff;
	_ =	sdelay $0x1  }
0x2f4: {  	v20 =	vcvt.s32.f32 v20;
	_ =	sdelay $0x1  }
0x2f5: {  	v22 =	vadd.f32 $-1.000000000e+00, v20;
	_ =	sdelay $0x1  }
0x2f6: {  	v20 =	vmul.f32 v20, v21;
	v21 =	vmul.f32 $1.000000000e+03, v22;
	_ =	sdelay $0x1  }
0x2f7: {  	v20 =	vadd.f32 v21, v20;
	v21 =	vadd.s32 s13, v25  }
0x2f8: {  	v21 =	vadd.s32 v13, v21  }
0x2f9: {  	[tilespmem:s11+$0xFFFFFFE0] =	vst v20  }
0x2fa: {  	v20 =	vld [tilespmem:s12+$0xFFFFFFF0];
	_ =	sdelay $0x2  }
0x2fb: {  	v21 =	vld.idx.msk [tilespmem:v21+s2+$0x0], $0xffff;
	_ =	sdelay $0x1  }
0x2fc: {  	v20 =	vcvt.s32.f32 v20;
	_ =	sdelay $0x1  }
0x2fd: {  	v22 =	vadd.f32 $-1.000000000e+00, v20;
	_ =	sdelay $0x1  }
0x2fe: {  	v20 =	vmul.f32 v20, v21;
	v21 =	vmul.f32 $1.000000000e+03, v22;
	_ =	sdelay $0x1  }
0x2ff: {  	v20 =	vadd.f32 v21, v20  }
0x300: {  	v21 =	vadd.s32 v14, v26  }
0x301: {  	[tilespmem:s11+$0xFFFFFFF0] =	vst v20  }
0x302: {  	v20 =	vld [tilespmem:s12+$0x0];
	_ =	sdelay $0x2  }
0x303: {  	v21 =	vld.idx.msk [tilespmem:v21+s2+$0x0], $0xffff;
	_ =	sdelay $0x1  }
0x304: {  	v20 =	vcvt.s32.f32 v20;
	_ =	sdelay $0x1  }
0x305: {  	v22 =	vadd.f32 $-1.000000000e+00, v20;
	_ =	sdelay $0x1  }
0x306: {  	v20 =	vmul.f32 v20, v21;
	v21 =	vmul.f32 $1.000000000e+03, v22;
	_ =	sdelay $0x1  }
0x307: {  	v20 =	vadd.f32 v21, v20  }
0x308: {  	v21 =	vadd.s32 v15, v27  }
0x309: {  	[tilespmem:s11+$0x0] =	vst v20  }
0x30a: {  	v20 =	vld [tilespmem:s12+$0x10];
	_ =	sdelay $0x2  }
0x30b: {  	v21 =	vld.idx.msk [tilespmem:v21+s2+$0x0], $0xffff;
	_ =	sdelay $0x1  }
0x30c: {  	v20 =	vcvt.s32.f32 v20;
	_ =	sdelay $0x1  }
0x30d: {  	v22 =	vadd.f32 $-1.000000000e+00, v20;
	_ =	sdelay $0x1  }
0x30e: {  	v20 =	vmul.f32 v20, v21;
	v21 =	vmul.f32 $1.000000000e+03, v22  }
0x30f: {  	v22 =	vadd.s32 v16, v24  }
0x310: {  	v20 =	vadd.f32 v21, v20;
	_ =	sdelay $0x1  }
0x311: {  	[tilespmem:s11+$0x10] =	vst v20  }
0x312: {  	v20 =	vld [tilespmem:s12+$0x20]  }
0x313: {  	v21 =	vld.idx.msk [tilespmem:v22+s2+$0x0], $0xffff;
	_ =	sdelay $0x3  }
0x314: {  	v20 =	vcvt.s32.f32 v20;
	_ =	sdelay $0x1  }
0x315: {  	v22 =	vadd.f32 $-1.000000000e+00, v20;
	_ =	sdelay $0x1  }
0x316: {  	v20 =	vmul.f32 v20, v21;
	v21 =	vmul.f32 $1.000000000e+03, v22  }
0x317: {  	v22 =	vadd.s32 v17, v19  }
0x318: {  	v20 =	vadd.f32 v21, v20;
	_ =	sdelay $0x1  }
0x319: {  	[tilespmem:s11+$0x20] =	vst v20  }
0x31a: {  	v20 =	vld [tilespmem:s12+$0x30]  }
0x31b: {  	v21 =	vld.idx.msk [tilespmem:v22+s2+$0x0], $0xffff;
	_ =	sdelay $0x3  }
0x31c: {  	v20 =	vcvt.s32.f32 v20;
	_ =	sdelay $0x1  }
0x31d: {  	v22 =	vadd.f32 $-1.000000000e+00, v20;
	_ =	sdelay $0x1  }
0x31e: {  	v20 =	vmul.f32 v20, v21;
	v21 =	vmul.f32 $1.000000000e+03, v22  }
0x31f: {  	v19 =	vadd.s32 v18, v19  }
0x320: {  	v20 =	vadd.f32 v21, v20;
	_ =	sdelay $0x1  }
0x321: {  	s26 =	sand.u32 $0x3FF0, s10;
	[tilespmem:s11+$0x30] =	vst v20  }
0x322: {  	v20 =	vld [tilespmem:s26+$0x14B80]  }
0x323: {  	v19 =	vld.idx.msk [tilespmem:v19+s2+$0x0], $0xffff;
	_ =	sdelay $0x3  }
0x324: {  	v20 =	vcvt.s32.f32 v20;
	_ =	sdelay $0x1  }
0x325: {  	v21 =	vadd.f32 $-1.000000000e+00, v20  }
.Ltmp7:
0x326: {  	(pc) =	sbr.rel @p0 .LBB2_16-.Ltmp7, $4  }
0x327: {  	v22 =	vmov s25;
	v23 =	vmul.f32 v20, v19;
	v24 =	vmul.f32 $1.000000000e+03, v21  }
0x328: {  	v19 =	vor.u32 $0x1, v22;
	v20 =	vor.u32 $0x2, v22;
	v21 =	vor.u32 $0x3, v22  }
0x329: {  	v23 =	vadd.f32 v24, v23  }
0x32a: {  	s15 =	smov.u32 s14;
	s12 =	sadd.s32 $0x90, s12;
	s11 =	sadd.s32 $0x90, s11  }
0x32b: {  	_ =	sdelay $0x2  }
0x32c: {  	[tilespmem:s26+$0x1B880] =	vst v23  }
0x32d: {  	v22 =	vld.idx.msk [tilespmem:v22+s21+$0x0], $0xffff;
	_ =	sdelay $0x4  }
0x32e: {  	v22 =	vmul.u32 $0x6E, v22;
	_ =	sdelay $0x1  }
0x32f: {  	s13 =	sadd.s32 $0x400, s13;
	v22 =	vand.u32 $0x7E, v22  }
0x330: {  	v46 =	vor.u32 s13, v22  }
0x331: {  	v24 =	vadd.s32 v10, v46  }
0x332: {  	v25 =	vld [tilespmem:s12+$0xFFFFFFC0];
	_ =	sdelay $0x3  }
0x333: {  	v24 =	vld.idx.msk [tilespmem:v24+s2+$0x0], $0xffff  }
0x334: {  	v25 =	vcvt.s32.f32 v25;
	_ =	sdelay $0x1  }
0x335: {  	v26 =	vadd.f32 $-1.000000000e+00, v25;
	_ =	sdelay $0x1  }
0x336: {  	v47 =	vmul.f32 $1.000000000e+03, v26;
	v24 =	vmul.f32 v25, v24;
	_ =	sdelay $0x1  }
0x337: {  	v21 =	vld.idx.msk [tilespmem:v21+s21+$0x0], $0xffff;
	v24 =	vadd.f32 v47, v24  }
0x338: {  	v20 =	vld.idx.msk [tilespmem:v20+s21+$0x0], $0xffff  }
0x339: {  	v19 =	vld.idx.msk [tilespmem:v19+s21+$0x0], $0xffff;
	v23 =	vadd.s32 v11, v46;
	[tilespmem:s11+$0xFFFFFFC0] =	vst v24  }
0x33a: {  	v24 =	vld [tilespmem:s12+$0xFFFFFFD0];
	_ =	sdelay $0x3  }
0x33b: {  	v23 =	vld.idx.msk [tilespmem:v23+s2+$0x0], $0xffff  }
0x33c: {  	v24 =	vcvt.s32.f32 v24;
	_ =	sdelay $0x1  }
0x33d: {  	v48 =	vadd.f32 $-1.000000000e+00, v24  }
0x33e: {  	v19 =	vmul.u32 $0x6E, v19  }
0x33f: {  	v23 =	vmul.f32 v24, v23;
	v49 =	vmul.f32 $1.000000000e+03, v48  }
0x340: {  	v19 =	vand.u32 $0x7E, v19  }
0x341: {  	v22 =	vsel vm1, v22, v19;
	v23 =	vadd.f32 v49, v23  }
0x342: {  	v22 =	vadd.s32 s13, v22  }
0x343: {  	v22 =	vadd.s32 v12, v22;
	[tilespmem:s11+$0xFFFFFFD0] =	vst v23  }
0x344: {  	v23 =	vld [tilespmem:s12+$0xFFFFFFE0];
	_ =	sdelay $0x3  }
0x345: {  	v22 =	vld.idx.msk [tilespmem:v22+s2+$0x0], $0xffff  }
0x346: {  	v23 =	vcvt.s32.f32 v23;
	_ =	sdelay $0x1  }
0x347: {  	v50 =	vadd.f32 $-1.000000000e+00, v23;
	_ =	sdelay $0x1  }
0x348: {  	v22 =	vmul.f32 v23, v22;
	v51 =	vmul.f32 $1.000000000e+03, v50;
	_ =	sdelay $0x1  }
0x349: {  	v22 =	vadd.f32 v51, v22  }
0x34a: {  	v52 =	vadd.s32 s13, v19  }
0x34b: {  	v23 =	vadd.s32 v13, v52;
	[tilespmem:s11+$0xFFFFFFE0] =	vst v22  }
0x34c: {  	v22 =	vld [tilespmem:s12+$0xFFFFFFF0];
	_ =	sdelay $0x3  }
0x34d: {  	v23 =	vld.idx.msk [tilespmem:v23+s2+$0x0], $0xffff  }
0x34e: {  	v22 =	vcvt.s32.f32 v22;
	_ =	sdelay $0x1  }
0x34f: {  	v53 =	vadd.f32 $-1.000000000e+00, v22  }
0x350: {  	v20 =	vmul.u32 $0x6E, v20  }
0x351: {  	v22 =	vmul.f32 v22, v23;
	v54 =	vmul.f32 $1.000000000e+03, v53  }
0x352: {  	v20 =	vand.u32 $0x7E, v20  }
0x353: {  	v19 =	vsel vm0, v19, v20;
	v22 =	vadd.f32 v54, v22  }
0x354: {  	v19 =	vadd.s32 s13, v19  }
0x355: {  	v19 =	vadd.s32 v14, v19;
	[tilespmem:s11+$0xFFFFFFF0] =	vst v22  }
0x356: {  	v22 =	vld [tilespmem:s12+$0x0];
	_ =	sdelay $0x3  }
0x357: {  	v19 =	vld.idx.msk [tilespmem:v19+s2+$0x0], $0xffff  }
0x358: {  	v22 =	vcvt.s32.f32 v22;
	_ =	sdelay $0x1  }
0x359: {  	v55 =	vadd.f32 $-1.000000000e+00, v22;
	_ =	sdelay $0x1  }
0x35a: {  	v19 =	vmul.f32 v22, v19;
	v56 =	vmul.f32 $1.000000000e+03, v55;
	_ =	sdelay $0x1  }
0x35b: {  	v19 =	vadd.f32 v56, v19  }
0x35c: {  	v57 =	vadd.s32 s13, v20  }
0x35d: {  	v22 =	vadd.s32 v15, v57;
	[tilespmem:s11+$0x0] =	vst v19  }
0x35e: {  	v19 =	vld [tilespmem:s12+$0x10];
	_ =	sdelay $0x3  }
0x35f: {  	v22 =	vld.idx.msk [tilespmem:v22+s2+$0x0], $0xffff  }
0x360: {  	v19 =	vcvt.s32.f32 v19;
	_ =	sdelay $0x1  }
0x361: {  	v58 =	vadd.f32 $-1.000000000e+00, v19  }
0x362: {  	v21 =	vmul.u32 $0x6E, v21  }
0x363: {  	v19 =	vmul.f32 v19, v22;
	v59 =	vmul.f32 $1.000000000e+03, v58  }
0x364: {  	v21 =	vand.u32 $0x7E, v21  }
0x365: {  	v20 =	vsel vm2, v20, v21;
	v19 =	vadd.f32 v59, v19  }
0x366: {  	v20 =	vadd.s32 s13, v20  }
0x367: {  	v20 =	vadd.s32 v16, v20;
	[tilespmem:s11+$0x10] =	vst v19  }
0x368: {  	v19 =	vld [tilespmem:s12+$0x20];
	_ =	sdelay $0x3  }
0x369: {  	v20 =	vld.idx.msk [tilespmem:v20+s2+$0x0], $0xffff  }
0x36a: {  	v19 =	vcvt.s32.f32 v19;
	_ =	sdelay $0x1  }
0x36b: {  	v60 =	vadd.f32 $-1.000000000e+00, v19;
	_ =	sdelay $0x1  }
0x36c: {  	v19 =	vmul.f32 v19, v20;
	v20 =	vmul.f32 $1.000000000e+03, v60;
	_ =	sdelay $0x1  }
0x36d: {  	v21 =	vor.u32 s13, v21;
	v19 =	vadd.f32 v20, v19  }
0x36e: {  	v20 =	vor.u32 $0x300, v21  }
0x36f: {  	v21 =	vadd.s32 v17, v20;
	[tilespmem:s11+$0x20] =	vst v19  }
0x370: {  	v19 =	vld [tilespmem:s12+$0x30];
	_ =	sdelay $0x3  }
0x371: {  	v21 =	vld.idx.msk [tilespmem:v21+s2+$0x0], $0xffff  }
0x372: {  	v19 =	vcvt.s32.f32 v19;
	_ =	sdelay $0x1  }
0x373: {  	v61 =	vadd.f32 $-1.000000000e+00, v19;
	_ =	sdelay $0x1  }
0x374: {  	v19 =	vmul.f32 v19, v21;
	v62 =	vmul.f32 $1.000000000e+03, v61;
	_ =	sdelay $0x1  }
0x375: {  	v19 =	vadd.f32 v62, v19  }
0x376: {  	s10 =	sadd.s32 $0x90, s10  }
0x377: {  	s10 =	sand.u32 $0x3FF0, s10;
	v20 =	vadd.s32 v18, v20;
	[tilespmem:s11+$0x30] =	vst v19  }
0x378: {  	v19 =	vld [tilespmem:s10+$0x14B80];
	_ =	sdelay $0x3  }
0x379: {  	v20 =	vld.idx.msk [tilespmem:v20+s2+$0x0], $0xffff  }
0x37a: {  	v19 =	vcvt.s32.f32 v19;
	_ =	sdelay $0x1  }
0x37b: {  	v63 =	vadd.f32 $-1.000000000e+00, v19;
	_ =	sdelay $0x1  }
0x37c: {  	v19 =	vmul.f32 v19, v20;
	v20 =	vmul.f32 $1.000000000e+03, v63;
	_ =	sdelay $0x1  }
0x37d: {  	v19 =	vadd.f32 v20, v19;
	_ =	sdelay $0x1  }
0x37e: {  	[tilespmem:s10+$0x1B880] =	vst v19  }
0x37f: {  	[hbm4b:s16+s2] =	stream.linear.scatter [tilespmem:s5], [sflag:$0x2], $0x100, $0x38;
	[tilespmem:$0x1DE00] =	vst v63  }
0x380: {  	_ =	swait.ge [sflag:s22], $0x100  }
0x381: {  	[sflag:s22] =	ssyncset.done $0x0  }
0x382: {  	[sflag:s22] =	ssyncadd.s32 $0xFFFFFF00  }
0x383: {  	[hbm4b:s17+s2] =	stream.linear.scatter [tilespmem:s6], [sflag:$0x2], $0x4800, $0x38;
	[tilespmem:$0x1DE00] =	vst v63  }
0x384: {  	_ =	swait.ge [sflag:s22], $0x4800  }
0x385: {  	[sflag:s22] =	ssyncset.done $0x0  }
0x386: {  	[sflag:s22] =	ssyncadd.s32 $0xFFFFB800  }
0x387: {  	[hbm4b:s18+s2] =	stream.linear.scatter [tilespmem:s7], [sflag:$0x2], $0x2400, $0x38;
	[tilespmem:$0x1DE00] =	vst v63  }
0x388: {  	s9 =	sadd.s32 $0x1, s9;
	_ =	swait.ge [sflag:s22], $0x2400  }
0x389: {  	p0 =	sne.s32 s9, s20;
	[sflag:s22] =	ssyncset.done $0x0  }
.Ltmp8:
0x38a: {  	[sflag:s22] =	ssyncadd.s32 $0xFFFFDC00;
	(pc) =	sbr.rel @p0 .LBB2_1-.Ltmp8, $4  }
0x38b: {  	[hbm4b:s19+s2] =	stream.linear.scatter [tilespmem:s8], [sflag:$0x2], $0x100, $0x38;
	[tilespmem:$0x1DE00] =	vst v63  }
0x38c: {  	_ =	swait.ge [sflag:s22], $0x100  }
0x38d: {  	[sflag:s22] =	ssyncset.done $0x0  }
0x38e: {  	[sflag:s22] =	ssyncadd.s32 $0xFFFFFF00  }
0x38f: {  	_ =	sfence.sel $0x180000  }
0x390: {  	[bflag:$0x0] =	sbarrier.arrive $0xFFFF  }
0x391: {  	_ =	strace $0x90000047  }
0x392: {  	s0 =	stileid.u32;
	[bflag:$0x2] =	sbarrier.arrive $0xFFFF  }
0x393: {  	p0 =	sne.s32 s0, $0x0;
	s0 =	rddreg [dreg:$0x9]  }
0x394: {  	s0 =	sadd.s32 @!p0 $0x100000, s0  }
0x395: {  	[sflag:s0] =	ssyncadd.tile.s32 @!p0 $0x1;
	_ =	shalt  }
.Lfunc_end2:
_tile_overlayer_lowered:
.L_overlay_start_2:
0x396: {  	(tag) =	ssettag $0x2  }
0x397: {  	s0 =	rddreg [dreg:$0x0];
	s2 =	stileid.u32  }
0x398: {  	s1 =	rddreg [dreg:$0x1];
	p0 =	sne.s32 s2, $0x0  }
0x399: {  	s3 =	rddreg [dreg:$0x2];
	[bflag:$0x3] =	sbarrier.arrive $0xFFFF;
	s2 =	simm.s32 @!p0 $0x1C02  }
0x39a: {  	[timem:s3], [sflag:s2] =	dma.local @!p0 [hbm:s0], s1  }
0x39b: {  	s0 =	simm.s32 @!p0 $0x2  }
0x39c: {  	_ =	swait.ge @!p0 [sflag:s0], s1  }
0x39d: {  	s1 =	ssub.s32 @!p0 $0x0, s1;
	[sflag:s0] =	ssyncset.done @!p0 $0x0  }
0x39e: {  	[sflag:s0] =	ssyncadd.s32 @!p0 s1  }
0x39f: {  	[bflag:$0x3] =	sbarrier.arrive $0xFFFF  }
0x3a0: {  	_ =	shalt  }

</sc_bundles>
